<compile_context>
chip_gen: v7x
topology: tpu7x:2x2x1
jax: 0.10.2.dev20260603
libtpu: 0.0.44.dev20260713+nightly
codegen_flags: <defaults>
</compile_context>

<pallas_src>
import functools

import jax
import jax.numpy as jnp
from jax import lax
from jax.experimental import pallas as pl
from jax.experimental.pallas import tpu as pltpu
from jax.experimental.pallas import tpu_sc as plsc

H = 128
N = 10000
E = 320000
NG = 64
NLAYER = 3






def _mm_in_body(x_ref, w_ref, b_ref, o_ref):
    o_ref[...] = jnp.dot(x_ref[...], w_ref[...],
                         preferred_element_type=jnp.float32) + b_ref[...]


def _mm_in(x, w, b):
    return pl.pallas_call(
        _mm_in_body,
        out_shape=jax.ShapeDtypeStruct((N, H), jnp.float32),
    )(x, w, b)


def _norm_relu_body(y_ref, m_ref, s_ref, g_ref, b_ref, o_ref):
    o_ref[...] = jnp.maximum(
        (y_ref[...] - m_ref[...]) / s_ref[...] * g_ref[...] + b_ref[...], 0.0)


def _norm_relu(y, m, s, g, b):
    return pl.pallas_call(
        _norm_relu_body,
        out_shape=jax.ShapeDtypeStruct((N, H), jnp.float32),
    )(y, m, s, g, b)


def _zw1_body(h_ref, a0_ref, a1_ref, sc_ref, w_ref, b_ref, o_ref):
    z = sc_ref[...] * h_ref[...] + (a0_ref[...] + a1_ref[...])
    o_ref[...] = jnp.dot(z, w_ref[...],
                         preferred_element_type=jnp.float32) + b_ref[...]


def _zw1(h, aggr, scale, w, b):
    return pl.pallas_call(
        _zw1_body,
        out_shape=jax.ShapeDtypeStruct((N, H), jnp.float32),
    )(h, aggr[0], aggr[1], scale, w, b)


def _nw2_body(y_ref, m_ref, s_ref, g_ref, bb_ref, w_ref, b_ref, o_ref):
    z = jnp.maximum(
        (y_ref[...] - m_ref[...]) / s_ref[...] * g_ref[...] + bb_ref[...], 0.0)
    o_ref[...] = jnp.dot(z, w_ref[...],
                         preferred_element_type=jnp.float32) + b_ref[...]


def _nw2(y, m, s, g, bb, w, b):
    return pl.pallas_call(
        _nw2_body,
        out_shape=jax.ShapeDtypeStruct((N, H), jnp.float32),
    )(y, m, s, g, bb, w, b)


def _lnres_body(y_ref, lm_ref, ls_ref, g_ref, b_ref, h_ref, o_ref):
    z = (y_ref[...] - lm_ref[...]) / ls_ref[...] * g_ref[...] + b_ref[...]
    o_ref[...] = jnp.maximum(z + h_ref[...], 0.0)


def _lnres(y, lm, ls, g, b, h):
    return pl.pallas_call(
        _lnres_body,
        out_shape=jax.ShapeDtypeStruct((N, H), jnp.float32),
    )(y, lm, ls, g, b, h)



_BE = 4000


def _edget_body(ea_ref, ew_ref, eb_ref, w0_ref, b0_ref, w1_ref, b1_ref,
                w2_ref, b2_ref, t0_ref, t1_ref, t2_ref):
    ea = jnp.dot(ea_ref[...], ew_ref[...], preferred_element_type=jnp.float32)
    ea = jnp.maximum(ea + eb_ref[...], 0.0)
    t0_ref[...] = jnp.dot(ea, w0_ref[...], preferred_element_type=jnp.float32) + b0_ref[...]
    t1_ref[...] = jnp.dot(ea, w1_ref[...], preferred_element_type=jnp.float32) + b1_ref[...]
    t2_ref[...] = jnp.dot(ea, w2_ref[...], preferred_element_type=jnp.float32) + b2_ref[...]


def _edge_t(edge_attr, ew, eb, ws, bs):
    grid = (E // _BE,)
    de = edge_attr.shape[1]
    wspec = pl.BlockSpec((de, H), lambda i: (0, 0))
    mspec = pl.BlockSpec((H, H), lambda i: (0, 0))
    bspec = pl.BlockSpec((1, H), lambda i: (0, 0))
    ospec = pl.BlockSpec((_BE, H), lambda i: (i, 0))
    return pl.pallas_call(
        _edget_body,
        grid=grid,
        in_specs=[pl.BlockSpec((_BE, de), lambda i: (i, 0)), wspec, bspec,
                  mspec, bspec, mspec, bspec, mspec, bspec],
        out_specs=[ospec, ospec, ospec],
        out_shape=[jax.ShapeDtypeStruct((E, H), jnp.float32)] * 3,
    )(edge_attr, ew, eb, ws[0], bs[0], ws[1], bs[1], ws[2], bs[2])



_NW = 32
_EPW = E // _NW
_KC = 80
_NCHUNK = _EPW // _KC
_RPT = 624
_RB = 208
_TAIL = N - 16 * _RPT


def _edge_sc_body(h_hbm, t_hbm, src_hbm, dst_hbm, out_hbm,
                  src_v, dst_v, t_v, rows_v, zb_v, sem, aggr_sh):
    c = lax.axis_index("c")
    s = lax.axis_index("s")

    def _zrow(i, carry):
        for c8 in range(8):
            zb_v[i, pl.ds(c8 * 16, 16)] = jnp.zeros((16,), jnp.float32)
        return carry

    lax.fori_loop(0, _RB, _zrow, 0)
    for j in range(_RPT // _RB):
        pltpu.sync_copy(zb_v, aggr_sh.at[pl.ds(s * _RPT + j * _RB, _RB)])

    @pl.when(s == 0)
    def _zero_tail():
        pltpu.sync_copy(zb_v.at[pl.ds(0, _TAIL)],
                        aggr_sh.at[pl.ds(16 * _RPT, _TAIL)])

    plsc.subcore_barrier()

    base0 = (c * 16 + s) * _EPW

    def _chunk(i, carry):
        base = base0 + i * _KC
        pltpu.sync_copy(src_hbm.at[pl.ds(base, _KC)], src_v)
        pltpu.sync_copy(dst_hbm.at[pl.ds(base, _KC)], dst_v)
        pltpu.sync_copy(t_hbm.at[pl.ds(base, _KC)], t_v)
        pltpu.async_copy(h_hbm.at[src_v], rows_v, sem).wait()

        def _row(r, rc):
            for c8 in range(8):
                sl = pl.ds(c8 * 16, 16)
                rows_v[r, sl] = jnp.maximum(rows_v[r, sl] + t_v[r, sl], 0.0)
            return rc

        lax.fori_loop(0, _KC, _row, 0)
        pltpu.sync_copy(rows_v, aggr_sh.at[dst_v], add=True)
        return carry

    lax.fori_loop(0, _NCHUNK, _chunk, 0)
    plsc.subcore_barrier()

    for j in range(_RPT // _RB):
        r0 = s * _RPT + j * _RB
        pltpu.sync_copy(aggr_sh.at[pl.ds(r0, _RB)], zb_v)
        pltpu.sync_copy(zb_v, out_hbm.at[c, pl.ds(r0, _RB)])

    @pl.when(s == 0)
    def _out_tail():
        pltpu.sync_copy(aggr_sh.at[pl.ds(16 * _RPT, _TAIL)],
                        zb_v.at[pl.ds(0, _TAIL)])
        pltpu.sync_copy(zb_v.at[pl.ds(0, _TAIL)],
                        out_hbm.at[c, pl.ds(16 * _RPT, _TAIL)])


def _edge_pass(h, t, src, dst):
    mesh = plsc.VectorSubcoreMesh(core_axis_name="c", subcore_axis_name="s",
                                  num_cores=2, num_subcores=16)
    f = pl.kernel(
        _edge_sc_body,
        out_type=jax.ShapeDtypeStruct((2, N, H), jnp.float32),
        mesh=mesh,
        scratch_types=[
            pltpu.VMEM((_KC,), jnp.int32),
            pltpu.VMEM((_KC,), jnp.int32),
            pltpu.VMEM((_KC, H), jnp.float32),
            pltpu.VMEM((_KC, H), jnp.float32),
            pltpu.VMEM((_RB, H), jnp.float32),
            pltpu.SemaphoreType.DMA,
            pltpu.VMEM_SHARED((N, H), jnp.float32),
        ],
    )
    return f(h, t, src, dst)





def _readout_body(h1_ref, h2_ref, h3_ref, bf_ref, gf_ref,
                  jw1_ref, jb1_ref, jw2t_ref, jb2_ref,
                  wa_ref, wb_ref, wc_ref, wd_ref, b1_ref,
                  o_ref, mx_ref):
    hs = (h1_ref[...], h2_ref[...], h3_ref[...])
    scores = []
    for h in hs:
        t = jnp.dot(h, jw1_ref[...], preferred_element_type=jnp.float32)
        t = jnp.maximum(t + jb1_ref[...], 0.0)
        sc = jnp.dot(t, jw2t_ref[...], preferred_element_type=jnp.float32)
        scores.append(sc + jb2_ref[...])
    msc = jnp.maximum(jnp.maximum(scores[0], scores[1]), scores[2])
    e0 = jnp.exp(scores[0] - msc)
    e1 = jnp.exp(scores[1] - msc)
    e2 = jnp.exp(scores[2] - msc)
    inv = 1.0 / (e0 + e1 + e2)
    xf = (e0 * hs[0] + e1 * hs[1] + e2 * hs[2]) * inv

    bf = bf_ref[...]
    gids = lax.broadcasted_iota(jnp.int32, (1, NG), 1)
    mask = jnp.where(bf == gids, 1.0, 0.0)
    dn = (((0,), (0,)), ((), ()))
    ssum = lax.dot_general(mask, xf, dn, preferred_element_type=jnp.float32,
                           precision=lax.Precision.HIGHEST)
    ones = jnp.ones_like(xf)
    cnt = lax.dot_general(mask, ones, dn, preferred_element_type=jnp.float32,
                          precision=lax.Precision.HIGHEST)

    def _mx(g, carry):
        w = jnp.where(bf == g, xf, -1e30)
        mx_ref[pl.ds(g, 1), :] = jnp.max(w, axis=0, keepdims=True)
        return carry

    lax.fori_loop(0, NG, _mx, 0)
    mx = jnp.where(cnt > 0.0, mx_ref[...], 0.0)
    mean = ssum / jnp.maximum(cnt, 1.0)

    pre = jnp.dot(mean, wa_ref[...], preferred_element_type=jnp.float32)
    pre = pre + jnp.dot(mx, wb_ref[...], preferred_element_type=jnp.float32)
    pre = pre + jnp.dot(ssum, wc_ref[...], preferred_element_type=jnp.float32)
    pre = pre + jnp.dot(gf_ref[...], wd_ref[...], preferred_element_type=jnp.float32)
    o_ref[...] = pre + b1_ref[...]


def _readout(h1, h2, h3, bf, gf, jw1, jb1, jw2t, jb2, wa, wb, wc, wd, b1):
    return pl.pallas_call(
        _readout_body,
        out_shape=jax.ShapeDtypeStruct((NG, H), jnp.float32),
        scratch_shapes=[pltpu.VMEM((NG, H), jnp.float32)],
    )(h1, h2, h3, bf, gf, jw1, jb1, jw2t, jb2, wa, wb, wc, wd, b1)


def _head_body(p_ref, m_ref, s_ref, g_ref, b_ref, w_ref, b2_ref, o_ref):
    z = jnp.maximum(
        (p_ref[...] - m_ref[...]) / s_ref[...] * g_ref[...] + b_ref[...], 0.0)
    o_ref[...] = jnp.dot(z, w_ref[...],
                         preferred_element_type=jnp.float32) + b2_ref[...]


def _head(pre, m, s, g, b, w2t, b2):
    return pl.pallas_call(
        _head_body,
        out_shape=jax.ShapeDtypeStruct((NG, H), jnp.float32),
    )(pre, m, s, g, b, w2t, b2)




def _row(v):
    return v.reshape(1, -1).astype(jnp.float32)


def kernel(x, edge_index, edge_attr, batch, graph_features, params):
    p = params
    src = edge_index[0]
    dst = edge_index[1]

    y0 = _mm_in(x, p['in_w'], _row(p['in_b']))
    s0 = jnp.sqrt(y0.var(axis=0) + 1e-5)
    h = _norm_relu(y0, _row(y0.mean(axis=0)), _row(s0),
                   _row(p['in_bn_g']), _row(p['in_bn_b']))

    ws = [bp['elin_w'] for bp in p['blocks']]
    bs = [_row(bp['elin_b']) for bp in p['blocks']]
    ts = _edge_t(edge_attr, p['e_w'], _row(p['e_b']), ws, bs)

    outs = []
    for l, bp in enumerate(p['blocks']):
        aggr = _edge_pass(h, ts[l], src, dst)
        scale = jnp.full((1, 1), 1.0, jnp.float32) + bp['eps']
        y1 = _zw1(h, aggr, scale, bp['w1'], _row(bp['b1']))
        s1 = jnp.sqrt(y1.var(axis=0) + 1e-5)
        y2 = _nw2(y1, _row(y1.mean(axis=0)), _row(s1),
                  _row(bp['bn_g']), _row(bp['bn_b']), bp['w2'], _row(bp['b2']))
        lm = y2.mean(axis=-1, keepdims=True)
        ls = jnp.sqrt(y2.var(axis=-1, keepdims=True) + 1e-5)
        h = _lnres(y2, lm, ls, _row(bp['ln_g']), _row(bp['ln_b']), h)
        outs.append(h)

    bf = batch.astype(jnp.int32).reshape(N, 1)
    gf = graph_features @ p['gf_w'] + p['gf_b']

    wa = p['cls_w1'][0:H]
    wb = p['cls_w1'][H:2 * H]
    wc = p['cls_w1'][2 * H:3 * H]
    wd = p['cls_w1'][3 * H:]

    jw2t = jnp.tile(p['jk_w2'], (1, H))
    w2t = jnp.tile(p['cls_w2'], (1, H))

    pre = _readout(outs[0], outs[1], outs[2], bf, gf,
                   p['jk_w1'], _row(p['jk_b1']), jw2t,
                   jnp.full((1, 1), 1.0, jnp.float32) * p['jk_b2'],
                   wa, wb, wc, wd, _row(p['cls_b1']))
    sb = jnp.sqrt(pre.var(axis=0) + 1e-5)
    out = _head(pre, _row(pre.mean(axis=0)), _row(sb),
                _row(p['cls_bn_g']), _row(p['cls_bn_b']), w2t,
                jnp.full((1, 1), 1.0, jnp.float32) * p['cls_b2'])
    return out[:, 0]

# --- scband reference (transcript-rebuilt; emitter-appended) ---
"""Pipeline reference for scband-provenance-gnnv4-28879360098528 (READ-ONLY COPY).

The authoritative reference and input builder live on the scoring server;
editing this copy changes nothing except your own understanding.
"""

import jax, jax.numpy as jnp
import numpy as np

H = 128
DIN = 128
DE = 16
NG = 64
NSYS = 10
NUM_LAYERS = 3


def _bn(h, g, b):
    m = h.mean(axis=0)
    v = h.var(axis=0)
    return (h - m) / jnp.sqrt(v + 1e-5) * g + b


def _ln(h, g, b):
    m = h.mean(axis=-1, keepdims=True)
    v = h.var(axis=-1, keepdims=True)
    return (h - m) / jnp.sqrt(v + 1e-5) * g + b


def _make_params(key):
    ks = iter(jax.random.split(key, 64))
    def mk(shape):
        return jax.random.normal(next(ks), shape, dtype=jnp.float32) * 0.05
    p = {
        'in_w': mk((DIN, H)), 'in_b': mk((H,)),
        'in_bn_g': jnp.ones((H,), jnp.float32), 'in_bn_b': jnp.zeros((H,), jnp.float32),
        'e_w': mk((DE, H)), 'e_b': mk((H,)),
        'jk_w1': mk((H, H // 2)), 'jk_b1': mk((H // 2,)),
        'jk_w2': mk((H // 2, 1)), 'jk_b2': mk((1,)),
        'gf_w': mk((NSYS, H // 4)), 'gf_b': mk((H // 4,)),
        'cls_w1': mk((H * 3 + H // 4, H)), 'cls_b1': mk((H,)),
        'cls_bn_g': jnp.ones((H,), jnp.float32), 'cls_bn_b': jnp.zeros((H,), jnp.float32),
        'cls_w2': mk((H, 1)), 'cls_b2': mk((1,)),
        'blocks': [],
    }
    for _ in range(NUM_LAYERS):
        p['blocks'].append({
            'elin_w': mk((H, H)), 'elin_b': mk((H,)), 'eps': jnp.zeros((), jnp.float32),
            'w1': mk((H, H)), 'b1': mk((H,)),
            'bn_g': jnp.ones((H,), jnp.float32), 'bn_b': jnp.zeros((H,), jnp.float32),
            'w2': mk((H, H)), 'b2': mk((H,)),
            'ln_g': jnp.ones((H,), jnp.float32), 'ln_b': jnp.zeros((H,), jnp.float32),
        })
    return p


def setup_inputs(seed: int = 0):
    key = jax.random.key(seed)
    k = jax.random.split(key, 8)
    N, E = 10000, 320000
    x = jax.random.normal(k[0], (N, DIN), dtype=jnp.float32)
    edge_index = jax.random.randint(k[1], (2, E), 0, N, dtype=jnp.int32)
    edge_attr = jax.random.normal(k[2], (E, DE), dtype=jnp.float32)
    batch = jnp.sort(jax.random.randint(k[3], (N,), 0, NG, dtype=jnp.int32))
    graph_features = jax.random.normal(k[4], (NG, NSYS), dtype=jnp.float32)
    params = _make_params(k[5])
    return {'x': x, 'edge_index': edge_index, 'edge_attr': edge_attr,
            'batch': batch, 'graph_features': graph_features, 'params': params}


def _forward(x, edge_attr, graph_features, params, edge_index, batch):
    src, dst = edge_index[0], edge_index[1]
    # input_proj (dropout = identity in eval)
    h = jax.nn.relu(_bn(x @ params['in_w'] + params['in_b'], params['in_bn_g'], params['in_bn_b']))
    # edge_proj
    ea = jax.nn.relu(edge_attr @ params['e_w'] + params['e_b'])
    outs = []
    for bp in params['blocks']:
        # GINEConv message: ReLU(x_j + lin(edge_attr)), scatter-add to dst
        m = jax.nn.relu(h[src] + ea @ bp['elin_w'] + bp['elin_b'])
        aggr = jnp.zeros_like(h).at[dst].add(m)
        z = (1.0 + bp['eps']) * h + aggr
        # conv mlp: Linear -> BN -> ReLU -> (Dropout) -> Linear
        z = z @ bp['w1'] + bp['b1']
        z = jax.nn.relu(_bn(z, bp['bn_g'], bp['bn_b']))
        z = z @ bp['w2'] + bp['b2']
        z = _ln(z, bp['ln_g'], bp['ln_b'])
        h = jax.nn.relu(z + h)  # residual is Identity (in==out)
        outs.append(h)
    stack = jnp.stack(outs, axis=1)  # [N, L, H]
    a = jax.nn.relu(stack @ params['jk_w1'] + params['jk_b1']) @ params['jk_w2'] + params['jk_b2']
    a = jax.nn.softmax(a, axis=1)
    xf = (stack * a).sum(axis=1)
    ones = jnp.ones((xf.shape[0],), dtype=xf.dtype)
    cnt = jax.ops.segment_sum(ones, batch, num_segments=NG)
    s = jax.ops.segment_sum(xf, batch, num_segments=NG)
    mean = s / jnp.maximum(cnt, 1.0)[:, None]
    mx = jax.ops.segment_max(xf, batch, num_segments=NG)
    mx = jnp.where(jnp.isfinite(mx), mx, 0.0)
    ge = jnp.concatenate([mean, mx, s], axis=-1)
    gf = graph_features @ params['gf_w'] + params['gf_b']
    ge = jnp.concatenate([ge, gf], axis=-1)
    out = ge @ params['cls_w1'] + params['cls_b1']
    out = jax.nn.relu(_bn(out, params['cls_bn_g'], params['cls_bn_b']))
    out = out @ params['cls_w2'] + params['cls_b2']
    return out.squeeze(-1)


def reference(x, edge_index, edge_attr, batch, graph_features, params):
    return _forward(x, edge_attr, graph_features, params, edge_index, batch)

if __name__ == "__main__":
    import jax
    _d = setup_inputs()
    print(jax.jit(kernel)(*tuple(_d.values())))

</pallas_src>

<mosaic_0001>
#map = affine_map<(d0, d1) -> (0, 0)>
#map1 = affine_map<(d0, d1) -> (0)>
#map2 = affine_map<(d0, d1) -> (0, 0, 0)>
module attributes {stable_mosaic.version = 14 : i64} {
  func.func @_edge_sc_body(%arg0: i32, %arg1: i32, %arg2: memref<10000x128xf32, #tpu.memory_space<hbm>>, %arg3: memref<320000x128xf32, #tpu.memory_space<hbm>>, %arg4: memref<320000xi32, #tpu.memory_space<hbm>>, %arg5: memref<320000xi32, #tpu.memory_space<hbm>>, %arg6: memref<2x10000x128xf32, #tpu.memory_space<hbm>>, %arg7: memref<80xi32, #tpu.memory_space<vmem>>, %arg8: memref<80xi32, #tpu.memory_space<vmem>>, %arg9: memref<80x128xf32, #tpu.memory_space<vmem>>, %arg10: memref<80x128xf32, #tpu.memory_space<vmem>>, %arg11: memref<208x128xf32, #tpu.memory_space<vmem>>, %arg12: memref<!tpu.dma_semaphore, #tpu.memory_space<semaphore_mem>>, %arg13: memref<10000x128xf32, #tpu.memory_space<vmem_shared>>) attributes {dimension_semantics = [#tpu.dimension_semantics<core_parallel>, #tpu.dimension_semantics<subcore_parallel>], iteration_bounds = array<i64: 2, 16>, scalar_prefetch = 0 : i64, scratch_operands = 7 : i64, tpu.core_type = #tpu.core_type<sc_vector_subcore>, window_params = [{transform_indices = #map}, {transform_indices = #map}, {transform_indices = #map1}, {transform_indices = #map1}, {transform_indices = #map2}]} {
    %scan3A = arith.constant 0 : i32
    %scan3A_0 = arith.constant 0 : i32
    %scan3A_1 = arith.constant 208 : i32
    %scan3A_2 = arith.addi %scan3A_0, %scan3A_1 : i32
    %scan3A_3 = arith.constant 1 : i32
    scf.for %scan3A_46 = %scan3A_0 to %scan3A_2 step %scan3A_3  : i32 {
      %broadcast_in_dim3A = arith.constant 0.000000e+00 : f32
      %broadcast_in_dim3A_47 = vector.broadcast %broadcast_in_dim3A : f32 to vector<16xf32>
      %swap3A = arith.index_cast %scan3A_46 : i32 to index
      %swap3A_48 = arith.constant 0 : index
      %swap3A_49 = tpu.vector_load %arg11[%swap3A, %swap3A_48] {strides = array<i32>} : memref<208x128xf32, #tpu.memory_space<vmem>>, vector<1x16xf32>,
      %swap3A_50 = vector.shape_cast %swap3A_49 : vector<1x16xf32> to vector<16xf32>
      %swap3A_51 = vector.shape_cast %broadcast_in_dim3A_47 : vector<16xf32> to vector<1x16xf32>
      tpu.vector_store %arg11[%swap3A, %swap3A_48], %swap3A_51 {strides = array<i32>} : memref<208x128xf32, #tpu.memory_space<vmem>>, vector<1x16xf32>,
      %broadcast_in_dim3A_52 = arith.constant 0.000000e+00 : f32
      %broadcast_in_dim3A_53 = vector.broadcast %broadcast_in_dim3A_52 : f32 to vector<16xf32>
      %swap3A_54 = arith.index_cast %scan3A_46 : i32 to index
      %swap3A_55 = arith.constant 16 : index
      %swap3A_56 = tpu.vector_load %arg11[%swap3A_54, %swap3A_55] {strides = array<i32>} : memref<208x128xf32, #tpu.memory_space<vmem>>, vector<1x16xf32>,
      %swap3A_57 = vector.shape_cast %swap3A_56 : vector<1x16xf32> to vector<16xf32>
      %swap3A_58 = vector.shape_cast %broadcast_in_dim3A_53 : vector<16xf32> to vector<1x16xf32>
      tpu.vector_store %arg11[%swap3A_54, %swap3A_55], %swap3A_58 {strides = array<i32>} : memref<208x128xf32, #tpu.memory_space<vmem>>, vector<1x16xf32>,
      %broadcast_in_dim3A_59 = arith.constant 0.000000e+00 : f32
      %broadcast_in_dim3A_60 = vector.broadcast %broadcast_in_dim3A_59 : f32 to vector<16xf32>
      %swap3A_61 = arith.index_cast %scan3A_46 : i32 to index
      %swap3A_62 = arith.constant 32 : index
      %swap3A_63 = tpu.vector_load %arg11[%swap3A_61, %swap3A_62] {strides = array<i32>} : memref<208x128xf32, #tpu.memory_space<vmem>>, vector<1x16xf32>,
      %swap3A_64 = vector.shape_cast %swap3A_63 : vector<1x16xf32> to vector<16xf32>
      %swap3A_65 = vector.shape_cast %broadcast_in_dim3A_60 : vector<16xf32> to vector<1x16xf32>
      tpu.vector_store %arg11[%swap3A_61, %swap3A_62], %swap3A_65 {strides = array<i32>} : memref<208x128xf32, #tpu.memory_space<vmem>>, vector<1x16xf32>,
      %broadcast_in_dim3A_66 = arith.constant 0.000000e+00 : f32
      %broadcast_in_dim3A_67 = vector.broadcast %broadcast_in_dim3A_66 : f32 to vector<16xf32>
      %swap3A_68 = arith.index_cast %scan3A_46 : i32 to index
      %swap3A_69 = arith.constant 48 : index
      %swap3A_70 = tpu.vector_load %arg11[%swap3A_68, %swap3A_69] {strides = array<i32>} : memref<208x128xf32, #tpu.memory_space<vmem>>, vector<1x16xf32>,
      %swap3A_71 = vector.shape_cast %swap3A_70 : vector<1x16xf32> to vector<16xf32>
      %swap3A_72 = vector.shape_cast %broadcast_in_dim3A_67 : vector<16xf32> to vector<1x16xf32>
      tpu.vector_store %arg11[%swap3A_68, %swap3A_69], %swap3A_72 {strides = array<i32>} : memref<208x128xf32, #tpu.memory_space<vmem>>, vector<1x16xf32>,
      %broadcast_in_dim3A_73 = arith.constant 0.000000e+00 : f32
      %broadcast_in_dim3A_74 = vector.broadcast %broadcast_in_dim3A_73 : f32 to vector<16xf32>
      %swap3A_75 = arith.index_cast %scan3A_46 : i32 to index
      %swap3A_76 = arith.constant 64 : index
      %swap3A_77 = tpu.vector_load %arg11[%swap3A_75, %swap3A_76] {strides = array<i32>} : memref<208x128xf32, #tpu.memory_space<vmem>>, vector<1x16xf32>,
      %swap3A_78 = vector.shape_cast %swap3A_77 : vector<1x16xf32> to vector<16xf32>
      %swap3A_79 = vector.shape_cast %broadcast_in_dim3A_74 : vector<16xf32> to vector<1x16xf32>
      tpu.vector_store %arg11[%swap3A_75, %swap3A_76], %swap3A_79 {strides = array<i32>} : memref<208x128xf32, #tpu.memory_space<vmem>>, vector<1x16xf32>,
      %broadcast_in_dim3A_80 = arith.constant 0.000000e+00 : f32
      %broadcast_in_dim3A_81 = vector.broadcast %broadcast_in_dim3A_80 : f32 to vector<16xf32>
      %swap3A_82 = arith.index_cast %scan3A_46 : i32 to index
      %swap3A_83 = arith.constant 80 : index
      %swap3A_84 = tpu.vector_load %arg11[%swap3A_82, %swap3A_83] {strides = array<i32>} : memref<208x128xf32, #tpu.memory_space<vmem>>, vector<1x16xf32>,
      %swap3A_85 = vector.shape_cast %swap3A_84 : vector<1x16xf32> to vector<16xf32>
      %swap3A_86 = vector.shape_cast %broadcast_in_dim3A_81 : vector<16xf32> to vector<1x16xf32>
      tpu.vector_store %arg11[%swap3A_82, %swap3A_83], %swap3A_86 {strides = array<i32>} : memref<208x128xf32, #tpu.memory_space<vmem>>, vector<1x16xf32>,
      %broadcast_in_dim3A_87 = arith.constant 0.000000e+00 : f32
      %broadcast_in_dim3A_88 = vector.broadcast %broadcast_in_dim3A_87 : f32 to vector<16xf32>
      %swap3A_89 = arith.index_cast %scan3A_46 : i32 to index
      %swap3A_90 = arith.constant 96 : index
      %swap3A_91 = tpu.vector_load %arg11[%swap3A_89, %swap3A_90] {strides = array<i32>} : memref<208x128xf32, #tpu.memory_space<vmem>>, vector<1x16xf32>,
      %swap3A_92 = vector.shape_cast %swap3A_91 : vector<1x16xf32> to vector<16xf32>
      %swap3A_93 = vector.shape_cast %broadcast_in_dim3A_88 : vector<16xf32> to vector<1x16xf32>
      tpu.vector_store %arg11[%swap3A_89, %swap3A_90], %swap3A_93 {strides = array<i32>} : memref<208x128xf32, #tpu.memory_space<vmem>>, vector<1x16xf32>,
      %broadcast_in_dim3A_94 = arith.constant 0.000000e+00 : f32
      %broadcast_in_dim3A_95 = vector.broadcast %broadcast_in_dim3A_94 : f32 to vector<16xf32>
      %swap3A_96 = arith.index_cast %scan3A_46 : i32 to index
      %swap3A_97 = arith.constant 112 : index
      %swap3A_98 = tpu.vector_load %arg11[%swap3A_96, %swap3A_97] {strides = array<i32>} : memref<208x128xf32, #tpu.memory_space<vmem>>, vector<1x16xf32>,
      %swap3A_99 = vector.shape_cast %swap3A_98 : vector<1x16xf32> to vector<16xf32>
      %swap3A_100 = vector.shape_cast %broadcast_in_dim3A_95 : vector<16xf32> to vector<1x16xf32>
      tpu.vector_store %arg11[%swap3A_96, %swap3A_97], %swap3A_100 {strides = array<i32>} : memref<208x128xf32, #tpu.memory_space<vmem>>, vector<1x16xf32>,
    }
    %scan3A_4 = arith.constant 208 : i32
    %mul3A = arith.constant 624 : i32
    %mul3A_5 = arith.muli %arg1, %mul3A : i32
    %add3A = arith.constant 0 : i32
    %add3A_6 = arith.addi %mul3A_5, %add3A : i32
    "tpu.region"() ({
      %run_scoped3A = tpu.sem_alloc : memref<!tpu.dma_semaphore, #tpu.memory_space<semaphore_mem>>
      %dma_start3A = arith.constant 0 : i32
      %dma_start3A_46 = tpu.memref_slice %arg13[%add3A_6, %dma_start3A] : memref<10000x128xf32, #tpu.memory_space<vmem_shared>> -> memref<208x128xf32, #tpu.memory_space<vmem_shared>>
      %dma_start3A_47 = arith.constant 0 : i32
      %dma_start3A_48 = tpu.memref_slice %arg13[%add3A_6, %dma_start3A_47] : memref<10000x128xf32, #tpu.memory_space<vmem_shared>> -> memref<208x128xf32, #tpu.memory_space<vmem_shared>>
      tpu.enqueue_dma source(%arg11 : memref<208x128xf32, #tpu.memory_space<vmem>>) target(%dma_start3A_48 : memref<208x128xf32, #tpu.memory_space<vmem_shared>>) target_semaphore(%run_scoped3A : memref<!tpu.dma_semaphore, #tpu.memory_space<semaphore_mem>>)
      %dma_wait3A = arith.constant 0 : i32
      %dma_wait3A_49 = tpu.memref_slice %arg13[%add3A_6, %dma_wait3A] : memref<10000x128xf32, #tpu.memory_space<vmem_shared>> -> memref<208x128xf32, #tpu.memory_space<vmem_shared>>
      %dma_wait3A_50 = arith.constant 0 : i32
      %dma_wait3A_51 = tpu.memref_slice %arg13[%add3A_6, %dma_wait3A_50] : memref<10000x128xf32, #tpu.memory_space<vmem_shared>> -> memref<208x128xf32, #tpu.memory_space<vmem_shared>>
      tpu.wait_dma2 semaphore(%run_scoped3A : memref<!tpu.dma_semaphore, #tpu.memory_space<semaphore_mem>>) src(%arg11 : memref<208x128xf32, #tpu.memory_space<vmem>>) dst(%dma_wait3A_51 : memref<208x128xf32, #tpu.memory_space<vmem_shared>>)
      tpu.yield
    }) : () -> ()
    %mul3A_7 = arith.constant 624 : i32
    %mul3A_8 = arith.muli %arg1, %mul3A_7 : i32
    %add3A_9 = arith.constant 208 : i32
    %add3A_10 = arith.addi %mul3A_8, %add3A_9 : i32
    "tpu.region"() ({
      %run_scoped3A = tpu.sem_alloc : memref<!tpu.dma_semaphore, #tpu.memory_space<semaphore_mem>>
      %dma_start3A = arith.constant 0 : i32
      %dma_start3A_46 = tpu.memref_slice %arg13[%add3A_10, %dma_start3A] : memref<10000x128xf32, #tpu.memory_space<vmem_shared>> -> memref<208x128xf32, #tpu.memory_space<vmem_shared>>
      %dma_start3A_47 = arith.constant 0 : i32
      %dma_start3A_48 = tpu.memref_slice %arg13[%add3A_10, %dma_start3A_47] : memref<10000x128xf32, #tpu.memory_space<vmem_shared>> -> memref<208x128xf32, #tpu.memory_space<vmem_shared>>
      tpu.enqueue_dma source(%arg11 : memref<208x128xf32, #tpu.memory_space<vmem>>) target(%dma_start3A_48 : memref<208x128xf32, #tpu.memory_space<vmem_shared>>) target_semaphore(%run_scoped3A : memref<!tpu.dma_semaphore, #tpu.memory_space<semaphore_mem>>)
      %dma_wait3A = arith.constant 0 : i32
      %dma_wait3A_49 = tpu.memref_slice %arg13[%add3A_10, %dma_wait3A] : memref<10000x128xf32, #tpu.memory_space<vmem_shared>> -> memref<208x128xf32, #tpu.memory_space<vmem_shared>>
      %dma_wait3A_50 = arith.constant 0 : i32
      %dma_wait3A_51 = tpu.memref_slice %arg13[%add3A_10, %dma_wait3A_50] : memref<10000x128xf32, #tpu.memory_space<vmem_shared>> -> memref<208x128xf32, #tpu.memory_space<vmem_shared>>
      tpu.wait_dma2 semaphore(%run_scoped3A : memref<!tpu.dma_semaphore, #tpu.memory_space<semaphore_mem>>) src(%arg11 : memref<208x128xf32, #tpu.memory_space<vmem>>) dst(%dma_wait3A_51 : memref<208x128xf32, #tpu.memory_space<vmem_shared>>)
      tpu.yield
    }) : () -> ()
    %mul3A_11 = arith.constant 624 : i32
    %mul3A_12 = arith.muli %arg1, %mul3A_11 : i32
    %add3A_13 = arith.constant 416 : i32
    %add3A_14 = arith.addi %mul3A_12, %add3A_13 : i32
    "tpu.region"() ({
      %run_scoped3A = tpu.sem_alloc : memref<!tpu.dma_semaphore, #tpu.memory_space<semaphore_mem>>
      %dma_start3A = arith.constant 0 : i32
      %dma_start3A_46 = tpu.memref_slice %arg13[%add3A_14, %dma_start3A] : memref<10000x128xf32, #tpu.memory_space<vmem_shared>> -> memref<208x128xf32, #tpu.memory_space<vmem_shared>>
      %dma_start3A_47 = arith.constant 0 : i32
      %dma_start3A_48 = tpu.memref_slice %arg13[%add3A_14, %dma_start3A_47] : memref<10000x128xf32, #tpu.memory_space<vmem_shared>> -> memref<208x128xf32, #tpu.memory_space<vmem_shared>>
      tpu.enqueue_dma source(%arg11 : memref<208x128xf32, #tpu.memory_space<vmem>>) target(%dma_start3A_48 : memref<208x128xf32, #tpu.memory_space<vmem_shared>>) target_semaphore(%run_scoped3A : memref<!tpu.dma_semaphore, #tpu.memory_space<semaphore_mem>>)
      %dma_wait3A = arith.constant 0 : i32
      %dma_wait3A_49 = tpu.memref_slice %arg13[%add3A_14, %dma_wait3A] : memref<10000x128xf32, #tpu.memory_space<vmem_shared>> -> memref<208x128xf32, #tpu.memory_space<vmem_shared>>
      %dma_wait3A_50 = arith.constant 0 : i32
      %dma_wait3A_51 = tpu.memref_slice %arg13[%add3A_14, %dma_wait3A_50] : memref<10000x128xf32, #tpu.memory_space<vmem_shared>> -> memref<208x128xf32, #tpu.memory_space<vmem_shared>>
      tpu.wait_dma2 semaphore(%run_scoped3A : memref<!tpu.dma_semaphore, #tpu.memory_space<semaphore_mem>>) src(%arg11 : memref<208x128xf32, #tpu.memory_space<vmem>>) dst(%dma_wait3A_51 : memref<208x128xf32, #tpu.memory_space<vmem_shared>>)
      tpu.yield
    }) : () -> ()
    %eq3A = arith.constant 0 : i32
    %eq3A_15 = arith.cmpi eq, %arg1, %eq3A : i32
    %convert_element_type3A = arith.extui %eq3A_15 : i1 to i32
    %cond3A = arith.constant 0 : i32
    %cond3A_16 = arith.cmpi ne, %convert_element_type3A, %cond3A : i32
    scf.if %cond3A_16 {
      "tpu.region"() ({
        %run_scoped3A = tpu.sem_alloc : memref<!tpu.dma_semaphore, #tpu.memory_space<semaphore_mem>>
        %dma_start3A = arith.constant 0 : i32
        %dma_start3A_46 = arith.constant 0 : i32
        %dma_start3A_47 = tpu.memref_slice %arg11[%dma_start3A, %dma_start3A_46] : memref<208x128xf32, #tpu.memory_space<vmem>> -> memref<16x128xf32, #tpu.memory_space<vmem>>
        %dma_start3A_48 = arith.constant 9984 : i32
        %dma_start3A_49 = arith.constant 0 : i32
        %dma_start3A_50 = tpu.memref_slice %arg13[%dma_start3A_48, %dma_start3A_49] : memref<10000x128xf32, #tpu.memory_space<vmem_shared>> -> memref<16x128xf32, #tpu.memory_space<vmem_shared>>
        %dma_start3A_51 = arith.constant 9984 : i32
        %dma_start3A_52 = arith.constant 0 : i32
        %dma_start3A_53 = tpu.memref_slice %arg13[%dma_start3A_51, %dma_start3A_52] : memref<10000x128xf32, #tpu.memory_space<vmem_shared>> -> memref<16x128xf32, #tpu.memory_space<vmem_shared>>
        %dma_start3A_54 = arith.constant 0 : i32
        %dma_start3A_55 = arith.constant 0 : i32
        %dma_start3A_56 = tpu.memref_slice %arg11[%dma_start3A_54, %dma_start3A_55] : memref<208x128xf32, #tpu.memory_space<vmem>> -> memref<16x128xf32, #tpu.memory_space<vmem>>
        tpu.enqueue_dma source(%dma_start3A_56 : memref<16x128xf32, #tpu.memory_space<vmem>>) target(%dma_start3A_53 : memref<16x128xf32, #tpu.memory_space<vmem_shared>>) target_semaphore(%run_scoped3A : memref<!tpu.dma_semaphore, #tpu.memory_space<semaphore_mem>>)
        %dma_wait3A = arith.constant 0 : i32
        %dma_wait3A_57 = arith.constant 0 : i32
        %dma_wait3A_58 = tpu.memref_slice %arg11[%dma_wait3A, %dma_wait3A_57] : memref<208x128xf32, #tpu.memory_space<vmem>> -> memref<16x128xf32, #tpu.memory_space<vmem>>
        %dma_wait3A_59 = arith.constant 9984 : i32
        %dma_wait3A_60 = arith.constant 0 : i32
        %dma_wait3A_61 = tpu.memref_slice %arg13[%dma_wait3A_59, %dma_wait3A_60] : memref<10000x128xf32, #tpu.memory_space<vmem_shared>> -> memref<16x128xf32, #tpu.memory_space<vmem_shared>>
        %dma_wait3A_62 = arith.constant 9984 : i32
        %dma_wait3A_63 = arith.constant 0 : i32
        %dma_wait3A_64 = tpu.memref_slice %arg13[%dma_wait3A_62, %dma_wait3A_63] : memref<10000x128xf32, #tpu.memory_space<vmem_shared>> -> memref<16x128xf32, #tpu.memory_space<vmem_shared>>
        %dma_wait3A_65 = arith.constant 0 : i32
        %dma_wait3A_66 = arith.constant 0 : i32
        %dma_wait3A_67 = tpu.memref_slice %arg11[%dma_wait3A_65, %dma_wait3A_66] : memref<208x128xf32, #tpu.memory_space<vmem>> -> memref<16x128xf32, #tpu.memory_space<vmem>>
        tpu.wait_dma2 semaphore(%run_scoped3A : memref<!tpu.dma_semaphore, #tpu.memory_space<semaphore_mem>>) src(%dma_wait3A_67 : memref<16x128xf32, #tpu.memory_space<vmem>>) dst(%dma_wait3A_64 : memref<16x128xf32, #tpu.memory_space<vmem_shared>>)
        tpu.yield
      }) : () -> ()
    } else {
    }
    %barrier3A = arith.constant 0 : index
    tpu.barrier barrier_id(%barrier3A)
    %mul3A_17 = arith.constant 16 : i32
    %mul3A_18 = arith.muli %arg0, %mul3A_17 : i32
    %add3A_19 = arith.addi %mul3A_18, %arg1 : i32
    %mul3A_20 = arith.constant 10000 : i32
    %mul3A_21 = arith.muli %add3A_19, %mul3A_20 : i32
    %scan3A_22 = arith.constant 0 : i32
    %scan3A_23 = arith.constant 0 : i32
    %scan3A_24 = arith.constant 125 : i32
    %scan3A_25 = arith.addi %scan3A_23, %scan3A_24 : i32
    %scan3A_26 = arith.constant 1 : i32
    scf.for %scan3A_46 = %scan3A_23 to %scan3A_25 step %scan3A_26  : i32 {
      %mul3A_47 = arith.constant 80 : i32
      %mul3A_48 = arith.muli %scan3A_46, %mul3A_47 : i32
      %add3A_49 = arith.addi %mul3A_21, %mul3A_48 : i32
      "tpu.region"() ({
        %run_scoped3A = tpu.sem_alloc : memref<!tpu.dma_semaphore, #tpu.memory_space<semaphore_mem>>
        %dma_start3A_60 = tpu.memref_slice %arg4[%add3A_49] : memref<320000xi32, #tpu.memory_space<hbm>> -> memref<80xi32, #tpu.memory_space<hbm>>
        %dma_start3A_61 = tpu.memref_slice %arg4[%add3A_49] : memref<320000xi32, #tpu.memory_space<hbm>> -> memref<80xi32, #tpu.memory_space<hbm>>
        tpu.enqueue_dma source(%dma_start3A_61 : memref<80xi32, #tpu.memory_space<hbm>>) target(%arg7 : memref<80xi32, #tpu.memory_space<vmem>>) target_semaphore(%run_scoped3A : memref<!tpu.dma_semaphore, #tpu.memory_space<semaphore_mem>>)
        %dma_wait3A_62 = tpu.memref_slice %arg4[%add3A_49] : memref<320000xi32, #tpu.memory_space<hbm>> -> memref<80xi32, #tpu.memory_space<hbm>>
        %dma_wait3A_63 = tpu.memref_slice %arg4[%add3A_49] : memref<320000xi32, #tpu.memory_space<hbm>> -> memref<80xi32, #tpu.memory_space<hbm>>
        tpu.wait_dma2 semaphore(%run_scoped3A : memref<!tpu.dma_semaphore, #tpu.memory_space<semaphore_mem>>) src(%dma_wait3A_63 : memref<80xi32, #tpu.memory_space<hbm>>) dst(%arg7 : memref<80xi32, #tpu.memory_space<vmem>>)
        tpu.yield
      }) : () -> ()
      "tpu.region"() ({
        %run_scoped3A = tpu.sem_alloc : memref<!tpu.dma_semaphore, #tpu.memory_space<semaphore_mem>>
        %dma_start3A_60 = tpu.memref_slice %arg5[%add3A_49] : memref<320000xi32, #tpu.memory_space<hbm>> -> memref<80xi32, #tpu.memory_space<hbm>>
        %dma_start3A_61 = tpu.memref_slice %arg5[%add3A_49] : memref<320000xi32, #tpu.memory_space<hbm>> -> memref<80xi32, #tpu.memory_space<hbm>>
        tpu.enqueue_dma source(%dma_start3A_61 : memref<80xi32, #tpu.memory_space<hbm>>) target(%arg8 : memref<80xi32, #tpu.memory_space<vmem>>) target_semaphore(%run_scoped3A : memref<!tpu.dma_semaphore, #tpu.memory_space<semaphore_mem>>)
        %dma_wait3A_62 = tpu.memref_slice %arg5[%add3A_49] : memref<320000xi32, #tpu.memory_space<hbm>> -> memref<80xi32, #tpu.memory_space<hbm>>
        %dma_wait3A_63 = tpu.memref_slice %arg5[%add3A_49] : memref<320000xi32, #tpu.memory_space<hbm>> -> memref<80xi32, #tpu.memory_space<hbm>>
        tpu.wait_dma2 semaphore(%run_scoped3A : memref<!tpu.dma_semaphore, #tpu.memory_space<semaphore_mem>>) src(%dma_wait3A_63 : memref<80xi32, #tpu.memory_space<hbm>>) dst(%arg8 : memref<80xi32, #tpu.memory_space<vmem>>)
        tpu.yield
      }) : () -> ()
      "tpu.region"() ({
        %run_scoped3A = tpu.sem_alloc : memref<!tpu.dma_semaphore, #tpu.memory_space<semaphore_mem>>
        %dma_start3A_60 = arith.constant 0 : i32
        %dma_start3A_61 = tpu.memref_slice %arg3[%add3A_49, %dma_start3A_60] : memref<320000x128xf32, #tpu.memory_space<hbm>> -> memref<80x128xf32, #tpu.memory_space<hbm>>
        %dma_start3A_62 = arith.constant 0 : i32
        %dma_start3A_63 = tpu.memref_slice %arg3[%add3A_49, %dma_start3A_62] : memref<320000x128xf32, #tpu.memory_space<hbm>> -> memref<80x128xf32, #tpu.memory_space<hbm>>
        tpu.enqueue_dma source(%dma_start3A_63 : memref<80x128xf32, #tpu.memory_space<hbm>>) target(%arg9 : memref<80x128xf32, #tpu.memory_space<vmem>>) target_semaphore(%run_scoped3A : memref<!tpu.dma_semaphore, #tpu.memory_space<semaphore_mem>>)
        %dma_wait3A_64 = arith.constant 0 : i32
        %dma_wait3A_65 = tpu.memref_slice %arg3[%add3A_49, %dma_wait3A_64] : memref<320000x128xf32, #tpu.memory_space<hbm>> -> memref<80x128xf32, #tpu.memory_space<hbm>>
        %dma_wait3A_66 = arith.constant 0 : i32
        %dma_wait3A_67 = tpu.memref_slice %arg3[%add3A_49, %dma_wait3A_66] : memref<320000x128xf32, #tpu.memory_space<hbm>> -> memref<80x128xf32, #tpu.memory_space<hbm>>
        tpu.wait_dma2 semaphore(%run_scoped3A : memref<!tpu.dma_semaphore, #tpu.memory_space<semaphore_mem>>) src(%dma_wait3A_67 : memref<80x128xf32, #tpu.memory_space<hbm>>) dst(%arg9 : memref<80x128xf32, #tpu.memory_space<vmem>>)
        tpu.yield
      }) : () -> ()
      %dma_start3A = arith.constant 0 : i32
      %dma_start3A_50 = arith.constant 0 : i32
      %dma_start3A_51 = tpu.memref_slice %arg2[%dma_start3A, %dma_start3A_50] : memref<10000x128xf32, #tpu.memory_space<hbm>> -> memref<10000x128xf32, #tpu.memory_space<hbm>>
      tpu.enqueue_indirect_dma source(%dma_start3A_51 : memref<10000x128xf32, #tpu.memory_space<hbm>>) target(%arg10 : memref<80x128xf32, #tpu.memory_space<vmem>>) offsets(%arg7 : memref<80xi32, #tpu.memory_space<vmem>>) semaphore(%arg12 : memref<!tpu.dma_semaphore, #tpu.memory_space<semaphore_mem>>)
      %dma_wait3A = arith.constant 0 : i32
      %dma_wait3A_52 = arith.constant 0 : i32
      %dma_wait3A_53 = tpu.memref_slice %arg2[%dma_wait3A, %dma_wait3A_52] : memref<10000x128xf32, #tpu.memory_space<hbm>> -> memref<10000x128xf32, #tpu.memory_space<hbm>>
      tpu.wait_indirect_dma semaphore(%arg12 : memref<!tpu.dma_semaphore, #tpu.memory_space<semaphore_mem>>) src(%dma_wait3A_53 : memref<10000x128xf32, #tpu.memory_space<hbm>>) dst(%arg10 : memref<80x128xf32, #tpu.memory_space<vmem>>)
      %scan3A_54 = arith.constant 0 : i32
      %scan3A_55 = arith.constant 0 : i32
      %scan3A_56 = arith.constant 80 : i32
      %scan3A_57 = arith.addi %scan3A_55, %scan3A_56 : i32
      %scan3A_58 = arith.constant 1 : i32
      scf.for %scan3A_60 = %scan3A_55 to %scan3A_57 step %scan3A_58  : i32 {
        %get3A = arith.index_cast %scan3A_60 : i32 to index
        %get3A_61 = arith.constant 0 : index
        %get3A_62 = tpu.vector_load %arg10[%get3A, %get3A_61] {strides = array<i32>} : memref<80x128xf32, #tpu.memory_space<vmem>>, vector<1x16xf32>,
        %get3A_63 = vector.shape_cast %get3A_62 : vector<1x16xf32> to vector<16xf32>
        %get3A_64 = arith.index_cast %scan3A_60 : i32 to index
        %get3A_65 = arith.constant 0 : index
        %get3A_66 = tpu.vector_load %arg9[%get3A_64, %get3A_65] {strides = array<i32>} : memref<80x128xf32, #tpu.memory_space<vmem>>, vector<1x16xf32>,
        %get3A_67 = vector.shape_cast %get3A_66 : vector<1x16xf32> to vector<16xf32>
        %add3A_68 = arith.addf %get3A_63, %get3A_67 : vector<16xf32>
        %max3A = arith.constant 0.000000e+00 : f32
        %max3A_69 = vector.broadcast %max3A : f32 to vector<16xf32>
        %max3A_70 = arith.maximumf %add3A_68, %max3A_69 : vector<16xf32>
        %swap3A = arith.index_cast %scan3A_60 : i32 to index
        %swap3A_71 = arith.constant 0 : index
        %swap3A_72 = tpu.vector_load %arg10[%swap3A, %swap3A_71] {strides = array<i32>} : memref<80x128xf32, #tpu.memory_space<vmem>>, vector<1x16xf32>,
        %swap3A_73 = vector.shape_cast %swap3A_72 : vector<1x16xf32> to vector<16xf32>
        %swap3A_74 = vector.shape_cast %max3A_70 : vector<16xf32> to vector<1x16xf32>
        tpu.vector_store %arg10[%swap3A, %swap3A_71], %swap3A_74 {strides = array<i32>} : memref<80x128xf32, #tpu.memory_space<vmem>>, vector<1x16xf32>,
        %get3A_75 = arith.index_cast %scan3A_60 : i32 to index
        %get3A_76 = arith.constant 16 : index
        %get3A_77 = tpu.vector_load %arg10[%get3A_75, %get3A_76] {strides = array<i32>} : memref<80x128xf32, #tpu.memory_space<vmem>>, vector<1x16xf32>,
        %get3A_78 = vector.shape_cast %get3A_77 : vector<1x16xf32> to vector<16xf32>
        %get3A_79 = arith.index_cast %scan3A_60 : i32 to index
        %get3A_80 = arith.constant 16 : index
        %get3A_81 = tpu.vector_load %arg9[%get3A_79, %get3A_80] {strides = array<i32>} : memref<80x128xf32, #tpu.memory_space<vmem>>, vector<1x16xf32>,
        %get3A_82 = vector.shape_cast %get3A_81 : vector<1x16xf32> to vector<16xf32>
        %add3A_83 = arith.addf %get3A_78, %get3A_82 : vector<16xf32>
        %max3A_84 = arith.constant 0.000000e+00 : f32
        %max3A_85 = vector.broadcast %max3A_84 : f32 to vector<16xf32>
        %max3A_86 = arith.maximumf %add3A_83, %max3A_85 : vector<16xf32>
        %swap3A_87 = arith.index_cast %scan3A_60 : i32 to index
        %swap3A_88 = arith.constant 16 : index
        %swap3A_89 = tpu.vector_load %arg10[%swap3A_87, %swap3A_88] {strides = array<i32>} : memref<80x128xf32, #tpu.memory_space<vmem>>, vector<1x16xf32>,
        %swap3A_90 = vector.shape_cast %swap3A_89 : vector<1x16xf32> to vector<16xf32>
        %swap3A_91 = vector.shape_cast %max3A_86 : vector<16xf32> to vector<1x16xf32>
        tpu.vector_store %arg10[%swap3A_87, %swap3A_88], %swap3A_91 {strides = array<i32>} : memref<80x128xf32, #tpu.memory_space<vmem>>, vector<1x16xf32>,
        %get3A_92 = arith.index_cast %scan3A_60 : i32 to index
        %get3A_93 = arith.constant 32 : index
        %get3A_94 = tpu.vector_load %arg10[%get3A_92, %get3A_93] {strides = array<i32>} : memref<80x128xf32, #tpu.memory_space<vmem>>, vector<1x16xf32>,
        %get3A_95 = vector.shape_cast %get3A_94 : vector<1x16xf32> to vector<16xf32>
        %get3A_96 = arith.index_cast %scan3A_60 : i32 to index
        %get3A_97 = arith.constant 32 : index
        %get3A_98 = tpu.vector_load %arg9[%get3A_96, %get3A_97] {strides = array<i32>} : memref<80x128xf32, #tpu.memory_space<vmem>>, vector<1x16xf32>,
        %get3A_99 = vector.shape_cast %get3A_98 : vector<1x16xf32> to vector<16xf32>
        %add3A_100 = arith.addf %get3A_95, %get3A_99 : vector<16xf32>
        %max3A_101 = arith.constant 0.000000e+00 : f32
        %max3A_102 = vector.broadcast %max3A_101 : f32 to vector<16xf32>
        %max3A_103 = arith.maximumf %add3A_100, %max3A_102 : vector<16xf32>
        %swap3A_104 = arith.index_cast %scan3A_60 : i32 to index
        %swap3A_105 = arith.constant 32 : index
        %swap3A_106 = tpu.vector_load %arg10[%swap3A_104, %swap3A_105] {strides = array<i32>} : memref<80x128xf32, #tpu.memory_space<vmem>>, vector<1x16xf32>,
        %swap3A_107 = vector.shape_cast %swap3A_106 : vector<1x16xf32> to vector<16xf32>
        %swap3A_108 = vector.shape_cast %max3A_103 : vector<16xf32> to vector<1x16xf32>
        tpu.vector_store %arg10[%swap3A_104, %swap3A_105], %swap3A_108 {strides = array<i32>} : memref<80x128xf32, #tpu.memory_space<vmem>>, vector<1x16xf32>,
        %get3A_109 = arith.index_cast %scan3A_60 : i32 to index
        %get3A_110 = arith.constant 48 : index
        %get3A_111 = tpu.vector_load %arg10[%get3A_109, %get3A_110] {strides = array<i32>} : memref<80x128xf32, #tpu.memory_space<vmem>>, vector<1x16xf32>,
        %get3A_112 = vector.shape_cast %get3A_111 : vector<1x16xf32> to vector<16xf32>
        %get3A_113 = arith.index_cast %scan3A_60 : i32 to index
        %get3A_114 = arith.constant 48 : index
        %get3A_115 = tpu.vector_load %arg9[%get3A_113, %get3A_114] {strides = array<i32>} : memref<80x128xf32, #tpu.memory_space<vmem>>, vector<1x16xf32>,
        %get3A_116 = vector.shape_cast %get3A_115 : vector<1x16xf32> to vector<16xf32>
        %add3A_117 = arith.addf %get3A_112, %get3A_116 : vector<16xf32>
        %max3A_118 = arith.constant 0.000000e+00 : f32
        %max3A_119 = vector.broadcast %max3A_118 : f32 to vector<16xf32>
        %max3A_120 = arith.maximumf %add3A_117, %max3A_119 : vector<16xf32>
        %swap3A_121 = arith.index_cast %scan3A_60 : i32 to index
        %swap3A_122 = arith.constant 48 : index
        %swap3A_123 = tpu.vector_load %arg10[%swap3A_121, %swap3A_122] {strides = array<i32>} : memref<80x128xf32, #tpu.memory_space<vmem>>, vector<1x16xf32>,
        %swap3A_124 = vector.shape_cast %swap3A_123 : vector<1x16xf32> to vector<16xf32>
        %swap3A_125 = vector.shape_cast %max3A_120 : vector<16xf32> to vector<1x16xf32>
        tpu.vector_store %arg10[%swap3A_121, %swap3A_122], %swap3A_125 {strides = array<i32>} : memref<80x128xf32, #tpu.memory_space<vmem>>, vector<1x16xf32>,
        %get3A_126 = arith.index_cast %scan3A_60 : i32 to index
        %get3A_127 = arith.constant 64 : index
        %get3A_128 = tpu.vector_load %arg10[%get3A_126, %get3A_127] {strides = array<i32>} : memref<80x128xf32, #tpu.memory_space<vmem>>, vector<1x16xf32>,
        %get3A_129 = vector.shape_cast %get3A_128 : vector<1x16xf32> to vector<16xf32>
        %get3A_130 = arith.index_cast %scan3A_60 : i32 to index
        %get3A_131 = arith.constant 64 : index
        %get3A_132 = tpu.vector_load %arg9[%get3A_130, %get3A_131] {strides = array<i32>} : memref<80x128xf32, #tpu.memory_space<vmem>>, vector<1x16xf32>,
        %get3A_133 = vector.shape_cast %get3A_132 : vector<1x16xf32> to vector<16xf32>
        %add3A_134 = arith.addf %get3A_129, %get3A_133 : vector<16xf32>
        %max3A_135 = arith.constant 0.000000e+00 : f32
        %max3A_136 = vector.broadcast %max3A_135 : f32 to vector<16xf32>
        %max3A_137 = arith.maximumf %add3A_134, %max3A_136 : vector<16xf32>
        %swap3A_138 = arith.index_cast %scan3A_60 : i32 to index
        %swap3A_139 = arith.constant 64 : index
        %swap3A_140 = tpu.vector_load %arg10[%swap3A_138, %swap3A_139] {strides = array<i32>} : memref<80x128xf32, #tpu.memory_space<vmem>>, vector<1x16xf32>,
        %swap3A_141 = vector.shape_cast %swap3A_140 : vector<1x16xf32> to vector<16xf32>
        %swap3A_142 = vector.shape_cast %max3A_137 : vector<16xf32> to vector<1x16xf32>
        tpu.vector_store %arg10[%swap3A_138, %swap3A_139], %swap3A_142 {strides = array<i32>} : memref<80x128xf32, #tpu.memory_space<vmem>>, vector<1x16xf32>,
        %get3A_143 = arith.index_cast %scan3A_60 : i32 to index
        %get3A_144 = arith.constant 80 : index
        %get3A_145 = tpu.vector_load %arg10[%get3A_143, %get3A_144] {strides = array<i32>} : memref<80x128xf32, #tpu.memory_space<vmem>>, vector<1x16xf32>,
        %get3A_146 = vector.shape_cast %get3A_145 : vector<1x16xf32> to vector<16xf32>
        %get3A_147 = arith.index_cast %scan3A_60 : i32 to index
        %get3A_148 = arith.constant 80 : index
        %get3A_149 = tpu.vector_load %arg9[%get3A_147, %get3A_148] {strides = array<i32>} : memref<80x128xf32, #tpu.memory_space<vmem>>, vector<1x16xf32>,
        %get3A_150 = vector.shape_cast %get3A_149 : vector<1x16xf32> to vector<16xf32>
        %add3A_151 = arith.addf %get3A_146, %get3A_150 : vector<16xf32>
        %max3A_152 = arith.constant 0.000000e+00 : f32
        %max3A_153 = vector.broadcast %max3A_152 : f32 to vector<16xf32>
        %max3A_154 = arith.maximumf %add3A_151, %max3A_153 : vector<16xf32>
        %swap3A_155 = arith.index_cast %scan3A_60 : i32 to index
        %swap3A_156 = arith.constant 80 : index
        %swap3A_157 = tpu.vector_load %arg10[%swap3A_155, %swap3A_156] {strides = array<i32>} : memref<80x128xf32, #tpu.memory_space<vmem>>, vector<1x16xf32>,
        %swap3A_158 = vector.shape_cast %swap3A_157 : vector<1x16xf32> to vector<16xf32>
        %swap3A_159 = vector.shape_cast %max3A_154 : vector<16xf32> to vector<1x16xf32>
        tpu.vector_store %arg10[%swap3A_155, %swap3A_156], %swap3A_159 {strides = array<i32>} : memref<80x128xf32, #tpu.memory_space<vmem>>, vector<1x16xf32>,
        %get3A_160 = arith.index_cast %scan3A_60 : i32 to index
        %get3A_161 = arith.constant 96 : index
        %get3A_162 = tpu.vector_load %arg10[%get3A_160, %get3A_161] {strides = array<i32>} : memref<80x128xf32, #tpu.memory_space<vmem>>, vector<1x16xf32>,
        %get3A_163 = vector.shape_cast %get3A_162 : vector<1x16xf32> to vector<16xf32>
        %get3A_164 = arith.index_cast %scan3A_60 : i32 to index
        %get3A_165 = arith.constant 96 : index
        %get3A_166 = tpu.vector_load %arg9[%get3A_164, %get3A_165] {strides = array<i32>} : memref<80x128xf32, #tpu.memory_space<vmem>>, vector<1x16xf32>,
        %get3A_167 = vector.shape_cast %get3A_166 : vector<1x16xf32> to vector<16xf32>
        %add3A_168 = arith.addf %get3A_163, %get3A_167 : vector<16xf32>
        %max3A_169 = arith.constant 0.000000e+00 : f32
        %max3A_170 = vector.broadcast %max3A_169 : f32 to vector<16xf32>
        %max3A_171 = arith.maximumf %add3A_168, %max3A_170 : vector<16xf32>
        %swap3A_172 = arith.index_cast %scan3A_60 : i32 to index
        %swap3A_173 = arith.constant 96 : index
        %swap3A_174 = tpu.vector_load %arg10[%swap3A_172, %swap3A_173] {strides = array<i32>} : memref<80x128xf32, #tpu.memory_space<vmem>>, vector<1x16xf32>,
        %swap3A_175 = vector.shape_cast %swap3A_174 : vector<1x16xf32> to vector<16xf32>
        %swap3A_176 = vector.shape_cast %max3A_171 : vector<16xf32> to vector<1x16xf32>
        tpu.vector_store %arg10[%swap3A_172, %swap3A_173], %swap3A_176 {strides = array<i32>} : memref<80x128xf32, #tpu.memory_space<vmem>>, vector<1x16xf32>,
        %get3A_177 = arith.index_cast %scan3A_60 : i32 to index
        %get3A_178 = arith.constant 112 : index
        %get3A_179 = tpu.vector_load %arg10[%get3A_177, %get3A_178] {strides = array<i32>} : memref<80x128xf32, #tpu.memory_space<vmem>>, vector<1x16xf32>,
        %get3A_180 = vector.shape_cast %get3A_179 : vector<1x16xf32> to vector<16xf32>
        %get3A_181 = arith.index_cast %scan3A_60 : i32 to index
        %get3A_182 = arith.constant 112 : index
        %get3A_183 = tpu.vector_load %arg9[%get3A_181, %get3A_182] {strides = array<i32>} : memref<80x128xf32, #tpu.memory_space<vmem>>, vector<1x16xf32>,
        %get3A_184 = vector.shape_cast %get3A_183 : vector<1x16xf32> to vector<16xf32>
        %add3A_185 = arith.addf %get3A_180, %get3A_184 : vector<16xf32>
        %max3A_186 = arith.constant 0.000000e+00 : f32
        %max3A_187 = vector.broadcast %max3A_186 : f32 to vector<16xf32>
        %max3A_188 = arith.maximumf %add3A_185, %max3A_187 : vector<16xf32>
        %swap3A_189 = arith.index_cast %scan3A_60 : i32 to index
        %swap3A_190 = arith.constant 112 : index
        %swap3A_191 = tpu.vector_load %arg10[%swap3A_189, %swap3A_190] {strides = array<i32>} : memref<80x128xf32, #tpu.memory_space<vmem>>, vector<1x16xf32>,
        %swap3A_192 = vector.shape_cast %swap3A_191 : vector<1x16xf32> to vector<16xf32>
        %swap3A_193 = vector.shape_cast %max3A_188 : vector<16xf32> to vector<1x16xf32>
        tpu.vector_store %arg10[%swap3A_189, %swap3A_190], %swap3A_193 {strides = array<i32>} : memref<80x128xf32, #tpu.memory_space<vmem>>, vector<1x16xf32>,
      }
      %scan3A_59 = arith.constant 80 : i32
      "tpu.region"() ({
        %run_scoped3A = tpu.sem_alloc : memref<!tpu.dma_semaphore, #tpu.memory_space<semaphore_mem>>
        %dma_start3A_60 = arith.constant 0 : i32
        %dma_start3A_61 = arith.constant 0 : i32
        %dma_start3A_62 = tpu.memref_slice %arg13[%dma_start3A_60, %dma_start3A_61] : memref<10000x128xf32, #tpu.memory_space<vmem_shared>> -> memref<10000x128xf32, #tpu.memory_space<vmem_shared>>
        tpu.enqueue_indirect_dma source(%arg10 : memref<80x128xf32, #tpu.memory_space<vmem>>) target(%dma_start3A_62 : memref<10000x128xf32, #tpu.memory_space<vmem_shared>>) offsets(%arg8 : memref<80xi32, #tpu.memory_space<vmem>>) semaphore(%run_scoped3A : memref<!tpu.dma_semaphore, #tpu.memory_space<semaphore_mem>>) {add = true}
        %dma_wait3A_63 = arith.constant 0 : i32
        %dma_wait3A_64 = arith.constant 0 : i32
        %dma_wait3A_65 = tpu.memref_slice %arg13[%dma_wait3A_63, %dma_wait3A_64] : memref<10000x128xf32, #tpu.memory_space<vmem_shared>> -> memref<10000x128xf32, #tpu.memory_space<vmem_shared>>
        tpu.wait_indirect_dma semaphore(%run_scoped3A : memref<!tpu.dma_semaphore, #tpu.memory_space<semaphore_mem>>) src(%arg10 : memref<80x128xf32, #tpu.memory_space<vmem>>) dst(%dma_wait3A_65 : memref<10000x128xf32, #tpu.memory_space<vmem_shared>>)
        tpu.yield
      }) : () -> ()
    }
    %scan3A_27 = arith.constant 125 : i32
    %barrier3A_28 = arith.constant 0 : index
    tpu.barrier barrier_id(%barrier3A_28)
    %mul3A_29 = arith.constant 624 : i32
    %mul3A_30 = arith.muli %arg1, %mul3A_29 : i32
    %add3A_31 = arith.constant 0 : i32
    %add3A_32 = arith.addi %mul3A_30, %add3A_31 : i32
    "tpu.region"() ({
      %run_scoped3A = tpu.sem_alloc : memref<!tpu.dma_semaphore, #tpu.memory_space<semaphore_mem>>
      %dma_start3A = arith.constant 0 : i32
      %dma_start3A_46 = tpu.memref_slice %arg13[%add3A_32, %dma_start3A] : memref<10000x128xf32, #tpu.memory_space<vmem_shared>> -> memref<208x128xf32, #tpu.memory_space<vmem_shared>>
      %dma_start3A_47 = arith.constant 0 : i32
      %dma_start3A_48 = tpu.memref_slice %arg13[%add3A_32, %dma_start3A_47] : memref<10000x128xf32, #tpu.memory_space<vmem_shared>> -> memref<208x128xf32, #tpu.memory_space<vmem_shared>>
      tpu.enqueue_dma source(%dma_start3A_48 : memref<208x128xf32, #tpu.memory_space<vmem_shared>>) target(%arg11 : memref<208x128xf32, #tpu.memory_space<vmem>>) target_semaphore(%run_scoped3A : memref<!tpu.dma_semaphore, #tpu.memory_space<semaphore_mem>>)
      %dma_wait3A = arith.constant 0 : i32
      %dma_wait3A_49 = tpu.memref_slice %arg13[%add3A_32, %dma_wait3A] : memref<10000x128xf32, #tpu.memory_space<vmem_shared>> -> memref<208x128xf32, #tpu.memory_space<vmem_shared>>
      %dma_wait3A_50 = arith.constant 0 : i32
      %dma_wait3A_51 = tpu.memref_slice %arg13[%add3A_32, %dma_wait3A_50] : memref<10000x128xf32, #tpu.memory_space<vmem_shared>> -> memref<208x128xf32, #tpu.memory_space<vmem_shared>>
      tpu.wait_dma2 semaphore(%run_scoped3A : memref<!tpu.dma_semaphore, #tpu.memory_space<semaphore_mem>>) src(%dma_wait3A_51 : memref<208x128xf32, #tpu.memory_space<vmem_shared>>) dst(%arg11 : memref<208x128xf32, #tpu.memory_space<vmem>>)
      tpu.yield
    }) : () -> ()
    "tpu.region"() ({
      %run_scoped3A = tpu.sem_alloc : memref<!tpu.dma_semaphore, #tpu.memory_space<semaphore_mem>>
      %dma_start3A = arith.constant 0 : i32
      %dma_start3A_46 = tpu.memref_slice %arg6[%arg0, %add3A_32, %dma_start3A] : memref<2x10000x128xf32, #tpu.memory_space<hbm>> -> memref<1x208x128xf32, #tpu.memory_space<hbm>>
      %dma_start3A_47 = tpu.memref_squeeze %dma_start3A_46 : memref<1x208x128xf32, #tpu.memory_space<hbm>> -> memref<208x128xf32, #tpu.memory_space<hbm>>
      %dma_start3A_48 = arith.constant 0 : i32
      %dma_start3A_49 = tpu.memref_slice %arg6[%arg0, %add3A_32, %dma_start3A_48] : memref<2x10000x128xf32, #tpu.memory_space<hbm>> -> memref<1x208x128xf32, #tpu.memory_space<hbm>>
      %dma_start3A_50 = tpu.memref_squeeze %dma_start3A_49 : memref<1x208x128xf32, #tpu.memory_space<hbm>> -> memref<208x128xf32, #tpu.memory_space<hbm>>
      tpu.enqueue_dma source(%arg11 : memref<208x128xf32, #tpu.memory_space<vmem>>) target(%dma_start3A_50 : memref<208x128xf32, #tpu.memory_space<hbm>>) target_semaphore(%run_scoped3A : memref<!tpu.dma_semaphore, #tpu.memory_space<semaphore_mem>>)
      %dma_wait3A = arith.constant 0 : i32
      %dma_wait3A_51 = tpu.memref_slice %arg6[%arg0, %add3A_32, %dma_wait3A] : memref<2x10000x128xf32, #tpu.memory_space<hbm>> -> memref<1x208x128xf32, #tpu.memory_space<hbm>>
      %dma_wait3A_52 = tpu.memref_squeeze %dma_wait3A_51 : memref<1x208x128xf32, #tpu.memory_space<hbm>> -> memref<208x128xf32, #tpu.memory_space<hbm>>
      %dma_wait3A_53 = arith.constant 0 : i32
      %dma_wait3A_54 = tpu.memref_slice %arg6[%arg0, %add3A_32, %dma_wait3A_53] : memref<2x10000x128xf32, #tpu.memory_space<hbm>> -> memref<1x208x128xf32, #tpu.memory_space<hbm>>
      %dma_wait3A_55 = tpu.memref_squeeze %dma_wait3A_54 : memref<1x208x128xf32, #tpu.memory_space<hbm>> -> memref<208x128xf32, #tpu.memory_space<hbm>>
      tpu.wait_dma2 semaphore(%run_scoped3A : memref<!tpu.dma_semaphore, #tpu.memory_space<semaphore_mem>>) src(%arg11 : memref<208x128xf32, #tpu.memory_space<vmem>>) dst(%dma_wait3A_55 : memref<208x128xf32, #tpu.memory_space<hbm>>)
      tpu.yield
    }) : () -> ()
    %mul3A_33 = arith.constant 624 : i32
    %mul3A_34 = arith.muli %arg1, %mul3A_33 : i32
    %add3A_35 = arith.constant 208 : i32
    %add3A_36 = arith.addi %mul3A_34, %add3A_35 : i32
    "tpu.region"() ({
      %run_scoped3A = tpu.sem_alloc : memref<!tpu.dma_semaphore, #tpu.memory_space<semaphore_mem>>
      %dma_start3A = arith.constant 0 : i32
      %dma_start3A_46 = tpu.memref_slice %arg13[%add3A_36, %dma_start3A] : memref<10000x128xf32, #tpu.memory_space<vmem_shared>> -> memref<208x128xf32, #tpu.memory_space<vmem_shared>>
      %dma_start3A_47 = arith.constant 0 : i32
      %dma_start3A_48 = tpu.memref_slice %arg13[%add3A_36, %dma_start3A_47] : memref<10000x128xf32, #tpu.memory_space<vmem_shared>> -> memref<208x128xf32, #tpu.memory_space<vmem_shared>>
      tpu.enqueue_dma source(%dma_start3A_48 : memref<208x128xf32, #tpu.memory_space<vmem_shared>>) target(%arg11 : memref<208x128xf32, #tpu.memory_space<vmem>>) target_semaphore(%run_scoped3A : memref<!tpu.dma_semaphore, #tpu.memory_space<semaphore_mem>>)
      %dma_wait3A = arith.constant 0 : i32
      %dma_wait3A_49 = tpu.memref_slice %arg13[%add3A_36, %dma_wait3A] : memref<10000x128xf32, #tpu.memory_space<vmem_shared>> -> memref<208x128xf32, #tpu.memory_space<vmem_shared>>
      %dma_wait3A_50 = arith.constant 0 : i32
      %dma_wait3A_51 = tpu.memref_slice %arg13[%add3A_36, %dma_wait3A_50] : memref<10000x128xf32, #tpu.memory_space<vmem_shared>> -> memref<208x128xf32, #tpu.memory_space<vmem_shared>>
      tpu.wait_dma2 semaphore(%run_scoped3A : memref<!tpu.dma_semaphore, #tpu.memory_space<semaphore_mem>>) src(%dma_wait3A_51 : memref<208x128xf32, #tpu.memory_space<vmem_shared>>) dst(%arg11 : memref<208x128xf32, #tpu.memory_space<vmem>>)
      tpu.yield
    }) : () -> ()
    "tpu.region"() ({
      %run_scoped3A = tpu.sem_alloc : memref<!tpu.dma_semaphore, #tpu.memory_space<semaphore_mem>>
      %dma_start3A = arith.constant 0 : i32
      %dma_start3A_46 = tpu.memref_slice %arg6[%arg0, %add3A_36, %dma_start3A] : memref<2x10000x128xf32, #tpu.memory_space<hbm>> -> memref<1x208x128xf32, #tpu.memory_space<hbm>>
      %dma_start3A_47 = tpu.memref_squeeze %dma_start3A_46 : memref<1x208x128xf32, #tpu.memory_space<hbm>> -> memref<208x128xf32, #tpu.memory_space<hbm>>
      %dma_start3A_48 = arith.constant 0 : i32
      %dma_start3A_49 = tpu.memref_slice %arg6[%arg0, %add3A_36, %dma_start3A_48] : memref<2x10000x128xf32, #tpu.memory_space<hbm>> -> memref<1x208x128xf32, #tpu.memory_space<hbm>>
      %dma_start3A_50 = tpu.memref_squeeze %dma_start3A_49 : memref<1x208x128xf32, #tpu.memory_space<hbm>> -> memref<208x128xf32, #tpu.memory_space<hbm>>
      tpu.enqueue_dma source(%arg11 : memref<208x128xf32, #tpu.memory_space<vmem>>) target(%dma_start3A_50 : memref<208x128xf32, #tpu.memory_space<hbm>>) target_semaphore(%run_scoped3A : memref<!tpu.dma_semaphore, #tpu.memory_space<semaphore_mem>>)
      %dma_wait3A = arith.constant 0 : i32
      %dma_wait3A_51 = tpu.memref_slice %arg6[%arg0, %add3A_36, %dma_wait3A] : memref<2x10000x128xf32, #tpu.memory_space<hbm>> -> memref<1x208x128xf32, #tpu.memory_space<hbm>>
      %dma_wait3A_52 = tpu.memref_squeeze %dma_wait3A_51 : memref<1x208x128xf32, #tpu.memory_space<hbm>> -> memref<208x128xf32, #tpu.memory_space<hbm>>
      %dma_wait3A_53 = arith.constant 0 : i32
      %dma_wait3A_54 = tpu.memref_slice %arg6[%arg0, %add3A_36, %dma_wait3A_53] : memref<2x10000x128xf32, #tpu.memory_space<hbm>> -> memref<1x208x128xf32, #tpu.memory_space<hbm>>
      %dma_wait3A_55 = tpu.memref_squeeze %dma_wait3A_54 : memref<1x208x128xf32, #tpu.memory_space<hbm>> -> memref<208x128xf32, #tpu.memory_space<hbm>>
      tpu.wait_dma2 semaphore(%run_scoped3A : memref<!tpu.dma_semaphore, #tpu.memory_space<semaphore_mem>>) src(%arg11 : memref<208x128xf32, #tpu.memory_space<vmem>>) dst(%dma_wait3A_55 : memref<208x128xf32, #tpu.memory_space<hbm>>)
      tpu.yield
    }) : () -> ()
    %mul3A_37 = arith.constant 624 : i32
    %mul3A_38 = arith.muli %arg1, %mul3A_37 : i32
    %add3A_39 = arith.constant 416 : i32
    %add3A_40 = arith.addi %mul3A_38, %add3A_39 : i32
    "tpu.region"() ({
      %run_scoped3A = tpu.sem_alloc : memref<!tpu.dma_semaphore, #tpu.memory_space<semaphore_mem>>
      %dma_start3A = arith.constant 0 : i32
      %dma_start3A_46 = tpu.memref_slice %arg13[%add3A_40, %dma_start3A] : memref<10000x128xf32, #tpu.memory_space<vmem_shared>> -> memref<208x128xf32, #tpu.memory_space<vmem_shared>>
      %dma_start3A_47 = arith.constant 0 : i32
      %dma_start3A_48 = tpu.memref_slice %arg13[%add3A_40, %dma_start3A_47] : memref<10000x128xf32, #tpu.memory_space<vmem_shared>> -> memref<208x128xf32, #tpu.memory_space<vmem_shared>>
      tpu.enqueue_dma source(%dma_start3A_48 : memref<208x128xf32, #tpu.memory_space<vmem_shared>>) target(%arg11 : memref<208x128xf32, #tpu.memory_space<vmem>>) target_semaphore(%run_scoped3A : memref<!tpu.dma_semaphore, #tpu.memory_space<semaphore_mem>>)
      %dma_wait3A = arith.constant 0 : i32
      %dma_wait3A_49 = tpu.memref_slice %arg13[%add3A_40, %dma_wait3A] : memref<10000x128xf32, #tpu.memory_space<vmem_shared>> -> memref<208x128xf32, #tpu.memory_space<vmem_shared>>
      %dma_wait3A_50 = arith.constant 0 : i32
      %dma_wait3A_51 = tpu.memref_slice %arg13[%add3A_40, %dma_wait3A_50] : memref<10000x128xf32, #tpu.memory_space<vmem_shared>> -> memref<208x128xf32, #tpu.memory_space<vmem_shared>>
      tpu.wait_dma2 semaphore(%run_scoped3A : memref<!tpu.dma_semaphore, #tpu.memory_space<semaphore_mem>>) src(%dma_wait3A_51 : memref<208x128xf32, #tpu.memory_space<vmem_shared>>) dst(%arg11 : memref<208x128xf32, #tpu.memory_space<vmem>>)
      tpu.yield
    }) : () -> ()
    "tpu.region"() ({
      %run_scoped3A = tpu.sem_alloc : memref<!tpu.dma_semaphore, #tpu.memory_space<semaphore_mem>>
      %dma_start3A = arith.constant 0 : i32
      %dma_start3A_46 = tpu.memref_slice %arg6[%arg0, %add3A_40, %dma_start3A] : memref<2x10000x128xf32, #tpu.memory_space<hbm>> -> memref<1x208x128xf32, #tpu.memory_space<hbm>>
      %dma_start3A_47 = tpu.memref_squeeze %dma_start3A_46 : memref<1x208x128xf32, #tpu.memory_space<hbm>> -> memref<208x128xf32, #tpu.memory_space<hbm>>
      %dma_start3A_48 = arith.constant 0 : i32
      %dma_start3A_49 = tpu.memref_slice %arg6[%arg0, %add3A_40, %dma_start3A_48] : memref<2x10000x128xf32, #tpu.memory_space<hbm>> -> memref<1x208x128xf32, #tpu.memory_space<hbm>>
      %dma_start3A_50 = tpu.memref_squeeze %dma_start3A_49 : memref<1x208x128xf32, #tpu.memory_space<hbm>> -> memref<208x128xf32, #tpu.memory_space<hbm>>
      tpu.enqueue_dma source(%arg11 : memref<208x128xf32, #tpu.memory_space<vmem>>) target(%dma_start3A_50 : memref<208x128xf32, #tpu.memory_space<hbm>>) target_semaphore(%run_scoped3A : memref<!tpu.dma_semaphore, #tpu.memory_space<semaphore_mem>>)
      %dma_wait3A = arith.constant 0 : i32
      %dma_wait3A_51 = tpu.memref_slice %arg6[%arg0, %add3A_40, %dma_wait3A] : memref<2x10000x128xf32, #tpu.memory_space<hbm>> -> memref<1x208x128xf32, #tpu.memory_space<hbm>>
      %dma_wait3A_52 = tpu.memref_squeeze %dma_wait3A_51 : memref<1x208x128xf32, #tpu.memory_space<hbm>> -> memref<208x128xf32, #tpu.memory_space<hbm>>
      %dma_wait3A_53 = arith.constant 0 : i32
      %dma_wait3A_54 = tpu.memref_slice %arg6[%arg0, %add3A_40, %dma_wait3A_53] : memref<2x10000x128xf32, #tpu.memory_space<hbm>> -> memref<1x208x128xf32, #tpu.memory_space<hbm>>
      %dma_wait3A_55 = tpu.memref_squeeze %dma_wait3A_54 : memref<1x208x128xf32, #tpu.memory_space<hbm>> -> memref<208x128xf32, #tpu.memory_space<hbm>>
      tpu.wait_dma2 semaphore(%run_scoped3A : memref<!tpu.dma_semaphore, #tpu.memory_space<semaphore_mem>>) src(%arg11 : memref<208x128xf32, #tpu.memory_space<vmem>>) dst(%dma_wait3A_55 : memref<208x128xf32, #tpu.memory_space<hbm>>)
      tpu.yield
    }) : () -> ()
    %eq3A_41 = arith.constant 0 : i32
    %eq3A_42 = arith.cmpi eq, %arg1, %eq3A_41 : i32
    %convert_element_type3A_43 = arith.extui %eq3A_42 : i1 to i32
    %cond3A_44 = arith.constant 0 : i32
    %cond3A_45 = arith.cmpi ne, %convert_element_type3A_43, %cond3A_44 : i32
    scf.if %cond3A_45 {
      "tpu.region"() ({
        %run_scoped3A = tpu.sem_alloc : memref<!tpu.dma_semaphore, #tpu.memory_space<semaphore_mem>>
        %dma_start3A = arith.constant 0 : i32
        %dma_start3A_46 = arith.constant 0 : i32
        %dma_start3A_47 = tpu.memref_slice %arg11[%dma_start3A, %dma_start3A_46] : memref<208x128xf32, #tpu.memory_space<vmem>> -> memref<16x128xf32, #tpu.memory_space<vmem>>
        %dma_start3A_48 = arith.constant 9984 : i32
        %dma_start3A_49 = arith.constant 0 : i32
        %dma_start3A_50 = tpu.memref_slice %arg13[%dma_start3A_48, %dma_start3A_49] : memref<10000x128xf32, #tpu.memory_space<vmem_shared>> -> memref<16x128xf32, #tpu.memory_space<vmem_shared>>
        %dma_start3A_51 = arith.constant 0 : i32
        %dma_start3A_52 = arith.constant 0 : i32
        %dma_start3A_53 = tpu.memref_slice %arg11[%dma_start3A_51, %dma_start3A_52] : memref<208x128xf32, #tpu.memory_space<vmem>> -> memref<16x128xf32, #tpu.memory_space<vmem>>
        %dma_start3A_54 = arith.constant 9984 : i32
        %dma_start3A_55 = arith.constant 0 : i32
        %dma_start3A_56 = tpu.memref_slice %arg13[%dma_start3A_54, %dma_start3A_55] : memref<10000x128xf32, #tpu.memory_space<vmem_shared>> -> memref<16x128xf32, #tpu.memory_space<vmem_shared>>
        tpu.enqueue_dma source(%dma_start3A_56 : memref<16x128xf32, #tpu.memory_space<vmem_shared>>) target(%dma_start3A_53 : memref<16x128xf32, #tpu.memory_space<vmem>>) target_semaphore(%run_scoped3A : memref<!tpu.dma_semaphore, #tpu.memory_space<semaphore_mem>>)
        %dma_wait3A = arith.constant 0 : i32
        %dma_wait3A_57 = arith.constant 0 : i32
        %dma_wait3A_58 = tpu.memref_slice %arg11[%dma_wait3A, %dma_wait3A_57] : memref<208x128xf32, #tpu.memory_space<vmem>> -> memref<16x128xf32, #tpu.memory_space<vmem>>
        %dma_wait3A_59 = arith.constant 9984 : i32
        %dma_wait3A_60 = arith.constant 0 : i32
        %dma_wait3A_61 = tpu.memref_slice %arg13[%dma_wait3A_59, %dma_wait3A_60] : memref<10000x128xf32, #tpu.memory_space<vmem_shared>> -> memref<16x128xf32, #tpu.memory_space<vmem_shared>>
        %dma_wait3A_62 = arith.constant 0 : i32
        %dma_wait3A_63 = arith.constant 0 : i32
        %dma_wait3A_64 = tpu.memref_slice %arg11[%dma_wait3A_62, %dma_wait3A_63] : memref<208x128xf32, #tpu.memory_space<vmem>> -> memref<16x128xf32, #tpu.memory_space<vmem>>
        %dma_wait3A_65 = arith.constant 9984 : i32
        %dma_wait3A_66 = arith.constant 0 : i32
        %dma_wait3A_67 = tpu.memref_slice %arg13[%dma_wait3A_65, %dma_wait3A_66] : memref<10000x128xf32, #tpu.memory_space<vmem_shared>> -> memref<16x128xf32, #tpu.memory_space<vmem_shared>>
        tpu.wait_dma2 semaphore(%run_scoped3A : memref<!tpu.dma_semaphore, #tpu.memory_space<semaphore_mem>>) src(%dma_wait3A_67 : memref<16x128xf32, #tpu.memory_space<vmem_shared>>) dst(%dma_wait3A_64 : memref<16x128xf32, #tpu.memory_space<vmem>>)
        tpu.yield
      }) : () -> ()
      "tpu.region"() ({
        %run_scoped3A = tpu.sem_alloc : memref<!tpu.dma_semaphore, #tpu.memory_space<semaphore_mem>>
        %dma_start3A = arith.constant 0 : i32
        %dma_start3A_46 = arith.constant 0 : i32
        %dma_start3A_47 = tpu.memref_slice %arg11[%dma_start3A, %dma_start3A_46] : memref<208x128xf32, #tpu.memory_space<vmem>> -> memref<16x128xf32, #tpu.memory_space<vmem>>
        %dma_start3A_48 = arith.constant 9984 : i32
        %dma_start3A_49 = arith.constant 0 : i32
        %dma_start3A_50 = tpu.memref_slice %arg6[%arg0, %dma_start3A_48, %dma_start3A_49] : memref<2x10000x128xf32, #tpu.memory_space<hbm>> -> memref<1x16x128xf32, #tpu.memory_space<hbm>>
        %dma_start3A_51 = tpu.memref_squeeze %dma_start3A_50 : memref<1x16x128xf32, #tpu.memory_space<hbm>> -> memref<16x128xf32, #tpu.memory_space<hbm>>
        %dma_start3A_52 = arith.constant 9984 : i32
        %dma_start3A_53 = arith.constant 0 : i32
        %dma_start3A_54 = tpu.memref_slice %arg6[%arg0, %dma_start3A_52, %dma_start3A_53] : memref<2x10000x128xf32, #tpu.memory_space<hbm>> -> memref<1x16x128xf32, #tpu.memory_space<hbm>>
        %dma_start3A_55 = tpu.memref_squeeze %dma_start3A_54 : memref<1x16x128xf32, #tpu.memory_space<hbm>> -> memref<16x128xf32, #tpu.memory_space<hbm>>
        %dma_start3A_56 = arith.constant 0 : i32
        %dma_start3A_57 = arith.constant 0 : i32
        %dma_start3A_58 = tpu.memref_slice %arg11[%dma_start3A_56, %dma_start3A_57] : memref<208x128xf32, #tpu.memory_space<vmem>> -> memref<16x128xf32, #tpu.memory_space<vmem>>
        tpu.enqueue_dma source(%dma_start3A_58 : memref<16x128xf32, #tpu.memory_space<vmem>>) target(%dma_start3A_55 : memref<16x128xf32, #tpu.memory_space<hbm>>) target_semaphore(%run_scoped3A : memref<!tpu.dma_semaphore, #tpu.memory_space<semaphore_mem>>)
        %dma_wait3A = arith.constant 0 : i32
        %dma_wait3A_59 = arith.constant 0 : i32
        %dma_wait3A_60 = tpu.memref_slice %arg11[%dma_wait3A, %dma_wait3A_59] : memref<208x128xf32, #tpu.memory_space<vmem>> -> memref<16x128xf32, #tpu.memory_space<vmem>>
        %dma_wait3A_61 = arith.constant 9984 : i32
        %dma_wait3A_62 = arith.constant 0 : i32
        %dma_wait3A_63 = tpu.memref_slice %arg6[%arg0, %dma_wait3A_61, %dma_wait3A_62] : memref<2x10000x128xf32, #tpu.memory_space<hbm>> -> memref<1x16x128xf32, #tpu.memory_space<hbm>>
        %dma_wait3A_64 = tpu.memref_squeeze %dma_wait3A_63 : memref<1x16x128xf32, #tpu.memory_space<hbm>> -> memref<16x128xf32, #tpu.memory_space<hbm>>
        %dma_wait3A_65 = arith.constant 9984 : i32
        %dma_wait3A_66 = arith.constant 0 : i32
        %dma_wait3A_67 = tpu.memref_slice %arg6[%arg0, %dma_wait3A_65, %dma_wait3A_66] : memref<2x10000x128xf32, #tpu.memory_space<hbm>> -> memref<1x16x128xf32, #tpu.memory_space<hbm>>
        %dma_wait3A_68 = tpu.memref_squeeze %dma_wait3A_67 : memref<1x16x128xf32, #tpu.memory_space<hbm>> -> memref<16x128xf32, #tpu.memory_space<hbm>>
        %dma_wait3A_69 = arith.constant 0 : i32
        %dma_wait3A_70 = arith.constant 0 : i32
        %dma_wait3A_71 = tpu.memref_slice %arg11[%dma_wait3A_69, %dma_wait3A_70] : memref<208x128xf32, #tpu.memory_space<vmem>> -> memref<16x128xf32, #tpu.memory_space<vmem>>
        tpu.wait_dma2 semaphore(%run_scoped3A : memref<!tpu.dma_semaphore, #tpu.memory_space<semaphore_mem>>) src(%dma_wait3A_71 : memref<16x128xf32, #tpu.memory_space<vmem>>) dst(%dma_wait3A_68 : memref<16x128xf32, #tpu.memory_space<hbm>>)
        tpu.yield
      }) : () -> ()
    } else {
    }
    return
  }
}

#map = affine_map<(d0, d1) -> (0, 0)>
#map1 = affine_map<(d0, d1) -> (0)>
#map2 = affine_map<(d0, d1) -> (0, 0, 0)>
module attributes {stable_mosaic.version = 14 : i64} {
  func.func @_edge_sc_body(%arg0: i32, %arg1: i32, %arg2: memref<10000x128xf32, #tpu.memory_space<hbm>>, %arg3: memref<320000x128xf32, #tpu.memory_space<hbm>>, %arg4: memref<320000xi32, #tpu.memory_space<hbm>>, %arg5: memref<320000xi32, #tpu.memory_space<hbm>>, %arg6: memref<2x10000x128xf32, #tpu.memory_space<hbm>>, %arg7: memref<80xi32, #tpu.memory_space<vmem>>, %arg8: memref<80xi32, #tpu.memory_space<vmem>>, %arg9: memref<80x128xf32, #tpu.memory_space<vmem>>, %arg10: memref<80x128xf32, #tpu.memory_space<vmem>>, %arg11: memref<208x128xf32, #tpu.memory_space<vmem>>, %arg12: memref<!tpu.dma_semaphore, #tpu.memory_space<semaphore_mem>>, %arg13: memref<10000x128xf32, #tpu.memory_space<vmem_shared>>) attributes {dimension_semantics = [#tpu.dimension_semantics<core_parallel>, #tpu.dimension_semantics<subcore_parallel>], iteration_bounds = array<i64: 2, 16>, scalar_prefetch = 0 : i64, scratch_operands = 7 : i64, tpu.core_type = #tpu.core_type<sc_vector_subcore>, window_params = [{transform_indices = #map}, {transform_indices = #map}, {transform_indices = #map1}, {transform_indices = #map1}, {transform_indices = #map2}]} {
    %scan3A = arith.constant 0 : i32
    %scan3A_0 = arith.constant 0 : i32
    %scan3A_1 = arith.constant 208 : i32
    %scan3A_2 = arith.addi %scan3A_0, %scan3A_1 : i32
    %scan3A_3 = arith.constant 1 : i32
    scf.for %scan3A_46 = %scan3A_0 to %scan3A_2 step %scan3A_3  : i32 {
      %broadcast_in_dim3A = arith.constant 0.000000e+00 : f32
      %broadcast_in_dim3A_47 = vector.broadcast %broadcast_in_dim3A : f32 to vector<16xf32>
      %swap3A = arith.index_cast %scan3A_46 : i32 to index
      %swap3A_48 = arith.constant 0 : index
      %swap3A_49 = tpu.vector_load %arg11[%swap3A, %swap3A_48] {strides = array<i32>} : memref<208x128xf32, #tpu.memory_space<vmem>>, vector<1x16xf32>,
      %swap3A_50 = vector.shape_cast %swap3A_49 : vector<1x16xf32> to vector<16xf32>
      %swap3A_51 = vector.shape_cast %broadcast_in_dim3A_47 : vector<16xf32> to vector<1x16xf32>
      tpu.vector_store %arg11[%swap3A, %swap3A_48], %swap3A_51 {strides = array<i32>} : memref<208x128xf32, #tpu.memory_space<vmem>>, vector<1x16xf32>,
      %broadcast_in_dim3A_52 = arith.constant 0.000000e+00 : f32
      %broadcast_in_dim3A_53 = vector.broadcast %broadcast_in_dim3A_52 : f32 to vector<16xf32>
      %swap3A_54 = arith.index_cast %scan3A_46 : i32 to index
      %swap3A_55 = arith.constant 16 : index
      %swap3A_56 = tpu.vector_load %arg11[%swap3A_54, %swap3A_55] {strides = array<i32>} : memref<208x128xf32, #tpu.memory_space<vmem>>, vector<1x16xf32>,
      %swap3A_57 = vector.shape_cast %swap3A_56 : vector<1x16xf32> to vector<16xf32>
      %swap3A_58 = vector.shape_cast %broadcast_in_dim3A_53 : vector<16xf32> to vector<1x16xf32>
      tpu.vector_store %arg11[%swap3A_54, %swap3A_55], %swap3A_58 {strides = array<i32>} : memref<208x128xf32, #tpu.memory_space<vmem>>, vector<1x16xf32>,
      %broadcast_in_dim3A_59 = arith.constant 0.000000e+00 : f32
      %broadcast_in_dim3A_60 = vector.broadcast %broadcast_in_dim3A_59 : f32 to vector<16xf32>
      %swap3A_61 = arith.index_cast %scan3A_46 : i32 to index
      %swap3A_62 = arith.constant 32 : index
      %swap3A_63 = tpu.vector_load %arg11[%swap3A_61, %swap3A_62] {strides = array<i32>} : memref<208x128xf32, #tpu.memory_space<vmem>>, vector<1x16xf32>,
      %swap3A_64 = vector.shape_cast %swap3A_63 : vector<1x16xf32> to vector<16xf32>
      %swap3A_65 = vector.shape_cast %broadcast_in_dim3A_60 : vector<16xf32> to vector<1x16xf32>
      tpu.vector_store %arg11[%swap3A_61, %swap3A_62], %swap3A_65 {strides = array<i32>} : memref<208x128xf32, #tpu.memory_space<vmem>>, vector<1x16xf32>,
      %broadcast_in_dim3A_66 = arith.constant 0.000000e+00 : f32
      %broadcast_in_dim3A_67 = vector.broadcast %broadcast_in_dim3A_66 : f32 to vector<16xf32>
      %swap3A_68 = arith.index_cast %scan3A_46 : i32 to index
      %swap3A_69 = arith.constant 48 : index
      %swap3A_70 = tpu.vector_load %arg11[%swap3A_68, %swap3A_69] {strides = array<i32>} : memref<208x128xf32, #tpu.memory_space<vmem>>, vector<1x16xf32>,
      %swap3A_71 = vector.shape_cast %swap3A_70 : vector<1x16xf32> to vector<16xf32>
      %swap3A_72 = vector.shape_cast %broadcast_in_dim3A_67 : vector<16xf32> to vector<1x16xf32>
      tpu.vector_store %arg11[%swap3A_68, %swap3A_69], %swap3A_72 {strides = array<i32>} : memref<208x128xf32, #tpu.memory_space<vmem>>, vector<1x16xf32>,
      %broadcast_in_dim3A_73 = arith.constant 0.000000e+00 : f32
      %broadcast_in_dim3A_74 = vector.broadcast %broadcast_in_dim3A_73 : f32 to vector<16xf32>
      %swap3A_75 = arith.index_cast %scan3A_46 : i32 to index
      %swap3A_76 = arith.constant 64 : index
      %swap3A_77 = tpu.vector_load %arg11[%swap3A_75, %swap3A_76] {strides = array<i32>} : memref<208x128xf32, #tpu.memory_space<vmem>>, vector<1x16xf32>,
      %swap3A_78 = vector.shape_cast %swap3A_77 : vector<1x16xf32> to vector<16xf32>
      %swap3A_79 = vector.shape_cast %broadcast_in_dim3A_74 : vector<16xf32> to vector<1x16xf32>
      tpu.vector_store %arg11[%swap3A_75, %swap3A_76], %swap3A_79 {strides = array<i32>} : memref<208x128xf32, #tpu.memory_space<vmem>>, vector<1x16xf32>,
      %broadcast_in_dim3A_80 = arith.constant 0.000000e+00 : f32
      %broadcast_in_dim3A_81 = vector.broadcast %broadcast_in_dim3A_80 : f32 to vector<16xf32>
      %swap3A_82 = arith.index_cast %scan3A_46 : i32 to index
      %swap3A_83 = arith.constant 80 : index
      %swap3A_84 = tpu.vector_load %arg11[%swap3A_82, %swap3A_83] {strides = array<i32>} : memref<208x128xf32, #tpu.memory_space<vmem>>, vector<1x16xf32>,
      %swap3A_85 = vector.shape_cast %swap3A_84 : vector<1x16xf32> to vector<16xf32>
      %swap3A_86 = vector.shape_cast %broadcast_in_dim3A_81 : vector<16xf32> to vector<1x16xf32>
      tpu.vector_store %arg11[%swap3A_82, %swap3A_83], %swap3A_86 {strides = array<i32>} : memref<208x128xf32, #tpu.memory_space<vmem>>, vector<1x16xf32>,
      %broadcast_in_dim3A_87 = arith.constant 0.000000e+00 : f32
      %broadcast_in_dim3A_88 = vector.broadcast %broadcast_in_dim3A_87 : f32 to vector<16xf32>
      %swap3A_89 = arith.index_cast %scan3A_46 : i32 to index
      %swap3A_90 = arith.constant 96 : index
      %swap3A_91 = tpu.vector_load %arg11[%swap3A_89, %swap3A_90] {strides = array<i32>} : memref<208x128xf32, #tpu.memory_space<vmem>>, vector<1x16xf32>,
      %swap3A_92 = vector.shape_cast %swap3A_91 : vector<1x16xf32> to vector<16xf32>
      %swap3A_93 = vector.shape_cast %broadcast_in_dim3A_88 : vector<16xf32> to vector<1x16xf32>
      tpu.vector_store %arg11[%swap3A_89, %swap3A_90], %swap3A_93 {strides = array<i32>} : memref<208x128xf32, #tpu.memory_space<vmem>>, vector<1x16xf32>,
      %broadcast_in_dim3A_94 = arith.constant 0.000000e+00 : f32
      %broadcast_in_dim3A_95 = vector.broadcast %broadcast_in_dim3A_94 : f32 to vector<16xf32>
      %swap3A_96 = arith.index_cast %scan3A_46 : i32 to index
      %swap3A_97 = arith.constant 112 : index
      %swap3A_98 = tpu.vector_load %arg11[%swap3A_96, %swap3A_97] {strides = array<i32>} : memref<208x128xf32, #tpu.memory_space<vmem>>, vector<1x16xf32>,
      %swap3A_99 = vector.shape_cast %swap3A_98 : vector<1x16xf32> to vector<16xf32>
      %swap3A_100 = vector.shape_cast %broadcast_in_dim3A_95 : vector<16xf32> to vector<1x16xf32>
      tpu.vector_store %arg11[%swap3A_96, %swap3A_97], %swap3A_100 {strides = array<i32>} : memref<208x128xf32, #tpu.memory_space<vmem>>, vector<1x16xf32>,
    }
    %scan3A_4 = arith.constant 208 : i32
    %mul3A = arith.constant 624 : i32
    %mul3A_5 = arith.muli %arg1, %mul3A : i32
    %add3A = arith.constant 0 : i32
    %add3A_6 = arith.addi %mul3A_5, %add3A : i32
    "tpu.region"() ({
      %run_scoped3A = tpu.sem_alloc : memref<!tpu.dma_semaphore, #tpu.memory_space<semaphore_mem>>
      %dma_start3A = arith.constant 0 : i32
      %dma_start3A_46 = tpu.memref_slice %arg13[%add3A_6, %dma_start3A] : memref<10000x128xf32, #tpu.memory_space<vmem_shared>> -> memref<208x128xf32, #tpu.memory_space<vmem_shared>>
      %dma_start3A_47 = arith.constant 0 : i32
      %dma_start3A_48 = tpu.memref_slice %arg13[%add3A_6, %dma_start3A_47] : memref<10000x128xf32, #tpu.memory_space<vmem_shared>> -> memref<208x128xf32, #tpu.memory_space<vmem_shared>>
      tpu.enqueue_dma source(%arg11 : memref<208x128xf32, #tpu.memory_space<vmem>>) target(%dma_start3A_48 : memref<208x128xf32, #tpu.memory_space<vmem_shared>>) target_semaphore(%run_scoped3A : memref<!tpu.dma_semaphore, #tpu.memory_space<semaphore_mem>>)
      %dma_wait3A = arith.constant 0 : i32
      %dma_wait3A_49 = tpu.memref_slice %arg13[%add3A_6, %dma_wait3A] : memref<10000x128xf32, #tpu.memory_space<vmem_shared>> -> memref<208x128xf32, #tpu.memory_space<vmem_shared>>
      %dma_wait3A_50 = arith.constant 0 : i32
      %dma_wait3A_51 = tpu.memref_slice %arg13[%add3A_6, %dma_wait3A_50] : memref<10000x128xf32, #tpu.memory_space<vmem_shared>> -> memref<208x128xf32, #tpu.memory_space<vmem_shared>>
      tpu.wait_dma2 semaphore(%run_scoped3A : memref<!tpu.dma_semaphore, #tpu.memory_space<semaphore_mem>>) src(%arg11 : memref<208x128xf32, #tpu.memory_space<vmem>>) dst(%dma_wait3A_51 : memref<208x128xf32, #tpu.memory_space<vmem_shared>>)
      tpu.yield
    }) : () -> ()
    %mul3A_7 = arith.constant 624 : i32
    %mul3A_8 = arith.muli %arg1, %mul3A_7 : i32
    %add3A_9 = arith.constant 208 : i32
    %add3A_10 = arith.addi %mul3A_8, %add3A_9 : i32
    "tpu.region"() ({
      %run_scoped3A = tpu.sem_alloc : memref<!tpu.dma_semaphore, #tpu.memory_space<semaphore_mem>>
      %dma_start3A = arith.constant 0 : i32
      %dma_start3A_46 = tpu.memref_slice %arg13[%add3A_10, %dma_start3A] : memref<10000x128xf32, #tpu.memory_space<vmem_shared>> -> memref<208x128xf32, #tpu.memory_space<vmem_shared>>
      %dma_start3A_47 = arith.constant 0 : i32
      %dma_start3A_48 = tpu.memref_slice %arg13[%add3A_10, %dma_start3A_47] : memref<10000x128xf32, #tpu.memory_space<vmem_shared>> -> memref<208x128xf32, #tpu.memory_space<vmem_shared>>
      tpu.enqueue_dma source(%arg11 : memref<208x128xf32, #tpu.memory_space<vmem>>) target(%dma_start3A_48 : memref<208x128xf32, #tpu.memory_space<vmem_shared>>) target_semaphore(%run_scoped3A : memref<!tpu.dma_semaphore, #tpu.memory_space<semaphore_mem>>)
      %dma_wait3A = arith.constant 0 : i32
      %dma_wait3A_49 = tpu.memref_slice %arg13[%add3A_10, %dma_wait3A] : memref<10000x128xf32, #tpu.memory_space<vmem_shared>> -> memref<208x128xf32, #tpu.memory_space<vmem_shared>>
      %dma_wait3A_50 = arith.constant 0 : i32
      %dma_wait3A_51 = tpu.memref_slice %arg13[%add3A_10, %dma_wait3A_50] : memref<10000x128xf32, #tpu.memory_space<vmem_shared>> -> memref<208x128xf32, #tpu.memory_space<vmem_shared>>
      tpu.wait_dma2 semaphore(%run_scoped3A : memref<!tpu.dma_semaphore, #tpu.memory_space<semaphore_mem>>) src(%arg11 : memref<208x128xf32, #tpu.memory_space<vmem>>) dst(%dma_wait3A_51 : memref<208x128xf32, #tpu.memory_space<vmem_shared>>)
      tpu.yield
    }) : () -> ()
    %mul3A_11 = arith.constant 624 : i32
    %mul3A_12 = arith.muli %arg1, %mul3A_11 : i32
    %add3A_13 = arith.constant 416 : i32
    %add3A_14 = arith.addi %mul3A_12, %add3A_13 : i32
    "tpu.region"() ({
      %run_scoped3A = tpu.sem_alloc : memref<!tpu.dma_semaphore, #tpu.memory_space<semaphore_mem>>
      %dma_start3A = arith.constant 0 : i32
      %dma_start3A_46 = tpu.memref_slice %arg13[%add3A_14, %dma_start3A] : memref<10000x128xf32, #tpu.memory_space<vmem_shared>> -> memref<208x128xf32, #tpu.memory_space<vmem_shared>>
      %dma_start3A_47 = arith.constant 0 : i32
      %dma_start3A_48 = tpu.memref_slice %arg13[%add3A_14, %dma_start3A_47] : memref<10000x128xf32, #tpu.memory_space<vmem_shared>> -> memref<208x128xf32, #tpu.memory_space<vmem_shared>>
      tpu.enqueue_dma source(%arg11 : memref<208x128xf32, #tpu.memory_space<vmem>>) target(%dma_start3A_48 : memref<208x128xf32, #tpu.memory_space<vmem_shared>>) target_semaphore(%run_scoped3A : memref<!tpu.dma_semaphore, #tpu.memory_space<semaphore_mem>>)
      %dma_wait3A = arith.constant 0 : i32
      %dma_wait3A_49 = tpu.memref_slice %arg13[%add3A_14, %dma_wait3A] : memref<10000x128xf32, #tpu.memory_space<vmem_shared>> -> memref<208x128xf32, #tpu.memory_space<vmem_shared>>
      %dma_wait3A_50 = arith.constant 0 : i32
      %dma_wait3A_51 = tpu.memref_slice %arg13[%add3A_14, %dma_wait3A_50] : memref<10000x128xf32, #tpu.memory_space<vmem_shared>> -> memref<208x128xf32, #tpu.memory_space<vmem_shared>>
      tpu.wait_dma2 semaphore(%run_scoped3A : memref<!tpu.dma_semaphore, #tpu.memory_space<semaphore_mem>>) src(%arg11 : memref<208x128xf32, #tpu.memory_space<vmem>>) dst(%dma_wait3A_51 : memref<208x128xf32, #tpu.memory_space<vmem_shared>>)
      tpu.yield
    }) : () -> ()
    %eq3A = arith.constant 0 : i32
    %eq3A_15 = arith.cmpi eq, %arg1, %eq3A : i32
    %convert_element_type3A = arith.extui %eq3A_15 : i1 to i32
    %cond3A = arith.constant 0 : i32
    %cond3A_16 = arith.cmpi ne, %convert_element_type3A, %cond3A : i32
    scf.if %cond3A_16 {
      "tpu.region"() ({
        %run_scoped3A = tpu.sem_alloc : memref<!tpu.dma_semaphore, #tpu.memory_space<semaphore_mem>>
        %dma_start3A = arith.constant 0 : i32
        %dma_start3A_46 = arith.constant 0 : i32
        %dma_start3A_47 = tpu.memref_slice %arg11[%dma_start3A, %dma_start3A_46] : memref<208x128xf32, #tpu.memory_space<vmem>> -> memref<16x128xf32, #tpu.memory_space<vmem>>
        %dma_start3A_48 = arith.constant 9984 : i32
        %dma_start3A_49 = arith.constant 0 : i32
        %dma_start3A_50 = tpu.memref_slice %arg13[%dma_start3A_48, %dma_start3A_49] : memref<10000x128xf32, #tpu.memory_space<vmem_shared>> -> memref<16x128xf32, #tpu.memory_space<vmem_shared>>
        %dma_start3A_51 = arith.constant 9984 : i32
        %dma_start3A_52 = arith.constant 0 : i32
        %dma_start3A_53 = tpu.memref_slice %arg13[%dma_start3A_51, %dma_start3A_52] : memref<10000x128xf32, #tpu.memory_space<vmem_shared>> -> memref<16x128xf32, #tpu.memory_space<vmem_shared>>
        %dma_start3A_54 = arith.constant 0 : i32
        %dma_start3A_55 = arith.constant 0 : i32
        %dma_start3A_56 = tpu.memref_slice %arg11[%dma_start3A_54, %dma_start3A_55] : memref<208x128xf32, #tpu.memory_space<vmem>> -> memref<16x128xf32, #tpu.memory_space<vmem>>
        tpu.enqueue_dma source(%dma_start3A_56 : memref<16x128xf32, #tpu.memory_space<vmem>>) target(%dma_start3A_53 : memref<16x128xf32, #tpu.memory_space<vmem_shared>>) target_semaphore(%run_scoped3A : memref<!tpu.dma_semaphore, #tpu.memory_space<semaphore_mem>>)
        %dma_wait3A = arith.constant 0 : i32
        %dma_wait3A_57 = arith.constant 0 : i32
        %dma_wait3A_58 = tpu.memref_slice %arg11[%dma_wait3A, %dma_wait3A_57] : memref<208x128xf32, #tpu.memory_space<vmem>> -> memref<16x128xf32, #tpu.memory_space<vmem>>
        %dma_wait3A_59 = arith.constant 9984 : i32
        %dma_wait3A_60 = arith.constant 0 : i32
        %dma_wait3A_61 = tpu.memref_slice %arg13[%dma_wait3A_59, %dma_wait3A_60] : memref<10000x128xf32, #tpu.memory_space<vmem_shared>> -> memref<16x128xf32, #tpu.memory_space<vmem_shared>>
        %dma_wait3A_62 = arith.constant 9984 : i32
        %dma_wait3A_63 = arith.constant 0 : i32
        %dma_wait3A_64 = tpu.memref_slice %arg13[%dma_wait3A_62, %dma_wait3A_63] : memref<10000x128xf32, #tpu.memory_space<vmem_shared>> -> memref<16x128xf32, #tpu.memory_space<vmem_shared>>
        %dma_wait3A_65 = arith.constant 0 : i32
        %dma_wait3A_66 = arith.constant 0 : i32
        %dma_wait3A_67 = tpu.memref_slice %arg11[%dma_wait3A_65, %dma_wait3A_66] : memref<208x128xf32, #tpu.memory_space<vmem>> -> memref<16x128xf32, #tpu.memory_space<vmem>>
        tpu.wait_dma2 semaphore(%run_scoped3A : memref<!tpu.dma_semaphore, #tpu.memory_space<semaphore_mem>>) src(%dma_wait3A_67 : memref<16x128xf32, #tpu.memory_space<vmem>>) dst(%dma_wait3A_64 : memref<16x128xf32, #tpu.memory_space<vmem_shared>>)
        tpu.yield
      }) : () -> ()
    } else {
    }
    %barrier3A = arith.constant 0 : index
    tpu.barrier barrier_id(%barrier3A)
    %mul3A_17 = arith.constant 16 : i32
    %mul3A_18 = arith.muli %arg0, %mul3A_17 : i32
    %add3A_19 = arith.addi %mul3A_18, %arg1 : i32
    %mul3A_20 = arith.constant 10000 : i32
    %mul3A_21 = arith.muli %add3A_19, %mul3A_20 : i32
    %scan3A_22 = arith.constant 0 : i32
    %scan3A_23 = arith.constant 0 : i32
    %scan3A_24 = arith.constant 125 : i32
    %scan3A_25 = arith.addi %scan3A_23, %scan3A_24 : i32
    %scan3A_26 = arith.constant 1 : i32
    scf.for %scan3A_46 = %scan3A_23 to %scan3A_25 step %scan3A_26  : i32 {
      %mul3A_47 = arith.constant 80 : i32
      %mul3A_48 = arith.muli %scan3A_46, %mul3A_47 : i32
      %add3A_49 = arith.addi %mul3A_21, %mul3A_48 : i32
      "tpu.region"() ({
        %run_scoped3A = tpu.sem_alloc : memref<!tpu.dma_semaphore, #tpu.memory_space<semaphore_mem>>
        %dma_start3A_60 = tpu.memref_slice %arg4[%add3A_49] : memref<320000xi32, #tpu.memory_space<hbm>> -> memref<80xi32, #tpu.memory_space<hbm>>
        %dma_start3A_61 = tpu.memref_slice %arg4[%add3A_49] : memref<320000xi32, #tpu.memory_space<hbm>> -> memref<80xi32, #tpu.memory_space<hbm>>
        tpu.enqueue_dma source(%dma_start3A_61 : memref<80xi32, #tpu.memory_space<hbm>>) target(%arg7 : memref<80xi32, #tpu.memory_space<vmem>>) target_semaphore(%run_scoped3A : memref<!tpu.dma_semaphore, #tpu.memory_space<semaphore_mem>>)
        %dma_wait3A_62 = tpu.memref_slice %arg4[%add3A_49] : memref<320000xi32, #tpu.memory_space<hbm>> -> memref<80xi32, #tpu.memory_space<hbm>>
        %dma_wait3A_63 = tpu.memref_slice %arg4[%add3A_49] : memref<320000xi32, #tpu.memory_space<hbm>> -> memref<80xi32, #tpu.memory_space<hbm>>
        tpu.wait_dma2 semaphore(%run_scoped3A : memref<!tpu.dma_semaphore, #tpu.memory_space<semaphore_mem>>) src(%dma_wait3A_63 : memref<80xi32, #tpu.memory_space<hbm>>) dst(%arg7 : memref<80xi32, #tpu.memory_space<vmem>>)
        tpu.yield
      }) : () -> ()
      "tpu.region"() ({
        %run_scoped3A = tpu.sem_alloc : memref<!tpu.dma_semaphore, #tpu.memory_space<semaphore_mem>>
        %dma_start3A_60 = tpu.memref_slice %arg5[%add3A_49] : memref<320000xi32, #tpu.memory_space<hbm>> -> memref<80xi32, #tpu.memory_space<hbm>>
        %dma_start3A_61 = tpu.memref_slice %arg5[%add3A_49] : memref<320000xi32, #tpu.memory_space<hbm>> -> memref<80xi32, #tpu.memory_space<hbm>>
        tpu.enqueue_dma source(%dma_start3A_61 : memref<80xi32, #tpu.memory_space<hbm>>) target(%arg8 : memref<80xi32, #tpu.memory_space<vmem>>) target_semaphore(%run_scoped3A : memref<!tpu.dma_semaphore, #tpu.memory_space<semaphore_mem>>)
        %dma_wait3A_62 = tpu.memref_slice %arg5[%add3A_49] : memref<320000xi32, #tpu.memory_space<hbm>> -> memref<80xi32, #tpu.memory_space<hbm>>
        %dma_wait3A_63 = tpu.memref_slice %arg5[%add3A_49] : memref<320000xi32, #tpu.memory_space<hbm>> -> memref<80xi32, #tpu.memory_space<hbm>>
        tpu.wait_dma2 semaphore(%run_scoped3A : memref<!tpu.dma_semaphore, #tpu.memory_space<semaphore_mem>>) src(%dma_wait3A_63 : memref<80xi32, #tpu.memory_space<hbm>>) dst(%arg8 : memref<80xi32, #tpu.memory_space<vmem>>)
        tpu.yield
      }) : () -> ()
      "tpu.region"() ({
        %run_scoped3A = tpu.sem_alloc : memref<!tpu.dma_semaphore, #tpu.memory_space<semaphore_mem>>
        %dma_start3A_60 = arith.constant 0 : i32
        %dma_start3A_61 = tpu.memref_slice %arg3[%add3A_49, %dma_start3A_60] : memref<320000x128xf32, #tpu.memory_space<hbm>> -> memref<80x128xf32, #tpu.memory_space<hbm>>
        %dma_start3A_62 = arith.constant 0 : i32
        %dma_start3A_63 = tpu.memref_slice %arg3[%add3A_49, %dma_start3A_62] : memref<320000x128xf32, #tpu.memory_space<hbm>> -> memref<80x128xf32, #tpu.memory_space<hbm>>
        tpu.enqueue_dma source(%dma_start3A_63 : memref<80x128xf32, #tpu.memory_space<hbm>>) target(%arg9 : memref<80x128xf32, #tpu.memory_space<vmem>>) target_semaphore(%run_scoped3A : memref<!tpu.dma_semaphore, #tpu.memory_space<semaphore_mem>>)
        %dma_wait3A_64 = arith.constant 0 : i32
        %dma_wait3A_65 = tpu.memref_slice %arg3[%add3A_49, %dma_wait3A_64] : memref<320000x128xf32, #tpu.memory_space<hbm>> -> memref<80x128xf32, #tpu.memory_space<hbm>>
        %dma_wait3A_66 = arith.constant 0 : i32
        %dma_wait3A_67 = tpu.memref_slice %arg3[%add3A_49, %dma_wait3A_66] : memref<320000x128xf32, #tpu.memory_space<hbm>> -> memref<80x128xf32, #tpu.memory_space<hbm>>
        tpu.wait_dma2 semaphore(%run_scoped3A : memref<!tpu.dma_semaphore, #tpu.memory_space<semaphore_mem>>) src(%dma_wait3A_67 : memref<80x128xf32, #tpu.memory_space<hbm>>) dst(%arg9 : memref<80x128xf32, #tpu.memory_space<vmem>>)
        tpu.yield
      }) : () -> ()
      %dma_start3A = arith.constant 0 : i32
      %dma_start3A_50 = arith.constant 0 : i32
      %dma_start3A_51 = tpu.memref_slice %arg2[%dma_start3A, %dma_start3A_50] : memref<10000x128xf32, #tpu.memory_space<hbm>> -> memref<10000x128xf32, #tpu.memory_space<hbm>>
      tpu.enqueue_indirect_dma source(%dma_start3A_51 : memref<10000x128xf32, #tpu.memory_space<hbm>>) target(%arg10 : memref<80x128xf32, #tpu.memory_space<vmem>>) offsets(%arg7 : memref<80xi32, #tpu.memory_space<vmem>>) semaphore(%arg12 : memref<!tpu.dma_semaphore, #tpu.memory_space<semaphore_mem>>)
      %dma_wait3A = arith.constant 0 : i32
      %dma_wait3A_52 = arith.constant 0 : i32
      %dma_wait3A_53 = tpu.memref_slice %arg2[%dma_wait3A, %dma_wait3A_52] : memref<10000x128xf32, #tpu.memory_space<hbm>> -> memref<10000x128xf32, #tpu.memory_space<hbm>>
      tpu.wait_indirect_dma semaphore(%arg12 : memref<!tpu.dma_semaphore, #tpu.memory_space<semaphore_mem>>) src(%dma_wait3A_53 : memref<10000x128xf32, #tpu.memory_space<hbm>>) dst(%arg10 : memref<80x128xf32, #tpu.memory_space<vmem>>)
      %scan3A_54 = arith.constant 0 : i32
      %scan3A_55 = arith.constant 0 : i32
      %scan3A_56 = arith.constant 80 : i32
      %scan3A_57 = arith.addi %scan3A_55, %scan3A_56 : i32
      %scan3A_58 = arith.constant 1 : i32
      scf.for %scan3A_60 = %scan3A_55 to %scan3A_57 step %scan3A_58  : i32 {
        %get3A = arith.index_cast %scan3A_60 : i32 to index
        %get3A_61 = arith.constant 0 : index
        %get3A_62 = tpu.vector_load %arg10[%get3A, %get3A_61] {strides = array<i32>} : memref<80x128xf32, #tpu.memory_space<vmem>>, vector<1x16xf32>,
        %get3A_63 = vector.shape_cast %get3A_62 : vector<1x16xf32> to vector<16xf32>
        %get3A_64 = arith.index_cast %scan3A_60 : i32 to index
        %get3A_65 = arith.constant 0 : index
        %get3A_66 = tpu.vector_load %arg9[%get3A_64, %get3A_65] {strides = array<i32>} : memref<80x128xf32, #tpu.memory_space<vmem>>, vector<1x16xf32>,
        %get3A_67 = vector.shape_cast %get3A_66 : vector<1x16xf32> to vector<16xf32>
        %add3A_68 = arith.addf %get3A_63, %get3A_67 : vector<16xf32>
        %max3A = arith.constant 0.000000e+00 : f32
        %max3A_69 = vector.broadcast %max3A : f32 to vector<16xf32>
        %max3A_70 = arith.maximumf %add3A_68, %max3A_69 : vector<16xf32>
        %swap3A = arith.index_cast %scan3A_60 : i32 to index
        %swap3A_71 = arith.constant 0 : index
        %swap3A_72 = tpu.vector_load %arg10[%swap3A, %swap3A_71] {strides = array<i32>} : memref<80x128xf32, #tpu.memory_space<vmem>>, vector<1x16xf32>,
        %swap3A_73 = vector.shape_cast %swap3A_72 : vector<1x16xf32> to vector<16xf32>
        %swap3A_74 = vector.shape_cast %max3A_70 : vector<16xf32> to vector<1x16xf32>
        tpu.vector_store %arg10[%swap3A, %swap3A_71], %swap3A_74 {strides = array<i32>} : memref<80x128xf32, #tpu.memory_space<vmem>>, vector<1x16xf32>,
        %get3A_75 = arith.index_cast %scan3A_60 : i32 to index
        %get3A_76 = arith.constant 16 : index
        %get3A_77 = tpu.vector_load %arg10[%get3A_75, %get3A_76] {strides = array<i32>} : memref<80x128xf32, #tpu.memory_space<vmem>>, vector<1x16xf32>,
        %get3A_78 = vector.shape_cast %get3A_77 : vector<1x16xf32> to vector<16xf32>
        %get3A_79 = arith.index_cast %scan3A_60 : i32 to index
        %get3A_80 = arith.constant 16 : index
        %get3A_81 = tpu.vector_load %arg9[%get3A_79, %get3A_80] {strides = array<i32>} : memref<80x128xf32, #tpu.memory_space<vmem>>, vector<1x16xf32>,
        %get3A_82 = vector.shape_cast %get3A_81 : vector<1x16xf32> to vector<16xf32>
        %add3A_83 = arith.addf %get3A_78, %get3A_82 : vector<16xf32>
        %max3A_84 = arith.constant 0.000000e+00 : f32
        %max3A_85 = vector.broadcast %max3A_84 : f32 to vector<16xf32>
        %max3A_86 = arith.maximumf %add3A_83, %max3A_85 : vector<16xf32>
        %swap3A_87 = arith.index_cast %scan3A_60 : i32 to index
        %swap3A_88 = arith.constant 16 : index
        %swap3A_89 = tpu.vector_load %arg10[%swap3A_87, %swap3A_88] {strides = array<i32>} : memref<80x128xf32, #tpu.memory_space<vmem>>, vector<1x16xf32>,
        %swap3A_90 = vector.shape_cast %swap3A_89 : vector<1x16xf32> to vector<16xf32>
        %swap3A_91 = vector.shape_cast %max3A_86 : vector<16xf32> to vector<1x16xf32>
        tpu.vector_store %arg10[%swap3A_87, %swap3A_88], %swap3A_91 {strides = array<i32>} : memref<80x128xf32, #tpu.memory_space<vmem>>, vector<1x16xf32>,
        %get3A_92 = arith.index_cast %scan3A_60 : i32 to index
        %get3A_93 = arith.constant 32 : index
        %get3A_94 = tpu.vector_load %arg10[%get3A_92, %get3A_93] {strides = array<i32>} : memref<80x128xf32, #tpu.memory_space<vmem>>, vector<1x16xf32>,
        %get3A_95 = vector.shape_cast %get3A_94 : vector<1x16xf32> to vector<16xf32>
        %get3A_96 = arith.index_cast %scan3A_60 : i32 to index
        %get3A_97 = arith.constant 32 : index
        %get3A_98 = tpu.vector_load %arg9[%get3A_96, %get3A_97] {strides = array<i32>} : memref<80x128xf32, #tpu.memory_space<vmem>>, vector<1x16xf32>,
        %get3A_99 = vector.shape_cast %get3A_98 : vector<1x16xf32> to vector<16xf32>
        %add3A_100 = arith.addf %get3A_95, %get3A_99 : vector<16xf32>
        %max3A_101 = arith.constant 0.000000e+00 : f32
        %max3A_102 = vector.broadcast %max3A_101 : f32 to vector<16xf32>
        %max3A_103 = arith.maximumf %add3A_100, %max3A_102 : vector<16xf32>
        %swap3A_104 = arith.index_cast %scan3A_60 : i32 to index
        %swap3A_105 = arith.constant 32 : index
        %swap3A_106 = tpu.vector_load %arg10[%swap3A_104, %swap3A_105] {strides = array<i32>} : memref<80x128xf32, #tpu.memory_space<vmem>>, vector<1x16xf32>,
        %swap3A_107 = vector.shape_cast %swap3A_106 : vector<1x16xf32> to vector<16xf32>
        %swap3A_108 = vector.shape_cast %max3A_103 : vector<16xf32> to vector<1x16xf32>
        tpu.vector_store %arg10[%swap3A_104, %swap3A_105], %swap3A_108 {strides = array<i32>} : memref<80x128xf32, #tpu.memory_space<vmem>>, vector<1x16xf32>,
        %get3A_109 = arith.index_cast %scan3A_60 : i32 to index
        %get3A_110 = arith.constant 48 : index
        %get3A_111 = tpu.vector_load %arg10[%get3A_109, %get3A_110] {strides = array<i32>} : memref<80x128xf32, #tpu.memory_space<vmem>>, vector<1x16xf32>,
        %get3A_112 = vector.shape_cast %get3A_111 : vector<1x16xf32> to vector<16xf32>
        %get3A_113 = arith.index_cast %scan3A_60 : i32 to index
        %get3A_114 = arith.constant 48 : index
        %get3A_115 = tpu.vector_load %arg9[%get3A_113, %get3A_114] {strides = array<i32>} : memref<80x128xf32, #tpu.memory_space<vmem>>, vector<1x16xf32>,
        %get3A_116 = vector.shape_cast %get3A_115 : vector<1x16xf32> to vector<16xf32>
        %add3A_117 = arith.addf %get3A_112, %get3A_116 : vector<16xf32>
        %max3A_118 = arith.constant 0.000000e+00 : f32
        %max3A_119 = vector.broadcast %max3A_118 : f32 to vector<16xf32>
        %max3A_120 = arith.maximumf %add3A_117, %max3A_119 : vector<16xf32>
        %swap3A_121 = arith.index_cast %scan3A_60 : i32 to index
        %swap3A_122 = arith.constant 48 : index
        %swap3A_123 = tpu.vector_load %arg10[%swap3A_121, %swap3A_122] {strides = array<i32>} : memref<80x128xf32, #tpu.memory_space<vmem>>, vector<1x16xf32>,
        %swap3A_124 = vector.shape_cast %swap3A_123 : vector<1x16xf32> to vector<16xf32>
        %swap3A_125 = vector.shape_cast %max3A_120 : vector<16xf32> to vector<1x16xf32>
        tpu.vector_store %arg10[%swap3A_121, %swap3A_122], %swap3A_125 {strides = array<i32>} : memref<80x128xf32, #tpu.memory_space<vmem>>, vector<1x16xf32>,
        %get3A_126 = arith.index_cast %scan3A_60 : i32 to index
        %get3A_127 = arith.constant 64 : index
        %get3A_128 = tpu.vector_load %arg10[%get3A_126, %get3A_127] {strides = array<i32>} : memref<80x128xf32, #tpu.memory_space<vmem>>, vector<1x16xf32>,
        %get3A_129 = vector.shape_cast %get3A_128 : vector<1x16xf32> to vector<16xf32>
        %get3A_130 = arith.index_cast %scan3A_60 : i32 to index
        %get3A_131 = arith.constant 64 : index
        %get3A_132 = tpu.vector_load %arg9[%get3A_130, %get3A_131] {strides = array<i32>} : memref<80x128xf32, #tpu.memory_space<vmem>>, vector<1x16xf32>,
        %get3A_133 = vector.shape_cast %get3A_132 : vector<1x16xf32> to vector<16xf32>
        %add3A_134 = arith.addf %get3A_129, %get3A_133 : vector<16xf32>
        %max3A_135 = arith.constant 0.000000e+00 : f32
        %max3A_136 = vector.broadcast %max3A_135 : f32 to vector<16xf32>
        %max3A_137 = arith.maximumf %add3A_134, %max3A_136 : vector<16xf32>
        %swap3A_138 = arith.index_cast %scan3A_60 : i32 to index
        %swap3A_139 = arith.constant 64 : index
        %swap3A_140 = tpu.vector_load %arg10[%swap3A_138, %swap3A_139] {strides = array<i32>} : memref<80x128xf32, #tpu.memory_space<vmem>>, vector<1x16xf32>,
        %swap3A_141 = vector.shape_cast %swap3A_140 : vector<1x16xf32> to vector<16xf32>
        %swap3A_142 = vector.shape_cast %max3A_137 : vector<16xf32> to vector<1x16xf32>
        tpu.vector_store %arg10[%swap3A_138, %swap3A_139], %swap3A_142 {strides = array<i32>} : memref<80x128xf32, #tpu.memory_space<vmem>>, vector<1x16xf32>,
        %get3A_143 = arith.index_cast %scan3A_60 : i32 to index
        %get3A_144 = arith.constant 80 : index
        %get3A_145 = tpu.vector_load %arg10[%get3A_143, %get3A_144] {strides = array<i32>} : memref<80x128xf32, #tpu.memory_space<vmem>>, vector<1x16xf32>,
        %get3A_146 = vector.shape_cast %get3A_145 : vector<1x16xf32> to vector<16xf32>
        %get3A_147 = arith.index_cast %scan3A_60 : i32 to index
        %get3A_148 = arith.constant 80 : index
        %get3A_149 = tpu.vector_load %arg9[%get3A_147, %get3A_148] {strides = array<i32>} : memref<80x128xf32, #tpu.memory_space<vmem>>, vector<1x16xf32>,
        %get3A_150 = vector.shape_cast %get3A_149 : vector<1x16xf32> to vector<16xf32>
        %add3A_151 = arith.addf %get3A_146, %get3A_150 : vector<16xf32>
        %max3A_152 = arith.constant 0.000000e+00 : f32
        %max3A_153 = vector.broadcast %max3A_152 : f32 to vector<16xf32>
        %max3A_154 = arith.maximumf %add3A_151, %max3A_153 : vector<16xf32>
        %swap3A_155 = arith.index_cast %scan3A_60 : i32 to index
        %swap3A_156 = arith.constant 80 : index
        %swap3A_157 = tpu.vector_load %arg10[%swap3A_155, %swap3A_156] {strides = array<i32>} : memref<80x128xf32, #tpu.memory_space<vmem>>, vector<1x16xf32>,
        %swap3A_158 = vector.shape_cast %swap3A_157 : vector<1x16xf32> to vector<16xf32>
        %swap3A_159 = vector.shape_cast %max3A_154 : vector<16xf32> to vector<1x16xf32>
        tpu.vector_store %arg10[%swap3A_155, %swap3A_156], %swap3A_159 {strides = array<i32>} : memref<80x128xf32, #tpu.memory_space<vmem>>, vector<1x16xf32>,
        %get3A_160 = arith.index_cast %scan3A_60 : i32 to index
        %get3A_161 = arith.constant 96 : index
        %get3A_162 = tpu.vector_load %arg10[%get3A_160, %get3A_161] {strides = array<i32>} : memref<80x128xf32, #tpu.memory_space<vmem>>, vector<1x16xf32>,
        %get3A_163 = vector.shape_cast %get3A_162 : vector<1x16xf32> to vector<16xf32>
        %get3A_164 = arith.index_cast %scan3A_60 : i32 to index
        %get3A_165 = arith.constant 96 : index
        %get3A_166 = tpu.vector_load %arg9[%get3A_164, %get3A_165] {strides = array<i32>} : memref<80x128xf32, #tpu.memory_space<vmem>>, vector<1x16xf32>,
        %get3A_167 = vector.shape_cast %get3A_166 : vector<1x16xf32> to vector<16xf32>
        %add3A_168 = arith.addf %get3A_163, %get3A_167 : vector<16xf32>
        %max3A_169 = arith.constant 0.000000e+00 : f32
        %max3A_170 = vector.broadcast %max3A_169 : f32 to vector<16xf32>
        %max3A_171 = arith.maximumf %add3A_168, %max3A_170 : vector<16xf32>
        %swap3A_172 = arith.index_cast %scan3A_60 : i32 to index
        %swap3A_173 = arith.constant 96 : index
        %swap3A_174 = tpu.vector_load %arg10[%swap3A_172, %swap3A_173] {strides = array<i32>} : memref<80x128xf32, #tpu.memory_space<vmem>>, vector<1x16xf32>,
        %swap3A_175 = vector.shape_cast %swap3A_174 : vector<1x16xf32> to vector<16xf32>
        %swap3A_176 = vector.shape_cast %max3A_171 : vector<16xf32> to vector<1x16xf32>
        tpu.vector_store %arg10[%swap3A_172, %swap3A_173], %swap3A_176 {strides = array<i32>} : memref<80x128xf32, #tpu.memory_space<vmem>>, vector<1x16xf32>,
        %get3A_177 = arith.index_cast %scan3A_60 : i32 to index
        %get3A_178 = arith.constant 112 : index
        %get3A_179 = tpu.vector_load %arg10[%get3A_177, %get3A_178] {strides = array<i32>} : memref<80x128xf32, #tpu.memory_space<vmem>>, vector<1x16xf32>,
        %get3A_180 = vector.shape_cast %get3A_179 : vector<1x16xf32> to vector<16xf32>
        %get3A_181 = arith.index_cast %scan3A_60 : i32 to index
        %get3A_182 = arith.constant 112 : index
        %get3A_183 = tpu.vector_load %arg9[%get3A_181, %get3A_182] {strides = array<i32>} : memref<80x128xf32, #tpu.memory_space<vmem>>, vector<1x16xf32>,
        %get3A_184 = vector.shape_cast %get3A_183 : vector<1x16xf32> to vector<16xf32>
        %add3A_185 = arith.addf %get3A_180, %get3A_184 : vector<16xf32>
        %max3A_186 = arith.constant 0.000000e+00 : f32
        %max3A_187 = vector.broadcast %max3A_186 : f32 to vector<16xf32>
        %max3A_188 = arith.maximumf %add3A_185, %max3A_187 : vector<16xf32>
        %swap3A_189 = arith.index_cast %scan3A_60 : i32 to index
        %swap3A_190 = arith.constant 112 : index
        %swap3A_191 = tpu.vector_load %arg10[%swap3A_189, %swap3A_190] {strides = array<i32>} : memref<80x128xf32, #tpu.memory_space<vmem>>, vector<1x16xf32>,
        %swap3A_192 = vector.shape_cast %swap3A_191 : vector<1x16xf32> to vector<16xf32>
        %swap3A_193 = vector.shape_cast %max3A_188 : vector<16xf32> to vector<1x16xf32>
        tpu.vector_store %arg10[%swap3A_189, %swap3A_190], %swap3A_193 {strides = array<i32>} : memref<80x128xf32, #tpu.memory_space<vmem>>, vector<1x16xf32>,
      }
      %scan3A_59 = arith.constant 80 : i32
      "tpu.region"() ({
        %run_scoped3A = tpu.sem_alloc : memref<!tpu.dma_semaphore, #tpu.memory_space<semaphore_mem>>
        %dma_start3A_60 = arith.constant 0 : i32
        %dma_start3A_61 = arith.constant 0 : i32
        %dma_start3A_62 = tpu.memref_slice %arg13[%dma_start3A_60, %dma_start3A_61] : memref<10000x128xf32, #tpu.memory_space<vmem_shared>> -> memref<10000x128xf32, #tpu.memory_space<vmem_shared>>
        tpu.enqueue_indirect_dma source(%arg10 : memref<80x128xf32, #tpu.memory_space<vmem>>) target(%dma_start3A_62 : memref<10000x128xf32, #tpu.memory_space<vmem_shared>>) offsets(%arg8 : memref<80xi32, #tpu.memory_space<vmem>>) semaphore(%run_scoped3A : memref<!tpu.dma_semaphore, #tpu.memory_space<semaphore_mem>>) {add = true}
        %dma_wait3A_63 = arith.constant 0 : i32
        %dma_wait3A_64 = arith.constant 0 : i32
        %dma_wait3A_65 = tpu.memref_slice %arg13[%dma_wait3A_63, %dma_wait3A_64] : memref<10000x128xf32, #tpu.memory_space<vmem_shared>> -> memref<10000x128xf32, #tpu.memory_space<vmem_shared>>
        tpu.wait_indirect_dma semaphore(%run_scoped3A : memref<!tpu.dma_semaphore, #tpu.memory_space<semaphore_mem>>) src(%arg10 : memref<80x128xf32, #tpu.memory_space<vmem>>) dst(%dma_wait3A_65 : memref<10000x128xf32, #tpu.memory_space<vmem_shared>>)
        tpu.yield
      }) : () -> ()
    }
    %scan3A_27 = arith.constant 125 : i32
    %barrier3A_28 = arith.constant 0 : index
    tpu.barrier barrier_id(%barrier3A_28)
    %mul3A_29 = arith.constant 624 : i32
    %mul3A_30 = arith.muli %arg1, %mul3A_29 : i32
    %add3A_31 = arith.constant 0 : i32
    %add3A_32 = arith.addi %mul3A_30, %add3A_31 : i32
    "tpu.region"() ({
      %run_scoped3A = tpu.sem_alloc : memref<!tpu.dma_semaphore, #tpu.memory_space<semaphore_mem>>
      %dma_start3A = arith.constant 0 : i32
      %dma_start3A_46 = tpu.memref_slice %arg13[%add3A_32, %dma_start3A] : memref<10000x128xf32, #tpu.memory_space<vmem_shared>> -> memref<208x128xf32, #tpu.memory_space<vmem_shared>>
      %dma_start3A_47 = arith.constant 0 : i32
      %dma_start3A_48 = tpu.memref_slice %arg13[%add3A_32, %dma_start3A_47] : memref<10000x128xf32, #tpu.memory_space<vmem_shared>> -> memref<208x128xf32, #tpu.memory_space<vmem_shared>>
      tpu.enqueue_dma source(%dma_start3A_48 : memref<208x128xf32, #tpu.memory_space<vmem_shared>>) target(%arg11 : memref<208x128xf32, #tpu.memory_space<vmem>>) target_semaphore(%run_scoped3A : memref<!tpu.dma_semaphore, #tpu.memory_space<semaphore_mem>>)
      %dma_wait3A = arith.constant 0 : i32
      %dma_wait3A_49 = tpu.memref_slice %arg13[%add3A_32, %dma_wait3A] : memref<10000x128xf32, #tpu.memory_space<vmem_shared>> -> memref<208x128xf32, #tpu.memory_space<vmem_shared>>
      %dma_wait3A_50 = arith.constant 0 : i32
      %dma_wait3A_51 = tpu.memref_slice %arg13[%add3A_32, %dma_wait3A_50] : memref<10000x128xf32, #tpu.memory_space<vmem_shared>> -> memref<208x128xf32, #tpu.memory_space<vmem_shared>>
      tpu.wait_dma2 semaphore(%run_scoped3A : memref<!tpu.dma_semaphore, #tpu.memory_space<semaphore_mem>>) src(%dma_wait3A_51 : memref<208x128xf32, #tpu.memory_space<vmem_shared>>) dst(%arg11 : memref<208x128xf32, #tpu.memory_space<vmem>>)
      tpu.yield
    }) : () -> ()
    "tpu.region"() ({
      %run_scoped3A = tpu.sem_alloc : memref<!tpu.dma_semaphore, #tpu.memory_space<semaphore_mem>>
      %dma_start3A = arith.constant 0 : i32
      %dma_start3A_46 = tpu.memref_slice %arg6[%arg0, %add3A_32, %dma_start3A] : memref<2x10000x128xf32, #tpu.memory_space<hbm>> -> memref<1x208x128xf32, #tpu.memory_space<hbm>>
      %dma_start3A_47 = tpu.memref_squeeze %dma_start3A_46 : memref<1x208x128xf32, #tpu.memory_space<hbm>> -> memref<208x128xf32, #tpu.memory_space<hbm>>
      %dma_start3A_48 = arith.constant 0 : i32
      %dma_start3A_49 = tpu.memref_slice %arg6[%arg0, %add3A_32, %dma_start3A_48] : memref<2x10000x128xf32, #tpu.memory_space<hbm>> -> memref<1x208x128xf32, #tpu.memory_space<hbm>>
      %dma_start3A_50 = tpu.memref_squeeze %dma_start3A_49 : memref<1x208x128xf32, #tpu.memory_space<hbm>> -> memref<208x128xf32, #tpu.memory_space<hbm>>
      tpu.enqueue_dma source(%arg11 : memref<208x128xf32, #tpu.memory_space<vmem>>) target(%dma_start3A_50 : memref<208x128xf32, #tpu.memory_space<hbm>>) target_semaphore(%run_scoped3A : memref<!tpu.dma_semaphore, #tpu.memory_space<semaphore_mem>>)
      %dma_wait3A = arith.constant 0 : i32
      %dma_wait3A_51 = tpu.memref_slice %arg6[%arg0, %add3A_32, %dma_wait3A] : memref<2x10000x128xf32, #tpu.memory_space<hbm>> -> memref<1x208x128xf32, #tpu.memory_space<hbm>>
      %dma_wait3A_52 = tpu.memref_squeeze %dma_wait3A_51 : memref<1x208x128xf32, #tpu.memory_space<hbm>> -> memref<208x128xf32, #tpu.memory_space<hbm>>
      %dma_wait3A_53 = arith.constant 0 : i32
      %dma_wait3A_54 = tpu.memref_slice %arg6[%arg0, %add3A_32, %dma_wait3A_53] : memref<2x10000x128xf32, #tpu.memory_space<hbm>> -> memref<1x208x128xf32, #tpu.memory_space<hbm>>
      %dma_wait3A_55 = tpu.memref_squeeze %dma_wait3A_54 : memref<1x208x128xf32, #tpu.memory_space<hbm>> -> memref<208x128xf32, #tpu.memory_space<hbm>>
      tpu.wait_dma2 semaphore(%run_scoped3A : memref<!tpu.dma_semaphore, #tpu.memory_space<semaphore_mem>>) src(%arg11 : memref<208x128xf32, #tpu.memory_space<vmem>>) dst(%dma_wait3A_55 : memref<208x128xf32, #tpu.memory_space<hbm>>)
      tpu.yield
    }) : () -> ()
    %mul3A_33 = arith.constant 624 : i32
    %mul3A_34 = arith.muli %arg1, %mul3A_33 : i32
    %add3A_35 = arith.constant 208 : i32
    %add3A_36 = arith.addi %mul3A_34, %add3A_35 : i32
    "tpu.region"() ({
      %run_scoped3A = tpu.sem_alloc : memref<!tpu.dma_semaphore, #tpu.memory_space<semaphore_mem>>
      %dma_start3A = arith.constant 0 : i32
      %dma_start3A_46 = tpu.memref_slice %arg13[%add3A_36, %dma_start3A] : memref<10000x128xf32, #tpu.memory_space<vmem_shared>> -> memref<208x128xf32, #tpu.memory_space<vmem_shared>>
      %dma_start3A_47 = arith.constant 0 : i32
      %dma_start3A_48 = tpu.memref_slice %arg13[%add3A_36, %dma_start3A_47] : memref<10000x128xf32, #tpu.memory_space<vmem_shared>> -> memref<208x128xf32, #tpu.memory_space<vmem_shared>>
      tpu.enqueue_dma source(%dma_start3A_48 : memref<208x128xf32, #tpu.memory_space<vmem_shared>>) target(%arg11 : memref<208x128xf32, #tpu.memory_space<vmem>>) target_semaphore(%run_scoped3A : memref<!tpu.dma_semaphore, #tpu.memory_space<semaphore_mem>>)
      %dma_wait3A = arith.constant 0 : i32
      %dma_wait3A_49 = tpu.memref_slice %arg13[%add3A_36, %dma_wait3A] : memref<10000x128xf32, #tpu.memory_space<vmem_shared>> -> memref<208x128xf32, #tpu.memory_space<vmem_shared>>
      %dma_wait3A_50 = arith.constant 0 : i32
      %dma_wait3A_51 = tpu.memref_slice %arg13[%add3A_36, %dma_wait3A_50] : memref<10000x128xf32, #tpu.memory_space<vmem_shared>> -> memref<208x128xf32, #tpu.memory_space<vmem_shared>>
      tpu.wait_dma2 semaphore(%run_scoped3A : memref<!tpu.dma_semaphore, #tpu.memory_space<semaphore_mem>>) src(%dma_wait3A_51 : memref<208x128xf32, #tpu.memory_space<vmem_shared>>) dst(%arg11 : memref<208x128xf32, #tpu.memory_space<vmem>>)
      tpu.yield
    }) : () -> ()
    "tpu.region"() ({
      %run_scoped3A = tpu.sem_alloc : memref<!tpu.dma_semaphore, #tpu.memory_space<semaphore_mem>>
      %dma_start3A = arith.constant 0 : i32
      %dma_start3A_46 = tpu.memref_slice %arg6[%arg0, %add3A_36, %dma_start3A] : memref<2x10000x128xf32, #tpu.memory_space<hbm>> -> memref<1x208x128xf32, #tpu.memory_space<hbm>>
      %dma_start3A_47 = tpu.memref_squeeze %dma_start3A_46 : memref<1x208x128xf32, #tpu.memory_space<hbm>> -> memref<208x128xf32, #tpu.memory_space<hbm>>
      %dma_start3A_48 = arith.constant 0 : i32
      %dma_start3A_49 = tpu.memref_slice %arg6[%arg0, %add3A_36, %dma_start3A_48] : memref<2x10000x128xf32, #tpu.memory_space<hbm>> -> memref<1x208x128xf32, #tpu.memory_space<hbm>>
      %dma_start3A_50 = tpu.memref_squeeze %dma_start3A_49 : memref<1x208x128xf32, #tpu.memory_space<hbm>> -> memref<208x128xf32, #tpu.memory_space<hbm>>
      tpu.enqueue_dma source(%arg11 : memref<208x128xf32, #tpu.memory_space<vmem>>) target(%dma_start3A_50 : memref<208x128xf32, #tpu.memory_space<hbm>>) target_semaphore(%run_scoped3A : memref<!tpu.dma_semaphore, #tpu.memory_space<semaphore_mem>>)
      %dma_wait3A = arith.constant 0 : i32
      %dma_wait3A_51 = tpu.memref_slice %arg6[%arg0, %add3A_36, %dma_wait3A] : memref<2x10000x128xf32, #tpu.memory_space<hbm>> -> memref<1x208x128xf32, #tpu.memory_space<hbm>>
      %dma_wait3A_52 = tpu.memref_squeeze %dma_wait3A_51 : memref<1x208x128xf32, #tpu.memory_space<hbm>> -> memref<208x128xf32, #tpu.memory_space<hbm>>
      %dma_wait3A_53 = arith.constant 0 : i32
      %dma_wait3A_54 = tpu.memref_slice %arg6[%arg0, %add3A_36, %dma_wait3A_53] : memref<2x10000x128xf32, #tpu.memory_space<hbm>> -> memref<1x208x128xf32, #tpu.memory_space<hbm>>
      %dma_wait3A_55 = tpu.memref_squeeze %dma_wait3A_54 : memref<1x208x128xf32, #tpu.memory_space<hbm>> -> memref<208x128xf32, #tpu.memory_space<hbm>>
      tpu.wait_dma2 semaphore(%run_scoped3A : memref<!tpu.dma_semaphore, #tpu.memory_space<semaphore_mem>>) src(%arg11 : memref<208x128xf32, #tpu.memory_space<vmem>>) dst(%dma_wait3A_55 : memref<208x128xf32, #tpu.memory_space<hbm>>)
      tpu.yield
    }) : () -> ()
    %mul3A_37 = arith.constant 624 : i32
    %mul3A_38 = arith.muli %arg1, %mul3A_37 : i32
    %add3A_39 = arith.constant 416 : i32
    %add3A_40 = arith.addi %mul3A_38, %add3A_39 : i32
    "tpu.region"() ({
      %run_scoped3A = tpu.sem_alloc : memref<!tpu.dma_semaphore, #tpu.memory_space<semaphore_mem>>
      %dma_start3A = arith.constant 0 : i32
      %dma_start3A_46 = tpu.memref_slice %arg13[%add3A_40, %dma_start3A] : memref<10000x128xf32, #tpu.memory_space<vmem_shared>> -> memref<208x128xf32, #tpu.memory_space<vmem_shared>>
      %dma_start3A_47 = arith.constant 0 : i32
      %dma_start3A_48 = tpu.memref_slice %arg13[%add3A_40, %dma_start3A_47] : memref<10000x128xf32, #tpu.memory_space<vmem_shared>> -> memref<208x128xf32, #tpu.memory_space<vmem_shared>>
      tpu.enqueue_dma source(%dma_start3A_48 : memref<208x128xf32, #tpu.memory_space<vmem_shared>>) target(%arg11 : memref<208x128xf32, #tpu.memory_space<vmem>>) target_semaphore(%run_scoped3A : memref<!tpu.dma_semaphore, #tpu.memory_space<semaphore_mem>>)
      %dma_wait3A = arith.constant 0 : i32
      %dma_wait3A_49 = tpu.memref_slice %arg13[%add3A_40, %dma_wait3A] : memref<10000x128xf32, #tpu.memory_space<vmem_shared>> -> memref<208x128xf32, #tpu.memory_space<vmem_shared>>
      %dma_wait3A_50 = arith.constant 0 : i32
      %dma_wait3A_51 = tpu.memref_slice %arg13[%add3A_40, %dma_wait3A_50] : memref<10000x128xf32, #tpu.memory_space<vmem_shared>> -> memref<208x128xf32, #tpu.memory_space<vmem_shared>>
      tpu.wait_dma2 semaphore(%run_scoped3A : memref<!tpu.dma_semaphore, #tpu.memory_space<semaphore_mem>>) src(%dma_wait3A_51 : memref<208x128xf32, #tpu.memory_space<vmem_shared>>) dst(%arg11 : memref<208x128xf32, #tpu.memory_space<vmem>>)
      tpu.yield
    }) : () -> ()
    "tpu.region"() ({
      %run_scoped3A = tpu.sem_alloc : memref<!tpu.dma_semaphore, #tpu.memory_space<semaphore_mem>>
      %dma_start3A = arith.constant 0 : i32
      %dma_start3A_46 = tpu.memref_slice %arg6[%arg0, %add3A_40, %dma_start3A] : memref<2x10000x128xf32, #tpu.memory_space<hbm>> -> memref<1x208x128xf32, #tpu.memory_space<hbm>>
      %dma_start3A_47 = tpu.memref_squeeze %dma_start3A_46 : memref<1x208x128xf32, #tpu.memory_space<hbm>> -> memref<208x128xf32, #tpu.memory_space<hbm>>
      %dma_start3A_48 = arith.constant 0 : i32
      %dma_start3A_49 = tpu.memref_slice %arg6[%arg0, %add3A_40, %dma_start3A_48] : memref<2x10000x128xf32, #tpu.memory_space<hbm>> -> memref<1x208x128xf32, #tpu.memory_space<hbm>>
      %dma_start3A_50 = tpu.memref_squeeze %dma_start3A_49 : memref<1x208x128xf32, #tpu.memory_space<hbm>> -> memref<208x128xf32, #tpu.memory_space<hbm>>
      tpu.enqueue_dma source(%arg11 : memref<208x128xf32, #tpu.memory_space<vmem>>) target(%dma_start3A_50 : memref<208x128xf32, #tpu.memory_space<hbm>>) target_semaphore(%run_scoped3A : memref<!tpu.dma_semaphore, #tpu.memory_space<semaphore_mem>>)
      %dma_wait3A = arith.constant 0 : i32
      %dma_wait3A_51 = tpu.memref_slice %arg6[%arg0, %add3A_40, %dma_wait3A] : memref<2x10000x128xf32, #tpu.memory_space<hbm>> -> memref<1x208x128xf32, #tpu.memory_space<hbm>>
      %dma_wait3A_52 = tpu.memref_squeeze %dma_wait3A_51 : memref<1x208x128xf32, #tpu.memory_space<hbm>> -> memref<208x128xf32, #tpu.memory_space<hbm>>
      %dma_wait3A_53 = arith.constant 0 : i32
      %dma_wait3A_54 = tpu.memref_slice %arg6[%arg0, %add3A_40, %dma_wait3A_53] : memref<2x10000x128xf32, #tpu.memory_space<hbm>> -> memref<1x208x128xf32, #tpu.memory_space<hbm>>
      %dma_wait3A_55 = tpu.memref_squeeze %dma_wait3A_54 : memref<1x208x128xf32, #tpu.memory_space<hbm>> -> memref<208x128xf32, #tpu.memory_space<hbm>>
      tpu.wait_dma2 semaphore(%run_scoped3A : memref<!tpu.dma_semaphore, #tpu.memory_space<semaphore_mem>>) src(%arg11 : memref<208x128xf32, #tpu.memory_space<vmem>>) dst(%dma_wait3A_55 : memref<208x128xf32, #tpu.memory_space<hbm>>)
      tpu.yield
    }) : () -> ()
    %eq3A_41 = arith.constant 0 : i32
    %eq3A_42 = arith.cmpi eq, %arg1, %eq3A_41 : i32
    %convert_element_type3A_43 = arith.extui %eq3A_42 : i1 to i32
    %cond3A_44 = arith.constant 0 : i32
    %cond3A_45 = arith.cmpi ne, %convert_element_type3A_43, %cond3A_44 : i32
    scf.if %cond3A_45 {
      "tpu.region"() ({
        %run_scoped3A = tpu.sem_alloc : memref<!tpu.dma_semaphore, #tpu.memory_space<semaphore_mem>>
        %dma_start3A = arith.constant 0 : i32
        %dma_start3A_46 = arith.constant 0 : i32
        %dma_start3A_47 = tpu.memref_slice %arg11[%dma_start3A, %dma_start3A_46] : memref<208x128xf32, #tpu.memory_space<vmem>> -> memref<16x128xf32, #tpu.memory_space<vmem>>
        %dma_start3A_48 = arith.constant 9984 : i32
        %dma_start3A_49 = arith.constant 0 : i32
        %dma_start3A_50 = tpu.memref_slice %arg13[%dma_start3A_48, %dma_start3A_49] : memref<10000x128xf32, #tpu.memory_space<vmem_shared>> -> memref<16x128xf32, #tpu.memory_space<vmem_shared>>
        %dma_start3A_51 = arith.constant 0 : i32
        %dma_start3A_52 = arith.constant 0 : i32
        %dma_start3A_53 = tpu.memref_slice %arg11[%dma_start3A_51, %dma_start3A_52] : memref<208x128xf32, #tpu.memory_space<vmem>> -> memref<16x128xf32, #tpu.memory_space<vmem>>
        %dma_start3A_54 = arith.constant 9984 : i32
        %dma_start3A_55 = arith.constant 0 : i32
        %dma_start3A_56 = tpu.memref_slice %arg13[%dma_start3A_54, %dma_start3A_55] : memref<10000x128xf32, #tpu.memory_space<vmem_shared>> -> memref<16x128xf32, #tpu.memory_space<vmem_shared>>
        tpu.enqueue_dma source(%dma_start3A_56 : memref<16x128xf32, #tpu.memory_space<vmem_shared>>) target(%dma_start3A_53 : memref<16x128xf32, #tpu.memory_space<vmem>>) target_semaphore(%run_scoped3A : memref<!tpu.dma_semaphore, #tpu.memory_space<semaphore_mem>>)
        %dma_wait3A = arith.constant 0 : i32
        %dma_wait3A_57 = arith.constant 0 : i32
        %dma_wait3A_58 = tpu.memref_slice %arg11[%dma_wait3A, %dma_wait3A_57] : memref<208x128xf32, #tpu.memory_space<vmem>> -> memref<16x128xf32, #tpu.memory_space<vmem>>
        %dma_wait3A_59 = arith.constant 9984 : i32
        %dma_wait3A_60 = arith.constant 0 : i32
        %dma_wait3A_61 = tpu.memref_slice %arg13[%dma_wait3A_59, %dma_wait3A_60] : memref<10000x128xf32, #tpu.memory_space<vmem_shared>> -> memref<16x128xf32, #tpu.memory_space<vmem_shared>>
        %dma_wait3A_62 = arith.constant 0 : i32
        %dma_wait3A_63 = arith.constant 0 : i32
        %dma_wait3A_64 = tpu.memref_slice %arg11[%dma_wait3A_62, %dma_wait3A_63] : memref<208x128xf32, #tpu.memory_space<vmem>> -> memref<16x128xf32, #tpu.memory_space<vmem>>
        %dma_wait3A_65 = arith.constant 9984 : i32
        %dma_wait3A_66 = arith.constant 0 : i32
        %dma_wait3A_67 = tpu.memref_slice %arg13[%dma_wait3A_65, %dma_wait3A_66] : memref<10000x128xf32, #tpu.memory_space<vmem_shared>> -> memref<16x128xf32, #tpu.memory_space<vmem_shared>>
        tpu.wait_dma2 semaphore(%run_scoped3A : memref<!tpu.dma_semaphore, #tpu.memory_space<semaphore_mem>>) src(%dma_wait3A_67 : memref<16x128xf32, #tpu.memory_space<vmem_shared>>) dst(%dma_wait3A_64 : memref<16x128xf32, #tpu.memory_space<vmem>>)
        tpu.yield
      }) : () -> ()
      "tpu.region"() ({
        %run_scoped3A = tpu.sem_alloc : memref<!tpu.dma_semaphore, #tpu.memory_space<semaphore_mem>>
        %dma_start3A = arith.constant 0 : i32
        %dma_start3A_46 = arith.constant 0 : i32
        %dma_start3A_47 = tpu.memref_slice %arg11[%dma_start3A, %dma_start3A_46] : memref<208x128xf32, #tpu.memory_space<vmem>> -> memref<16x128xf32, #tpu.memory_space<vmem>>
        %dma_start3A_48 = arith.constant 9984 : i32
        %dma_start3A_49 = arith.constant 0 : i32
        %dma_start3A_50 = tpu.memref_slice %arg6[%arg0, %dma_start3A_48, %dma_start3A_49] : memref<2x10000x128xf32, #tpu.memory_space<hbm>> -> memref<1x16x128xf32, #tpu.memory_space<hbm>>
        %dma_start3A_51 = tpu.memref_squeeze %dma_start3A_50 : memref<1x16x128xf32, #tpu.memory_space<hbm>> -> memref<16x128xf32, #tpu.memory_space<hbm>>
        %dma_start3A_52 = arith.constant 9984 : i32
        %dma_start3A_53 = arith.constant 0 : i32
        %dma_start3A_54 = tpu.memref_slice %arg6[%arg0, %dma_start3A_52, %dma_start3A_53] : memref<2x10000x128xf32, #tpu.memory_space<hbm>> -> memref<1x16x128xf32, #tpu.memory_space<hbm>>
        %dma_start3A_55 = tpu.memref_squeeze %dma_start3A_54 : memref<1x16x128xf32, #tpu.memory_space<hbm>> -> memref<16x128xf32, #tpu.memory_space<hbm>>
        %dma_start3A_56 = arith.constant 0 : i32
        %dma_start3A_57 = arith.constant 0 : i32
        %dma_start3A_58 = tpu.memref_slice %arg11[%dma_start3A_56, %dma_start3A_57] : memref<208x128xf32, #tpu.memory_space<vmem>> -> memref<16x128xf32, #tpu.memory_space<vmem>>
        tpu.enqueue_dma source(%dma_start3A_58 : memref<16x128xf32, #tpu.memory_space<vmem>>) target(%dma_start3A_55 : memref<16x128xf32, #tpu.memory_space<hbm>>) target_semaphore(%run_scoped3A : memref<!tpu.dma_semaphore, #tpu.memory_space<semaphore_mem>>)
        %dma_wait3A = arith.constant 0 : i32
        %dma_wait3A_59 = arith.constant 0 : i32
        %dma_wait3A_60 = tpu.memref_slice %arg11[%dma_wait3A, %dma_wait3A_59] : memref<208x128xf32, #tpu.memory_space<vmem>> -> memref<16x128xf32, #tpu.memory_space<vmem>>
        %dma_wait3A_61 = arith.constant 9984 : i32
        %dma_wait3A_62 = arith.constant 0 : i32
        %dma_wait3A_63 = tpu.memref_slice %arg6[%arg0, %dma_wait3A_61, %dma_wait3A_62] : memref<2x10000x128xf32, #tpu.memory_space<hbm>> -> memref<1x16x128xf32, #tpu.memory_space<hbm>>
        %dma_wait3A_64 = tpu.memref_squeeze %dma_wait3A_63 : memref<1x16x128xf32, #tpu.memory_space<hbm>> -> memref<16x128xf32, #tpu.memory_space<hbm>>
        %dma_wait3A_65 = arith.constant 9984 : i32
        %dma_wait3A_66 = arith.constant 0 : i32
        %dma_wait3A_67 = tpu.memref_slice %arg6[%arg0, %dma_wait3A_65, %dma_wait3A_66] : memref<2x10000x128xf32, #tpu.memory_space<hbm>> -> memref<1x16x128xf32, #tpu.memory_space<hbm>>
        %dma_wait3A_68 = tpu.memref_squeeze %dma_wait3A_67 : memref<1x16x128xf32, #tpu.memory_space<hbm>> -> memref<16x128xf32, #tpu.memory_space<hbm>>
        %dma_wait3A_69 = arith.constant 0 : i32
        %dma_wait3A_70 = arith.constant 0 : i32
        %dma_wait3A_71 = tpu.memref_slice %arg11[%dma_wait3A_69, %dma_wait3A_70] : memref<208x128xf32, #tpu.memory_space<vmem>> -> memref<16x128xf32, #tpu.memory_space<vmem>>
        tpu.wait_dma2 semaphore(%run_scoped3A : memref<!tpu.dma_semaphore, #tpu.memory_space<semaphore_mem>>) src(%dma_wait3A_71 : memref<16x128xf32, #tpu.memory_space<vmem>>) dst(%dma_wait3A_68 : memref<16x128xf32, #tpu.memory_space<hbm>>)
        tpu.yield
      }) : () -> ()
    } else {
    }
    return
  }
}

#map = affine_map<(d0, d1) -> (0, 0)>
#map1 = affine_map<(d0, d1) -> (0)>
#map2 = affine_map<(d0, d1) -> (0, 0, 0)>
module attributes {stable_mosaic.version = 14 : i64} {
  func.func @_edge_sc_body(%arg0: i32, %arg1: i32, %arg2: memref<10000x128xf32, #tpu.memory_space<hbm>>, %arg3: memref<320000x128xf32, #tpu.memory_space<hbm>>, %arg4: memref<320000xi32, #tpu.memory_space<hbm>>, %arg5: memref<320000xi32, #tpu.memory_space<hbm>>, %arg6: memref<2x10000x128xf32, #tpu.memory_space<hbm>>, %arg7: memref<80xi32, #tpu.memory_space<vmem>>, %arg8: memref<80xi32, #tpu.memory_space<vmem>>, %arg9: memref<80x128xf32, #tpu.memory_space<vmem>>, %arg10: memref<80x128xf32, #tpu.memory_space<vmem>>, %arg11: memref<208x128xf32, #tpu.memory_space<vmem>>, %arg12: memref<!tpu.dma_semaphore, #tpu.memory_space<semaphore_mem>>, %arg13: memref<10000x128xf32, #tpu.memory_space<vmem_shared>>) attributes {dimension_semantics = [#tpu.dimension_semantics<core_parallel>, #tpu.dimension_semantics<subcore_parallel>], iteration_bounds = array<i64: 2, 16>, scalar_prefetch = 0 : i64, scratch_operands = 7 : i64, tpu.core_type = #tpu.core_type<sc_vector_subcore>, window_params = [{transform_indices = #map}, {transform_indices = #map}, {transform_indices = #map1}, {transform_indices = #map1}, {transform_indices = #map2}]} {
    %scan3A = arith.constant 0 : i32
    %scan3A_0 = arith.constant 0 : i32
    %scan3A_1 = arith.constant 208 : i32
    %scan3A_2 = arith.addi %scan3A_0, %scan3A_1 : i32
    %scan3A_3 = arith.constant 1 : i32
    scf.for %scan3A_46 = %scan3A_0 to %scan3A_2 step %scan3A_3  : i32 {
      %broadcast_in_dim3A = arith.constant 0.000000e+00 : f32
      %broadcast_in_dim3A_47 = vector.broadcast %broadcast_in_dim3A : f32 to vector<16xf32>
      %swap3A = arith.index_cast %scan3A_46 : i32 to index
      %swap3A_48 = arith.constant 0 : index
      %swap3A_49 = tpu.vector_load %arg11[%swap3A, %swap3A_48] {strides = array<i32>} : memref<208x128xf32, #tpu.memory_space<vmem>>, vector<1x16xf32>,
      %swap3A_50 = vector.shape_cast %swap3A_49 : vector<1x16xf32> to vector<16xf32>
      %swap3A_51 = vector.shape_cast %broadcast_in_dim3A_47 : vector<16xf32> to vector<1x16xf32>
      tpu.vector_store %arg11[%swap3A, %swap3A_48], %swap3A_51 {strides = array<i32>} : memref<208x128xf32, #tpu.memory_space<vmem>>, vector<1x16xf32>,
      %broadcast_in_dim3A_52 = arith.constant 0.000000e+00 : f32
      %broadcast_in_dim3A_53 = vector.broadcast %broadcast_in_dim3A_52 : f32 to vector<16xf32>
      %swap3A_54 = arith.index_cast %scan3A_46 : i32 to index
      %swap3A_55 = arith.constant 16 : index
      %swap3A_56 = tpu.vector_load %arg11[%swap3A_54, %swap3A_55] {strides = array<i32>} : memref<208x128xf32, #tpu.memory_space<vmem>>, vector<1x16xf32>,
      %swap3A_57 = vector.shape_cast %swap3A_56 : vector<1x16xf32> to vector<16xf32>
      %swap3A_58 = vector.shape_cast %broadcast_in_dim3A_53 : vector<16xf32> to vector<1x16xf32>
      tpu.vector_store %arg11[%swap3A_54, %swap3A_55], %swap3A_58 {strides = array<i32>} : memref<208x128xf32, #tpu.memory_space<vmem>>, vector<1x16xf32>,
      %broadcast_in_dim3A_59 = arith.constant 0.000000e+00 : f32
      %broadcast_in_dim3A_60 = vector.broadcast %broadcast_in_dim3A_59 : f32 to vector<16xf32>
      %swap3A_61 = arith.index_cast %scan3A_46 : i32 to index
      %swap3A_62 = arith.constant 32 : index
      %swap3A_63 = tpu.vector_load %arg11[%swap3A_61, %swap3A_62] {strides = array<i32>} : memref<208x128xf32, #tpu.memory_space<vmem>>, vector<1x16xf32>,
      %swap3A_64 = vector.shape_cast %swap3A_63 : vector<1x16xf32> to vector<16xf32>
      %swap3A_65 = vector.shape_cast %broadcast_in_dim3A_60 : vector<16xf32> to vector<1x16xf32>
      tpu.vector_store %arg11[%swap3A_61, %swap3A_62], %swap3A_65 {strides = array<i32>} : memref<208x128xf32, #tpu.memory_space<vmem>>, vector<1x16xf32>,
      %broadcast_in_dim3A_66 = arith.constant 0.000000e+00 : f32
      %broadcast_in_dim3A_67 = vector.broadcast %broadcast_in_dim3A_66 : f32 to vector<16xf32>
      %swap3A_68 = arith.index_cast %scan3A_46 : i32 to index
      %swap3A_69 = arith.constant 48 : index
      %swap3A_70 = tpu.vector_load %arg11[%swap3A_68, %swap3A_69] {strides = array<i32>} : memref<208x128xf32, #tpu.memory_space<vmem>>, vector<1x16xf32>,
      %swap3A_71 = vector.shape_cast %swap3A_70 : vector<1x16xf32> to vector<16xf32>
      %swap3A_72 = vector.shape_cast %broadcast_in_dim3A_67 : vector<16xf32> to vector<1x16xf32>
      tpu.vector_store %arg11[%swap3A_68, %swap3A_69], %swap3A_72 {strides = array<i32>} : memref<208x128xf32, #tpu.memory_space<vmem>>, vector<1x16xf32>,
      %broadcast_in_dim3A_73 = arith.constant 0.000000e+00 : f32
      %broadcast_in_dim3A_74 = vector.broadcast %broadcast_in_dim3A_73 : f32 to vector<16xf32>
      %swap3A_75 = arith.index_cast %scan3A_46 : i32 to index
      %swap3A_76 = arith.constant 64 : index
      %swap3A_77 = tpu.vector_load %arg11[%swap3A_75, %swap3A_76] {strides = array<i32>} : memref<208x128xf32, #tpu.memory_space<vmem>>, vector<1x16xf32>,
      %swap3A_78 = vector.shape_cast %swap3A_77 : vector<1x16xf32> to vector<16xf32>
      %swap3A_79 = vector.shape_cast %broadcast_in_dim3A_74 : vector<16xf32> to vector<1x16xf32>
      tpu.vector_store %arg11[%swap3A_75, %swap3A_76], %swap3A_79 {strides = array<i32>} : memref<208x128xf32, #tpu.memory_space<vmem>>, vector<1x16xf32>,
      %broadcast_in_dim3A_80 = arith.constant 0.000000e+00 : f32
      %broadcast_in_dim3A_81 = vector.broadcast %broadcast_in_dim3A_80 : f32 to vector<16xf32>
      %swap3A_82 = arith.index_cast %scan3A_46 : i32 to index
      %swap3A_83 = arith.constant 80 : index
      %swap3A_84 = tpu.vector_load %arg11[%swap3A_82, %swap3A_83] {strides = array<i32>} : memref<208x128xf32, #tpu.memory_space<vmem>>, vector<1x16xf32>,
      %swap3A_85 = vector.shape_cast %swap3A_84 : vector<1x16xf32> to vector<16xf32>
      %swap3A_86 = vector.shape_cast %broadcast_in_dim3A_81 : vector<16xf32> to vector<1x16xf32>
      tpu.vector_store %arg11[%swap3A_82, %swap3A_83], %swap3A_86 {strides = array<i32>} : memref<208x128xf32, #tpu.memory_space<vmem>>, vector<1x16xf32>,
      %broadcast_in_dim3A_87 = arith.constant 0.000000e+00 : f32
      %broadcast_in_dim3A_88 = vector.broadcast %broadcast_in_dim3A_87 : f32 to vector<16xf32>
      %swap3A_89 = arith.index_cast %scan3A_46 : i32 to index
      %swap3A_90 = arith.constant 96 : index
      %swap3A_91 = tpu.vector_load %arg11[%swap3A_89, %swap3A_90] {strides = array<i32>} : memref<208x128xf32, #tpu.memory_space<vmem>>, vector<1x16xf32>,
      %swap3A_92 = vector.shape_cast %swap3A_91 : vector<1x16xf32> to vector<16xf32>
      %swap3A_93 = vector.shape_cast %broadcast_in_dim3A_88 : vector<16xf32> to vector<1x16xf32>
      tpu.vector_store %arg11[%swap3A_89, %swap3A_90], %swap3A_93 {strides = array<i32>} : memref<208x128xf32, #tpu.memory_space<vmem>>, vector<1x16xf32>,
      %broadcast_in_dim3A_94 = arith.constant 0.000000e+00 : f32
      %broadcast_in_dim3A_95 = vector.broadcast %broadcast_in_dim3A_94 : f32 to vector<16xf32>
      %swap3A_96 = arith.index_cast %scan3A_46 : i32 to index
      %swap3A_97 = arith.constant 112 : index
      %swap3A_98 = tpu.vector_load %arg11[%swap3A_96, %swap3A_97] {strides = array<i32>} : memref<208x128xf32, #tpu.memory_space<vmem>>, vector<1x16xf32>,
      %swap3A_99 = vector.shape_cast %swap3A_98 : vector<1x16xf32> to vector<16xf32>
      %swap3A_100 = vector.shape_cast %broadcast_in_dim3A_95 : vector<16xf32> to vector<1x16xf32>
      tpu.vector_store %arg11[%swap3A_96, %swap3A_97], %swap3A_100 {strides = array<i32>} : memref<208x128xf32, #tpu.memory_space<vmem>>, vector<1x16xf32>,
    }
    %scan3A_4 = arith.constant 208 : i32
    %mul3A = arith.constant 624 : i32
    %mul3A_5 = arith.muli %arg1, %mul3A : i32
    %add3A = arith.constant 0 : i32
    %add3A_6 = arith.addi %mul3A_5, %add3A : i32
    "tpu.region"() ({
      %run_scoped3A = tpu.sem_alloc : memref<!tpu.dma_semaphore, #tpu.memory_space<semaphore_mem>>
      %dma_start3A = arith.constant 0 : i32
      %dma_start3A_46 = tpu.memref_slice %arg13[%add3A_6, %dma_start3A] : memref<10000x128xf32, #tpu.memory_space<vmem_shared>> -> memref<208x128xf32, #tpu.memory_space<vmem_shared>>
      %dma_start3A_47 = arith.constant 0 : i32
      %dma_start3A_48 = tpu.memref_slice %arg13[%add3A_6, %dma_start3A_47] : memref<10000x128xf32, #tpu.memory_space<vmem_shared>> -> memref<208x128xf32, #tpu.memory_space<vmem_shared>>
      tpu.enqueue_dma source(%arg11 : memref<208x128xf32, #tpu.memory_space<vmem>>) target(%dma_start3A_48 : memref<208x128xf32, #tpu.memory_space<vmem_shared>>) target_semaphore(%run_scoped3A : memref<!tpu.dma_semaphore, #tpu.memory_space<semaphore_mem>>)
      %dma_wait3A = arith.constant 0 : i32
      %dma_wait3A_49 = tpu.memref_slice %arg13[%add3A_6, %dma_wait3A] : memref<10000x128xf32, #tpu.memory_space<vmem_shared>> -> memref<208x128xf32, #tpu.memory_space<vmem_shared>>
      %dma_wait3A_50 = arith.constant 0 : i32
      %dma_wait3A_51 = tpu.memref_slice %arg13[%add3A_6, %dma_wait3A_50] : memref<10000x128xf32, #tpu.memory_space<vmem_shared>> -> memref<208x128xf32, #tpu.memory_space<vmem_shared>>
      tpu.wait_dma2 semaphore(%run_scoped3A : memref<!tpu.dma_semaphore, #tpu.memory_space<semaphore_mem>>) src(%arg11 : memref<208x128xf32, #tpu.memory_space<vmem>>) dst(%dma_wait3A_51 : memref<208x128xf32, #tpu.memory_space<vmem_shared>>)
      tpu.yield
    }) : () -> ()
    %mul3A_7 = arith.constant 624 : i32
    %mul3A_8 = arith.muli %arg1, %mul3A_7 : i32
    %add3A_9 = arith.constant 208 : i32
    %add3A_10 = arith.addi %mul3A_8, %add3A_9 : i32
    "tpu.region"() ({
      %run_scoped3A = tpu.sem_alloc : memref<!tpu.dma_semaphore, #tpu.memory_space<semaphore_mem>>
      %dma_start3A = arith.constant 0 : i32
      %dma_start3A_46 = tpu.memref_slice %arg13[%add3A_10, %dma_start3A] : memref<10000x128xf32, #tpu.memory_space<vmem_shared>> -> memref<208x128xf32, #tpu.memory_space<vmem_shared>>
      %dma_start3A_47 = arith.constant 0 : i32
      %dma_start3A_48 = tpu.memref_slice %arg13[%add3A_10, %dma_start3A_47] : memref<10000x128xf32, #tpu.memory_space<vmem_shared>> -> memref<208x128xf32, #tpu.memory_space<vmem_shared>>
      tpu.enqueue_dma source(%arg11 : memref<208x128xf32, #tpu.memory_space<vmem>>) target(%dma_start3A_48 : memref<208x128xf32, #tpu.memory_space<vmem_shared>>) target_semaphore(%run_scoped3A : memref<!tpu.dma_semaphore, #tpu.memory_space<semaphore_mem>>)
      %dma_wait3A = arith.constant 0 : i32
      %dma_wait3A_49 = tpu.memref_slice %arg13[%add3A_10, %dma_wait3A] : memref<10000x128xf32, #tpu.memory_space<vmem_shared>> -> memref<208x128xf32, #tpu.memory_space<vmem_shared>>
      %dma_wait3A_50 = arith.constant 0 : i32
      %dma_wait3A_51 = tpu.memref_slice %arg13[%add3A_10, %dma_wait3A_50] : memref<10000x128xf32, #tpu.memory_space<vmem_shared>> -> memref<208x128xf32, #tpu.memory_space<vmem_shared>>
      tpu.wait_dma2 semaphore(%run_scoped3A : memref<!tpu.dma_semaphore, #tpu.memory_space<semaphore_mem>>) src(%arg11 : memref<208x128xf32, #tpu.memory_space<vmem>>) dst(%dma_wait3A_51 : memref<208x128xf32, #tpu.memory_space<vmem_shared>>)
      tpu.yield
    }) : () -> ()
    %mul3A_11 = arith.constant 624 : i32
    %mul3A_12 = arith.muli %arg1, %mul3A_11 : i32
    %add3A_13 = arith.constant 416 : i32
    %add3A_14 = arith.addi %mul3A_12, %add3A_13 : i32
    "tpu.region"() ({
      %run_scoped3A = tpu.sem_alloc : memref<!tpu.dma_semaphore, #tpu.memory_space<semaphore_mem>>
      %dma_start3A = arith.constant 0 : i32
      %dma_start3A_46 = tpu.memref_slice %arg13[%add3A_14, %dma_start3A] : memref<10000x128xf32, #tpu.memory_space<vmem_shared>> -> memref<208x128xf32, #tpu.memory_space<vmem_shared>>
      %dma_start3A_47 = arith.constant 0 : i32
      %dma_start3A_48 = tpu.memref_slice %arg13[%add3A_14, %dma_start3A_47] : memref<10000x128xf32, #tpu.memory_space<vmem_shared>> -> memref<208x128xf32, #tpu.memory_space<vmem_shared>>
      tpu.enqueue_dma source(%arg11 : memref<208x128xf32, #tpu.memory_space<vmem>>) target(%dma_start3A_48 : memref<208x128xf32, #tpu.memory_space<vmem_shared>>) target_semaphore(%run_scoped3A : memref<!tpu.dma_semaphore, #tpu.memory_space<semaphore_mem>>)
      %dma_wait3A = arith.constant 0 : i32
      %dma_wait3A_49 = tpu.memref_slice %arg13[%add3A_14, %dma_wait3A] : memref<10000x128xf32, #tpu.memory_space<vmem_shared>> -> memref<208x128xf32, #tpu.memory_space<vmem_shared>>
      %dma_wait3A_50 = arith.constant 0 : i32
      %dma_wait3A_51 = tpu.memref_slice %arg13[%add3A_14, %dma_wait3A_50] : memref<10000x128xf32, #tpu.memory_space<vmem_shared>> -> memref<208x128xf32, #tpu.memory_space<vmem_shared>>
      tpu.wait_dma2 semaphore(%run_scoped3A : memref<!tpu.dma_semaphore, #tpu.memory_space<semaphore_mem>>) src(%arg11 : memref<208x128xf32, #tpu.memory_space<vmem>>) dst(%dma_wait3A_51 : memref<208x128xf32, #tpu.memory_space<vmem_shared>>)
      tpu.yield
    }) : () -> ()
    %eq3A = arith.constant 0 : i32
    %eq3A_15 = arith.cmpi eq, %arg1, %eq3A : i32
    %convert_element_type3A = arith.extui %eq3A_15 : i1 to i32
    %cond3A = arith.constant 0 : i32
    %cond3A_16 = arith.cmpi ne, %convert_element_type3A, %cond3A : i32
    scf.if %cond3A_16 {
      "tpu.region"() ({
        %run_scoped3A = tpu.sem_alloc : memref<!tpu.dma_semaphore, #tpu.memory_space<semaphore_mem>>
        %dma_start3A = arith.constant 0 : i32
        %dma_start3A_46 = arith.constant 0 : i32
        %dma_start3A_47 = tpu.memref_slice %arg11[%dma_start3A, %dma_start3A_46] : memref<208x128xf32, #tpu.memory_space<vmem>> -> memref<16x128xf32, #tpu.memory_space<vmem>>
        %dma_start3A_48 = arith.constant 9984 : i32
        %dma_start3A_49 = arith.constant 0 : i32
        %dma_start3A_50 = tpu.memref_slice %arg13[%dma_start3A_48, %dma_start3A_49] : memref<10000x128xf32, #tpu.memory_space<vmem_shared>> -> memref<16x128xf32, #tpu.memory_space<vmem_shared>>
        %dma_start3A_51 = arith.constant 9984 : i32
        %dma_start3A_52 = arith.constant 0 : i32
        %dma_start3A_53 = tpu.memref_slice %arg13[%dma_start3A_51, %dma_start3A_52] : memref<10000x128xf32, #tpu.memory_space<vmem_shared>> -> memref<16x128xf32, #tpu.memory_space<vmem_shared>>
        %dma_start3A_54 = arith.constant 0 : i32
        %dma_start3A_55 = arith.constant 0 : i32
        %dma_start3A_56 = tpu.memref_slice %arg11[%dma_start3A_54, %dma_start3A_55] : memref<208x128xf32, #tpu.memory_space<vmem>> -> memref<16x128xf32, #tpu.memory_space<vmem>>
        tpu.enqueue_dma source(%dma_start3A_56 : memref<16x128xf32, #tpu.memory_space<vmem>>) target(%dma_start3A_53 : memref<16x128xf32, #tpu.memory_space<vmem_shared>>) target_semaphore(%run_scoped3A : memref<!tpu.dma_semaphore, #tpu.memory_space<semaphore_mem>>)
        %dma_wait3A = arith.constant 0 : i32
        %dma_wait3A_57 = arith.constant 0 : i32
        %dma_wait3A_58 = tpu.memref_slice %arg11[%dma_wait3A, %dma_wait3A_57] : memref<208x128xf32, #tpu.memory_space<vmem>> -> memref<16x128xf32, #tpu.memory_space<vmem>>
        %dma_wait3A_59 = arith.constant 9984 : i32
        %dma_wait3A_60 = arith.constant 0 : i32
        %dma_wait3A_61 = tpu.memref_slice %arg13[%dma_wait3A_59, %dma_wait3A_60] : memref<10000x128xf32, #tpu.memory_space<vmem_shared>> -> memref<16x128xf32, #tpu.memory_space<vmem_shared>>
        %dma_wait3A_62 = arith.constant 9984 : i32
        %dma_wait3A_63 = arith.constant 0 : i32
        %dma_wait3A_64 = tpu.memref_slice %arg13[%dma_wait3A_62, %dma_wait3A_63] : memref<10000x128xf32, #tpu.memory_space<vmem_shared>> -> memref<16x128xf32, #tpu.memory_space<vmem_shared>>
        %dma_wait3A_65 = arith.constant 0 : i32
        %dma_wait3A_66 = arith.constant 0 : i32
        %dma_wait3A_67 = tpu.memref_slice %arg11[%dma_wait3A_65, %dma_wait3A_66] : memref<208x128xf32, #tpu.memory_space<vmem>> -> memref<16x128xf32, #tpu.memory_space<vmem>>
        tpu.wait_dma2 semaphore(%run_scoped3A : memref<!tpu.dma_semaphore, #tpu.memory_space<semaphore_mem>>) src(%dma_wait3A_67 : memref<16x128xf32, #tpu.memory_space<vmem>>) dst(%dma_wait3A_64 : memref<16x128xf32, #tpu.memory_space<vmem_shared>>)
        tpu.yield
      }) : () -> ()
    } else {
    }
    %barrier3A = arith.constant 0 : index
    tpu.barrier barrier_id(%barrier3A)
    %mul3A_17 = arith.constant 16 : i32
    %mul3A_18 = arith.muli %arg0, %mul3A_17 : i32
    %add3A_19 = arith.addi %mul3A_18, %arg1 : i32
    %mul3A_20 = arith.constant 10000 : i32
    %mul3A_21 = arith.muli %add3A_19, %mul3A_20 : i32
    %scan3A_22 = arith.constant 0 : i32
    %scan3A_23 = arith.constant 0 : i32
    %scan3A_24 = arith.constant 125 : i32
    %scan3A_25 = arith.addi %scan3A_23, %scan3A_24 : i32
    %scan3A_26 = arith.constant 1 : i32
    scf.for %scan3A_46 = %scan3A_23 to %scan3A_25 step %scan3A_26  : i32 {
      %mul3A_47 = arith.constant 80 : i32
      %mul3A_48 = arith.muli %scan3A_46, %mul3A_47 : i32
      %add3A_49 = arith.addi %mul3A_21, %mul3A_48 : i32
      "tpu.region"() ({
        %run_scoped3A = tpu.sem_alloc : memref<!tpu.dma_semaphore, #tpu.memory_space<semaphore_mem>>
        %dma_start3A_60 = tpu.memref_slice %arg4[%add3A_49] : memref<320000xi32, #tpu.memory_space<hbm>> -> memref<80xi32, #tpu.memory_space<hbm>>
        %dma_start3A_61 = tpu.memref_slice %arg4[%add3A_49] : memref<320000xi32, #tpu.memory_space<hbm>> -> memref<80xi32, #tpu.memory_space<hbm>>
        tpu.enqueue_dma source(%dma_start3A_61 : memref<80xi32, #tpu.memory_space<hbm>>) target(%arg7 : memref<80xi32, #tpu.memory_space<vmem>>) target_semaphore(%run_scoped3A : memref<!tpu.dma_semaphore, #tpu.memory_space<semaphore_mem>>)
        %dma_wait3A_62 = tpu.memref_slice %arg4[%add3A_49] : memref<320000xi32, #tpu.memory_space<hbm>> -> memref<80xi32, #tpu.memory_space<hbm>>
        %dma_wait3A_63 = tpu.memref_slice %arg4[%add3A_49] : memref<320000xi32, #tpu.memory_space<hbm>> -> memref<80xi32, #tpu.memory_space<hbm>>
        tpu.wait_dma2 semaphore(%run_scoped3A : memref<!tpu.dma_semaphore, #tpu.memory_space<semaphore_mem>>) src(%dma_wait3A_63 : memref<80xi32, #tpu.memory_space<hbm>>) dst(%arg7 : memref<80xi32, #tpu.memory_space<vmem>>)
        tpu.yield
      }) : () -> ()
      "tpu.region"() ({
        %run_scoped3A = tpu.sem_alloc : memref<!tpu.dma_semaphore, #tpu.memory_space<semaphore_mem>>
        %dma_start3A_60 = tpu.memref_slice %arg5[%add3A_49] : memref<320000xi32, #tpu.memory_space<hbm>> -> memref<80xi32, #tpu.memory_space<hbm>>
        %dma_start3A_61 = tpu.memref_slice %arg5[%add3A_49] : memref<320000xi32, #tpu.memory_space<hbm>> -> memref<80xi32, #tpu.memory_space<hbm>>
        tpu.enqueue_dma source(%dma_start3A_61 : memref<80xi32, #tpu.memory_space<hbm>>) target(%arg8 : memref<80xi32, #tpu.memory_space<vmem>>) target_semaphore(%run_scoped3A : memref<!tpu.dma_semaphore, #tpu.memory_space<semaphore_mem>>)
        %dma_wait3A_62 = tpu.memref_slice %arg5[%add3A_49] : memref<320000xi32, #tpu.memory_space<hbm>> -> memref<80xi32, #tpu.memory_space<hbm>>
        %dma_wait3A_63 = tpu.memref_slice %arg5[%add3A_49] : memref<320000xi32, #tpu.memory_space<hbm>> -> memref<80xi32, #tpu.memory_space<hbm>>
        tpu.wait_dma2 semaphore(%run_scoped3A : memref<!tpu.dma_semaphore, #tpu.memory_space<semaphore_mem>>) src(%dma_wait3A_63 : memref<80xi32, #tpu.memory_space<hbm>>) dst(%arg8 : memref<80xi32, #tpu.memory_space<vmem>>)
        tpu.yield
      }) : () -> ()
      "tpu.region"() ({
        %run_scoped3A = tpu.sem_alloc : memref<!tpu.dma_semaphore, #tpu.memory_space<semaphore_mem>>
        %dma_start3A_60 = arith.constant 0 : i32
        %dma_start3A_61 = tpu.memref_slice %arg3[%add3A_49, %dma_start3A_60] : memref<320000x128xf32, #tpu.memory_space<hbm>> -> memref<80x128xf32, #tpu.memory_space<hbm>>
        %dma_start3A_62 = arith.constant 0 : i32
        %dma_start3A_63 = tpu.memref_slice %arg3[%add3A_49, %dma_start3A_62] : memref<320000x128xf32, #tpu.memory_space<hbm>> -> memref<80x128xf32, #tpu.memory_space<hbm>>
        tpu.enqueue_dma source(%dma_start3A_63 : memref<80x128xf32, #tpu.memory_space<hbm>>) target(%arg9 : memref<80x128xf32, #tpu.memory_space<vmem>>) target_semaphore(%run_scoped3A : memref<!tpu.dma_semaphore, #tpu.memory_space<semaphore_mem>>)
        %dma_wait3A_64 = arith.constant 0 : i32
        %dma_wait3A_65 = tpu.memref_slice %arg3[%add3A_49, %dma_wait3A_64] : memref<320000x128xf32, #tpu.memory_space<hbm>> -> memref<80x128xf32, #tpu.memory_space<hbm>>
        %dma_wait3A_66 = arith.constant 0 : i32
        %dma_wait3A_67 = tpu.memref_slice %arg3[%add3A_49, %dma_wait3A_66] : memref<320000x128xf32, #tpu.memory_space<hbm>> -> memref<80x128xf32, #tpu.memory_space<hbm>>
        tpu.wait_dma2 semaphore(%run_scoped3A : memref<!tpu.dma_semaphore, #tpu.memory_space<semaphore_mem>>) src(%dma_wait3A_67 : memref<80x128xf32, #tpu.memory_space<hbm>>) dst(%arg9 : memref<80x128xf32, #tpu.memory_space<vmem>>)
        tpu.yield
      }) : () -> ()
      %dma_start3A = arith.constant 0 : i32
      %dma_start3A_50 = arith.constant 0 : i32
      %dma_start3A_51 = tpu.memref_slice %arg2[%dma_start3A, %dma_start3A_50] : memref<10000x128xf32, #tpu.memory_space<hbm>> -> memref<10000x128xf32, #tpu.memory_space<hbm>>
      tpu.enqueue_indirect_dma source(%dma_start3A_51 : memref<10000x128xf32, #tpu.memory_space<hbm>>) target(%arg10 : memref<80x128xf32, #tpu.memory_space<vmem>>) offsets(%arg7 : memref<80xi32, #tpu.memory_space<vmem>>) semaphore(%arg12 : memref<!tpu.dma_semaphore, #tpu.memory_space<semaphore_mem>>)
      %dma_wait3A = arith.constant 0 : i32
      %dma_wait3A_52 = arith.constant 0 : i32
      %dma_wait3A_53 = tpu.memref_slice %arg2[%dma_wait3A, %dma_wait3A_52] : memref<10000x128xf32, #tpu.memory_space<hbm>> -> memref<10000x128xf32, #tpu.memory_space<hbm>>
      tpu.wait_indirect_dma semaphore(%arg12 : memref<!tpu.dma_semaphore, #tpu.memory_space<semaphore_mem>>) src(%dma_wait3A_53 : memref<10000x128xf32, #tpu.memory_space<hbm>>) dst(%arg10 : memref<80x128xf32, #tpu.memory_space<vmem>>)
      %scan3A_54 = arith.constant 0 : i32
      %scan3A_55 = arith.constant 0 : i32
      %scan3A_56 = arith.constant 80 : i32
      %scan3A_57 = arith.addi %scan3A_55, %scan3A_56 : i32
      %scan3A_58 = arith.constant 1 : i32
      scf.for %scan3A_60 = %scan3A_55 to %scan3A_57 step %scan3A_58  : i32 {
        %get3A = arith.index_cast %scan3A_60 : i32 to index
        %get3A_61 = arith.constant 0 : index
        %get3A_62 = tpu.vector_load %arg10[%get3A, %get3A_61] {strides = array<i32>} : memref<80x128xf32, #tpu.memory_space<vmem>>, vector<1x16xf32>,
        %get3A_63 = vector.shape_cast %get3A_62 : vector<1x16xf32> to vector<16xf32>
        %get3A_64 = arith.index_cast %scan3A_60 : i32 to index
        %get3A_65 = arith.constant 0 : index
        %get3A_66 = tpu.vector_load %arg9[%get3A_64, %get3A_65] {strides = array<i32>} : memref<80x128xf32, #tpu.memory_space<vmem>>, vector<1x16xf32>,
        %get3A_67 = vector.shape_cast %get3A_66 : vector<1x16xf32> to vector<16xf32>
        %add3A_68 = arith.addf %get3A_63, %get3A_67 : vector<16xf32>
        %max3A = arith.constant 0.000000e+00 : f32
        %max3A_69 = vector.broadcast %max3A : f32 to vector<16xf32>
        %max3A_70 = arith.maximumf %add3A_68, %max3A_69 : vector<16xf32>
        %swap3A = arith.index_cast %scan3A_60 : i32 to index
        %swap3A_71 = arith.constant 0 : index
        %swap3A_72 = tpu.vector_load %arg10[%swap3A, %swap3A_71] {strides = array<i32>} : memref<80x128xf32, #tpu.memory_space<vmem>>, vector<1x16xf32>,
        %swap3A_73 = vector.shape_cast %swap3A_72 : vector<1x16xf32> to vector<16xf32>
        %swap3A_74 = vector.shape_cast %max3A_70 : vector<16xf32> to vector<1x16xf32>
        tpu.vector_store %arg10[%swap3A, %swap3A_71], %swap3A_74 {strides = array<i32>} : memref<80x128xf32, #tpu.memory_space<vmem>>, vector<1x16xf32>,
        %get3A_75 = arith.index_cast %scan3A_60 : i32 to index
        %get3A_76 = arith.constant 16 : index
        %get3A_77 = tpu.vector_load %arg10[%get3A_75, %get3A_76] {strides = array<i32>} : memref<80x128xf32, #tpu.memory_space<vmem>>, vector<1x16xf32>,
        %get3A_78 = vector.shape_cast %get3A_77 : vector<1x16xf32> to vector<16xf32>
        %get3A_79 = arith.index_cast %scan3A_60 : i32 to index
        %get3A_80 = arith.constant 16 : index
        %get3A_81 = tpu.vector_load %arg9[%get3A_79, %get3A_80] {strides = array<i32>} : memref<80x128xf32, #tpu.memory_space<vmem>>, vector<1x16xf32>,
        %get3A_82 = vector.shape_cast %get3A_81 : vector<1x16xf32> to vector<16xf32>
        %add3A_83 = arith.addf %get3A_78, %get3A_82 : vector<16xf32>
        %max3A_84 = arith.constant 0.000000e+00 : f32
        %max3A_85 = vector.broadcast %max3A_84 : f32 to vector<16xf32>
        %max3A_86 = arith.maximumf %add3A_83, %max3A_85 : vector<16xf32>
        %swap3A_87 = arith.index_cast %scan3A_60 : i32 to index
        %swap3A_88 = arith.constant 16 : index
        %swap3A_89 = tpu.vector_load %arg10[%swap3A_87, %swap3A_88] {strides = array<i32>} : memref<80x128xf32, #tpu.memory_space<vmem>>, vector<1x16xf32>,
        %swap3A_90 = vector.shape_cast %swap3A_89 : vector<1x16xf32> to vector<16xf32>
        %swap3A_91 = vector.shape_cast %max3A_86 : vector<16xf32> to vector<1x16xf32>
        tpu.vector_store %arg10[%swap3A_87, %swap3A_88], %swap3A_91 {strides = array<i32>} : memref<80x128xf32, #tpu.memory_space<vmem>>, vector<1x16xf32>,
        %get3A_92 = arith.index_cast %scan3A_60 : i32 to index
        %get3A_93 = arith.constant 32 : index
        %get3A_94 = tpu.vector_load %arg10[%get3A_92, %get3A_93] {strides = array<i32>} : memref<80x128xf32, #tpu.memory_space<vmem>>, vector<1x16xf32>,
        %get3A_95 = vector.shape_cast %get3A_94 : vector<1x16xf32> to vector<16xf32>
        %get3A_96 = arith.index_cast %scan3A_60 : i32 to index
        %get3A_97 = arith.constant 32 : index
        %get3A_98 = tpu.vector_load %arg9[%get3A_96, %get3A_97] {strides = array<i32>} : memref<80x128xf32, #tpu.memory_space<vmem>>, vector<1x16xf32>,
        %get3A_99 = vector.shape_cast %get3A_98 : vector<1x16xf32> to vector<16xf32>
        %add3A_100 = arith.addf %get3A_95, %get3A_99 : vector<16xf32>
        %max3A_101 = arith.constant 0.000000e+00 : f32
        %max3A_102 = vector.broadcast %max3A_101 : f32 to vector<16xf32>
        %max3A_103 = arith.maximumf %add3A_100, %max3A_102 : vector<16xf32>
        %swap3A_104 = arith.index_cast %scan3A_60 : i32 to index
        %swap3A_105 = arith.constant 32 : index
        %swap3A_106 = tpu.vector_load %arg10[%swap3A_104, %swap3A_105] {strides = array<i32>} : memref<80x128xf32, #tpu.memory_space<vmem>>, vector<1x16xf32>,
        %swap3A_107 = vector.shape_cast %swap3A_106 : vector<1x16xf32> to vector<16xf32>
        %swap3A_108 = vector.shape_cast %max3A_103 : vector<16xf32> to vector<1x16xf32>
        tpu.vector_store %arg10[%swap3A_104, %swap3A_105], %swap3A_108 {strides = array<i32>} : memref<80x128xf32, #tpu.memory_space<vmem>>, vector<1x16xf32>,
        %get3A_109 = arith.index_cast %scan3A_60 : i32 to index
        %get3A_110 = arith.constant 48 : index
        %get3A_111 = tpu.vector_load %arg10[%get3A_109, %get3A_110] {strides = array<i32>} : memref<80x128xf32, #tpu.memory_space<vmem>>, vector<1x16xf32>,
        %get3A_112 = vector.shape_cast %get3A_111 : vector<1x16xf32> to vector<16xf32>
        %get3A_113 = arith.index_cast %scan3A_60 : i32 to index
        %get3A_114 = arith.constant 48 : index
        %get3A_115 = tpu.vector_load %arg9[%get3A_113, %get3A_114] {strides = array<i32>} : memref<80x128xf32, #tpu.memory_space<vmem>>, vector<1x16xf32>,
        %get3A_116 = vector.shape_cast %get3A_115 : vector<1x16xf32> to vector<16xf32>
        %add3A_117 = arith.addf %get3A_112, %get3A_116 : vector<16xf32>
        %max3A_118 = arith.constant 0.000000e+00 : f32
        %max3A_119 = vector.broadcast %max3A_118 : f32 to vector<16xf32>
        %max3A_120 = arith.maximumf %add3A_117, %max3A_119 : vector<16xf32>
        %swap3A_121 = arith.index_cast %scan3A_60 : i32 to index
        %swap3A_122 = arith.constant 48 : index
        %swap3A_123 = tpu.vector_load %arg10[%swap3A_121, %swap3A_122] {strides = array<i32>} : memref<80x128xf32, #tpu.memory_space<vmem>>, vector<1x16xf32>,
        %swap3A_124 = vector.shape_cast %swap3A_123 : vector<1x16xf32> to vector<16xf32>
        %swap3A_125 = vector.shape_cast %max3A_120 : vector<16xf32> to vector<1x16xf32>
        tpu.vector_store %arg10[%swap3A_121, %swap3A_122], %swap3A_125 {strides = array<i32>} : memref<80x128xf32, #tpu.memory_space<vmem>>, vector<1x16xf32>,
        %get3A_126 = arith.index_cast %scan3A_60 : i32 to index
        %get3A_127 = arith.constant 64 : index
        %get3A_128 = tpu.vector_load %arg10[%get3A_126, %get3A_127] {strides = array<i32>} : memref<80x128xf32, #tpu.memory_space<vmem>>, vector<1x16xf32>,
        %get3A_129 = vector.shape_cast %get3A_128 : vector<1x16xf32> to vector<16xf32>
        %get3A_130 = arith.index_cast %scan3A_60 : i32 to index
        %get3A_131 = arith.constant 64 : index
        %get3A_132 = tpu.vector_load %arg9[%get3A_130, %get3A_131] {strides = array<i32>} : memref<80x128xf32, #tpu.memory_space<vmem>>, vector<1x16xf32>,
        %get3A_133 = vector.shape_cast %get3A_132 : vector<1x16xf32> to vector<16xf32>
        %add3A_134 = arith.addf %get3A_129, %get3A_133 : vector<16xf32>
        %max3A_135 = arith.constant 0.000000e+00 : f32
        %max3A_136 = vector.broadcast %max3A_135 : f32 to vector<16xf32>
        %max3A_137 = arith.maximumf %add3A_134, %max3A_136 : vector<16xf32>
        %swap3A_138 = arith.index_cast %scan3A_60 : i32 to index
        %swap3A_139 = arith.constant 64 : index
        %swap3A_140 = tpu.vector_load %arg10[%swap3A_138, %swap3A_139] {strides = array<i32>} : memref<80x128xf32, #tpu.memory_space<vmem>>, vector<1x16xf32>,
        %swap3A_141 = vector.shape_cast %swap3A_140 : vector<1x16xf32> to vector<16xf32>
        %swap3A_142 = vector.shape_cast %max3A_137 : vector<16xf32> to vector<1x16xf32>
        tpu.vector_store %arg10[%swap3A_138, %swap3A_139], %swap3A_142 {strides = array<i32>} : memref<80x128xf32, #tpu.memory_space<vmem>>, vector<1x16xf32>,
        %get3A_143 = arith.index_cast %scan3A_60 : i32 to index
        %get3A_144 = arith.constant 80 : index
        %get3A_145 = tpu.vector_load %arg10[%get3A_143, %get3A_144] {strides = array<i32>} : memref<80x128xf32, #tpu.memory_space<vmem>>, vector<1x16xf32>,
        %get3A_146 = vector.shape_cast %get3A_145 : vector<1x16xf32> to vector<16xf32>
        %get3A_147 = arith.index_cast %scan3A_60 : i32 to index
        %get3A_148 = arith.constant 80 : index
        %get3A_149 = tpu.vector_load %arg9[%get3A_147, %get3A_148] {strides = array<i32>} : memref<80x128xf32, #tpu.memory_space<vmem>>, vector<1x16xf32>,
        %get3A_150 = vector.shape_cast %get3A_149 : vector<1x16xf32> to vector<16xf32>
        %add3A_151 = arith.addf %get3A_146, %get3A_150 : vector<16xf32>
        %max3A_152 = arith.constant 0.000000e+00 : f32
        %max3A_153 = vector.broadcast %max3A_152 : f32 to vector<16xf32>
        %max3A_154 = arith.maximumf %add3A_151, %max3A_153 : vector<16xf32>
        %swap3A_155 = arith.index_cast %scan3A_60 : i32 to index
        %swap3A_156 = arith.constant 80 : index
        %swap3A_157 = tpu.vector_load %arg10[%swap3A_155, %swap3A_156] {strides = array<i32>} : memref<80x128xf32, #tpu.memory_space<vmem>>, vector<1x16xf32>,
        %swap3A_158 = vector.shape_cast %swap3A_157 : vector<1x16xf32> to vector<16xf32>
        %swap3A_159 = vector.shape_cast %max3A_154 : vector<16xf32> to vector<1x16xf32>
        tpu.vector_store %arg10[%swap3A_155, %swap3A_156], %swap3A_159 {strides = array<i32>} : memref<80x128xf32, #tpu.memory_space<vmem>>, vector<1x16xf32>,
        %get3A_160 = arith.index_cast %scan3A_60 : i32 to index
        %get3A_161 = arith.constant 96 : index
        %get3A_162 = tpu.vector_load %arg10[%get3A_160, %get3A_161] {strides = array<i32>} : memref<80x128xf32, #tpu.memory_space<vmem>>, vector<1x16xf32>,
        %get3A_163 = vector.shape_cast %get3A_162 : vector<1x16xf32> to vector<16xf32>
        %get3A_164 = arith.index_cast %scan3A_60 : i32 to index
        %get3A_165 = arith.constant 96 : index
        %get3A_166 = tpu.vector_load %arg9[%get3A_164, %get3A_165] {strides = array<i32>} : memref<80x128xf32, #tpu.memory_space<vmem>>, vector<1x16xf32>,
        %get3A_167 = vector.shape_cast %get3A_166 : vector<1x16xf32> to vector<16xf32>
        %add3A_168 = arith.addf %get3A_163, %get3A_167 : vector<16xf32>
        %max3A_169 = arith.constant 0.000000e+00 : f32
        %max3A_170 = vector.broadcast %max3A_169 : f32 to vector<16xf32>
        %max3A_171 = arith.maximumf %add3A_168, %max3A_170 : vector<16xf32>
        %swap3A_172 = arith.index_cast %scan3A_60 : i32 to index
        %swap3A_173 = arith.constant 96 : index
        %swap3A_174 = tpu.vector_load %arg10[%swap3A_172, %swap3A_173] {strides = array<i32>} : memref<80x128xf32, #tpu.memory_space<vmem>>, vector<1x16xf32>,
        %swap3A_175 = vector.shape_cast %swap3A_174 : vector<1x16xf32> to vector<16xf32>
        %swap3A_176 = vector.shape_cast %max3A_171 : vector<16xf32> to vector<1x16xf32>
        tpu.vector_store %arg10[%swap3A_172, %swap3A_173], %swap3A_176 {strides = array<i32>} : memref<80x128xf32, #tpu.memory_space<vmem>>, vector<1x16xf32>,
        %get3A_177 = arith.index_cast %scan3A_60 : i32 to index
        %get3A_178 = arith.constant 112 : index
        %get3A_179 = tpu.vector_load %arg10[%get3A_177, %get3A_178] {strides = array<i32>} : memref<80x128xf32, #tpu.memory_space<vmem>>, vector<1x16xf32>,
        %get3A_180 = vector.shape_cast %get3A_179 : vector<1x16xf32> to vector<16xf32>
        %get3A_181 = arith.index_cast %scan3A_60 : i32 to index
        %get3A_182 = arith.constant 112 : index
        %get3A_183 = tpu.vector_load %arg9[%get3A_181, %get3A_182] {strides = array<i32>} : memref<80x128xf32, #tpu.memory_space<vmem>>, vector<1x16xf32>,
        %get3A_184 = vector.shape_cast %get3A_183 : vector<1x16xf32> to vector<16xf32>
        %add3A_185 = arith.addf %get3A_180, %get3A_184 : vector<16xf32>
        %max3A_186 = arith.constant 0.000000e+00 : f32
        %max3A_187 = vector.broadcast %max3A_186 : f32 to vector<16xf32>
        %max3A_188 = arith.maximumf %add3A_185, %max3A_187 : vector<16xf32>
        %swap3A_189 = arith.index_cast %scan3A_60 : i32 to index
        %swap3A_190 = arith.constant 112 : index
        %swap3A_191 = tpu.vector_load %arg10[%swap3A_189, %swap3A_190] {strides = array<i32>} : memref<80x128xf32, #tpu.memory_space<vmem>>, vector<1x16xf32>,
        %swap3A_192 = vector.shape_cast %swap3A_191 : vector<1x16xf32> to vector<16xf32>
        %swap3A_193 = vector.shape_cast %max3A_188 : vector<16xf32> to vector<1x16xf32>
        tpu.vector_store %arg10[%swap3A_189, %swap3A_190], %swap3A_193 {strides = array<i32>} : memref<80x128xf32, #tpu.memory_space<vmem>>, vector<1x16xf32>,
      }
      %scan3A_59 = arith.constant 80 : i32
      "tpu.region"() ({
        %run_scoped3A = tpu.sem_alloc : memref<!tpu.dma_semaphore, #tpu.memory_space<semaphore_mem>>
        %dma_start3A_60 = arith.constant 0 : i32
        %dma_start3A_61 = arith.constant 0 : i32
        %dma_start3A_62 = tpu.memref_slice %arg13[%dma_start3A_60, %dma_start3A_61] : memref<10000x128xf32, #tpu.memory_space<vmem_shared>> -> memref<10000x128xf32, #tpu.memory_space<vmem_shared>>
        tpu.enqueue_indirect_dma source(%arg10 : memref<80x128xf32, #tpu.memory_space<vmem>>) target(%dma_start3A_62 : memref<10000x128xf32, #tpu.memory_space<vmem_shared>>) offsets(%arg8 : memref<80xi32, #tpu.memory_space<vmem>>) semaphore(%run_scoped3A : memref<!tpu.dma_semaphore, #tpu.memory_space<semaphore_mem>>) {add = true}
        %dma_wait3A_63 = arith.constant 0 : i32
        %dma_wait3A_64 = arith.constant 0 : i32
        %dma_wait3A_65 = tpu.memref_slice %arg13[%dma_wait3A_63, %dma_wait3A_64] : memref<10000x128xf32, #tpu.memory_space<vmem_shared>> -> memref<10000x128xf32, #tpu.memory_space<vmem_shared>>
        tpu.wait_indirect_dma semaphore(%run_scoped3A : memref<!tpu.dma_semaphore, #tpu.memory_space<semaphore_mem>>) src(%arg10 : memref<80x128xf32, #tpu.memory_space<vmem>>) dst(%dma_wait3A_65 : memref<10000x128xf32, #tpu.memory_space<vmem_shared>>)
        tpu.yield
      }) : () -> ()
    }
    %scan3A_27 = arith.constant 125 : i32
    %barrier3A_28 = arith.constant 0 : index
    tpu.barrier barrier_id(%barrier3A_28)
    %mul3A_29 = arith.constant 624 : i32
    %mul3A_30 = arith.muli %arg1, %mul3A_29 : i32
    %add3A_31 = arith.constant 0 : i32
    %add3A_32 = arith.addi %mul3A_30, %add3A_31 : i32
    "tpu.region"() ({
      %run_scoped3A = tpu.sem_alloc : memref<!tpu.dma_semaphore, #tpu.memory_space<semaphore_mem>>
      %dma_start3A = arith.constant 0 : i32
      %dma_start3A_46 = tpu.memref_slice %arg13[%add3A_32, %dma_start3A] : memref<10000x128xf32, #tpu.memory_space<vmem_shared>> -> memref<208x128xf32, #tpu.memory_space<vmem_shared>>
      %dma_start3A_47 = arith.constant 0 : i32
      %dma_start3A_48 = tpu.memref_slice %arg13[%add3A_32, %dma_start3A_47] : memref<10000x128xf32, #tpu.memory_space<vmem_shared>> -> memref<208x128xf32, #tpu.memory_space<vmem_shared>>
      tpu.enqueue_dma source(%dma_start3A_48 : memref<208x128xf32, #tpu.memory_space<vmem_shared>>) target(%arg11 : memref<208x128xf32, #tpu.memory_space<vmem>>) target_semaphore(%run_scoped3A : memref<!tpu.dma_semaphore, #tpu.memory_space<semaphore_mem>>)
      %dma_wait3A = arith.constant 0 : i32
      %dma_wait3A_49 = tpu.memref_slice %arg13[%add3A_32, %dma_wait3A] : memref<10000x128xf32, #tpu.memory_space<vmem_shared>> -> memref<208x128xf32, #tpu.memory_space<vmem_shared>>
      %dma_wait3A_50 = arith.constant 0 : i32
      %dma_wait3A_51 = tpu.memref_slice %arg13[%add3A_32, %dma_wait3A_50] : memref<10000x128xf32, #tpu.memory_space<vmem_shared>> -> memref<208x128xf32, #tpu.memory_space<vmem_shared>>
      tpu.wait_dma2 semaphore(%run_scoped3A : memref<!tpu.dma_semaphore, #tpu.memory_space<semaphore_mem>>) src(%dma_wait3A_51 : memref<208x128xf32, #tpu.memory_space<vmem_shared>>) dst(%arg11 : memref<208x128xf32, #tpu.memory_space<vmem>>)
      tpu.yield
    }) : () -> ()
    "tpu.region"() ({
      %run_scoped3A = tpu.sem_alloc : memref<!tpu.dma_semaphore, #tpu.memory_space<semaphore_mem>>
      %dma_start3A = arith.constant 0 : i32
      %dma_start3A_46 = tpu.memref_slice %arg6[%arg0, %add3A_32, %dma_start3A] : memref<2x10000x128xf32, #tpu.memory_space<hbm>> -> memref<1x208x128xf32, #tpu.memory_space<hbm>>
      %dma_start3A_47 = tpu.memref_squeeze %dma_start3A_46 : memref<1x208x128xf32, #tpu.memory_space<hbm>> -> memref<208x128xf32, #tpu.memory_space<hbm>>
      %dma_start3A_48 = arith.constant 0 : i32
      %dma_start3A_49 = tpu.memref_slice %arg6[%arg0, %add3A_32, %dma_start3A_48] : memref<2x10000x128xf32, #tpu.memory_space<hbm>> -> memref<1x208x128xf32, #tpu.memory_space<hbm>>
      %dma_start3A_50 = tpu.memref_squeeze %dma_start3A_49 : memref<1x208x128xf32, #tpu.memory_space<hbm>> -> memref<208x128xf32, #tpu.memory_space<hbm>>
      tpu.enqueue_dma source(%arg11 : memref<208x128xf32, #tpu.memory_space<vmem>>) target(%dma_start3A_50 : memref<208x128xf32, #tpu.memory_space<hbm>>) target_semaphore(%run_scoped3A : memref<!tpu.dma_semaphore, #tpu.memory_space<semaphore_mem>>)
      %dma_wait3A = arith.constant 0 : i32
      %dma_wait3A_51 = tpu.memref_slice %arg6[%arg0, %add3A_32, %dma_wait3A] : memref<2x10000x128xf32, #tpu.memory_space<hbm>> -> memref<1x208x128xf32, #tpu.memory_space<hbm>>
      %dma_wait3A_52 = tpu.memref_squeeze %dma_wait3A_51 : memref<1x208x128xf32, #tpu.memory_space<hbm>> -> memref<208x128xf32, #tpu.memory_space<hbm>>
      %dma_wait3A_53 = arith.constant 0 : i32
      %dma_wait3A_54 = tpu.memref_slice %arg6[%arg0, %add3A_32, %dma_wait3A_53] : memref<2x10000x128xf32, #tpu.memory_space<hbm>> -> memref<1x208x128xf32, #tpu.memory_space<hbm>>
      %dma_wait3A_55 = tpu.memref_squeeze %dma_wait3A_54 : memref<1x208x128xf32, #tpu.memory_space<hbm>> -> memref<208x128xf32, #tpu.memory_space<hbm>>
      tpu.wait_dma2 semaphore(%run_scoped3A : memref<!tpu.dma_semaphore, #tpu.memory_space<semaphore_mem>>) src(%arg11 : memref<208x128xf32, #tpu.memory_space<vmem>>) dst(%dma_wait3A_55 : memref<208x128xf32, #tpu.memory_space<hbm>>)
      tpu.yield
    }) : () -> ()
    %mul3A_33 = arith.constant 624 : i32
    %mul3A_34 = arith.muli %arg1, %mul3A_33 : i32
    %add3A_35 = arith.constant 208 : i32
    %add3A_36 = arith.addi %mul3A_34, %add3A_35 : i32
    "tpu.region"() ({
      %run_scoped3A = tpu.sem_alloc : memref<!tpu.dma_semaphore, #tpu.memory_space<semaphore_mem>>
      %dma_start3A = arith.constant 0 : i32
      %dma_start3A_46 = tpu.memref_slice %arg13[%add3A_36, %dma_start3A] : memref<10000x128xf32, #tpu.memory_space<vmem_shared>> -> memref<208x128xf32, #tpu.memory_space<vmem_shared>>
      %dma_start3A_47 = arith.constant 0 : i32
      %dma_start3A_48 = tpu.memref_slice %arg13[%add3A_36, %dma_start3A_47] : memref<10000x128xf32, #tpu.memory_space<vmem_shared>> -> memref<208x128xf32, #tpu.memory_space<vmem_shared>>
      tpu.enqueue_dma source(%dma_start3A_48 : memref<208x128xf32, #tpu.memory_space<vmem_shared>>) target(%arg11 : memref<208x128xf32, #tpu.memory_space<vmem>>) target_semaphore(%run_scoped3A : memref<!tpu.dma_semaphore, #tpu.memory_space<semaphore_mem>>)
      %dma_wait3A = arith.constant 0 : i32
      %dma_wait3A_49 = tpu.memref_slice %arg13[%add3A_36, %dma_wait3A] : memref<10000x128xf32, #tpu.memory_space<vmem_shared>> -> memref<208x128xf32, #tpu.memory_space<vmem_shared>>
      %dma_wait3A_50 = arith.constant 0 : i32
      %dma_wait3A_51 = tpu.memref_slice %arg13[%add3A_36, %dma_wait3A_50] : memref<10000x128xf32, #tpu.memory_space<vmem_shared>> -> memref<208x128xf32, #tpu.memory_space<vmem_shared>>
      tpu.wait_dma2 semaphore(%run_scoped3A : memref<!tpu.dma_semaphore, #tpu.memory_space<semaphore_mem>>) src(%dma_wait3A_51 : memref<208x128xf32, #tpu.memory_space<vmem_shared>>) dst(%arg11 : memref<208x128xf32, #tpu.memory_space<vmem>>)
      tpu.yield
    }) : () -> ()
    "tpu.region"() ({
      %run_scoped3A = tpu.sem_alloc : memref<!tpu.dma_semaphore, #tpu.memory_space<semaphore_mem>>
      %dma_start3A = arith.constant 0 : i32
      %dma_start3A_46 = tpu.memref_slice %arg6[%arg0, %add3A_36, %dma_start3A] : memref<2x10000x128xf32, #tpu.memory_space<hbm>> -> memref<1x208x128xf32, #tpu.memory_space<hbm>>
      %dma_start3A_47 = tpu.memref_squeeze %dma_start3A_46 : memref<1x208x128xf32, #tpu.memory_space<hbm>> -> memref<208x128xf32, #tpu.memory_space<hbm>>
      %dma_start3A_48 = arith.constant 0 : i32
      %dma_start3A_49 = tpu.memref_slice %arg6[%arg0, %add3A_36, %dma_start3A_48] : memref<2x10000x128xf32, #tpu.memory_space<hbm>> -> memref<1x208x128xf32, #tpu.memory_space<hbm>>
      %dma_start3A_50 = tpu.memref_squeeze %dma_start3A_49 : memref<1x208x128xf32, #tpu.memory_space<hbm>> -> memref<208x128xf32, #tpu.memory_space<hbm>>
      tpu.enqueue_dma source(%arg11 : memref<208x128xf32, #tpu.memory_space<vmem>>) target(%dma_start3A_50 : memref<208x128xf32, #tpu.memory_space<hbm>>) target_semaphore(%run_scoped3A : memref<!tpu.dma_semaphore, #tpu.memory_space<semaphore_mem>>)
      %dma_wait3A = arith.constant 0 : i32
      %dma_wait3A_51 = tpu.memref_slice %arg6[%arg0, %add3A_36, %dma_wait3A] : memref<2x10000x128xf32, #tpu.memory_space<hbm>> -> memref<1x208x128xf32, #tpu.memory_space<hbm>>
      %dma_wait3A_52 = tpu.memref_squeeze %dma_wait3A_51 : memref<1x208x128xf32, #tpu.memory_space<hbm>> -> memref<208x128xf32, #tpu.memory_space<hbm>>
      %dma_wait3A_53 = arith.constant 0 : i32
      %dma_wait3A_54 = tpu.memref_slice %arg6[%arg0, %add3A_36, %dma_wait3A_53] : memref<2x10000x128xf32, #tpu.memory_space<hbm>> -> memref<1x208x128xf32, #tpu.memory_space<hbm>>
      %dma_wait3A_55 = tpu.memref_squeeze %dma_wait3A_54 : memref<1x208x128xf32, #tpu.memory_space<hbm>> -> memref<208x128xf32, #tpu.memory_space<hbm>>
      tpu.wait_dma2 semaphore(%run_scoped3A : memref<!tpu.dma_semaphore, #tpu.memory_space<semaphore_mem>>) src(%arg11 : memref<208x128xf32, #tpu.memory_space<vmem>>) dst(%dma_wait3A_55 : memref<208x128xf32, #tpu.memory_space<hbm>>)
      tpu.yield
    }) : () -> ()
    %mul3A_37 = arith.constant 624 : i32
    %mul3A_38 = arith.muli %arg1, %mul3A_37 : i32
    %add3A_39 = arith.constant 416 : i32
    %add3A_40 = arith.addi %mul3A_38, %add3A_39 : i32
    "tpu.region"() ({
      %run_scoped3A = tpu.sem_alloc : memref<!tpu.dma_semaphore, #tpu.memory_space<semaphore_mem>>
      %dma_start3A = arith.constant 0 : i32
      %dma_start3A_46 = tpu.memref_slice %arg13[%add3A_40, %dma_start3A] : memref<10000x128xf32, #tpu.memory_space<vmem_shared>> -> memref<208x128xf32, #tpu.memory_space<vmem_shared>>
      %dma_start3A_47 = arith.constant 0 : i32
      %dma_start3A_48 = tpu.memref_slice %arg13[%add3A_40, %dma_start3A_47] : memref<10000x128xf32, #tpu.memory_space<vmem_shared>> -> memref<208x128xf32, #tpu.memory_space<vmem_shared>>
      tpu.enqueue_dma source(%dma_start3A_48 : memref<208x128xf32, #tpu.memory_space<vmem_shared>>) target(%arg11 : memref<208x128xf32, #tpu.memory_space<vmem>>) target_semaphore(%run_scoped3A : memref<!tpu.dma_semaphore, #tpu.memory_space<semaphore_mem>>)
      %dma_wait3A = arith.constant 0 : i32
      %dma_wait3A_49 = tpu.memref_slice %arg13[%add3A_40, %dma_wait3A] : memref<10000x128xf32, #tpu.memory_space<vmem_shared>> -> memref<208x128xf32, #tpu.memory_space<vmem_shared>>
      %dma_wait3A_50 = arith.constant 0 : i32
      %dma_wait3A_51 = tpu.memref_slice %arg13[%add3A_40, %dma_wait3A_50] : memref<10000x128xf32, #tpu.memory_space<vmem_shared>> -> memref<208x128xf32, #tpu.memory_space<vmem_shared>>
      tpu.wait_dma2 semaphore(%run_scoped3A : memref<!tpu.dma_semaphore, #tpu.memory_space<semaphore_mem>>) src(%dma_wait3A_51 : memref<208x128xf32, #tpu.memory_space<vmem_shared>>) dst(%arg11 : memref<208x128xf32, #tpu.memory_space<vmem>>)
      tpu.yield
    }) : () -> ()
    "tpu.region"() ({
      %run_scoped3A = tpu.sem_alloc : memref<!tpu.dma_semaphore, #tpu.memory_space<semaphore_mem>>
      %dma_start3A = arith.constant 0 : i32
      %dma_start3A_46 = tpu.memref_slice %arg6[%arg0, %add3A_40, %dma_start3A] : memref<2x10000x128xf32, #tpu.memory_space<hbm>> -> memref<1x208x128xf32, #tpu.memory_space<hbm>>
      %dma_start3A_47 = tpu.memref_squeeze %dma_start3A_46 : memref<1x208x128xf32, #tpu.memory_space<hbm>> -> memref<208x128xf32, #tpu.memory_space<hbm>>
      %dma_start3A_48 = arith.constant 0 : i32
      %dma_start3A_49 = tpu.memref_slice %arg6[%arg0, %add3A_40, %dma_start3A_48] : memref<2x10000x128xf32, #tpu.memory_space<hbm>> -> memref<1x208x128xf32, #tpu.memory_space<hbm>>
      %dma_start3A_50 = tpu.memref_squeeze %dma_start3A_49 : memref<1x208x128xf32, #tpu.memory_space<hbm>> -> memref<208x128xf32, #tpu.memory_space<hbm>>
      tpu.enqueue_dma source(%arg11 : memref<208x128xf32, #tpu.memory_space<vmem>>) target(%dma_start3A_50 : memref<208x128xf32, #tpu.memory_space<hbm>>) target_semaphore(%run_scoped3A : memref<!tpu.dma_semaphore, #tpu.memory_space<semaphore_mem>>)
      %dma_wait3A = arith.constant 0 : i32
      %dma_wait3A_51 = tpu.memref_slice %arg6[%arg0, %add3A_40, %dma_wait3A] : memref<2x10000x128xf32, #tpu.memory_space<hbm>> -> memref<1x208x128xf32, #tpu.memory_space<hbm>>
      %dma_wait3A_52 = tpu.memref_squeeze %dma_wait3A_51 : memref<1x208x128xf32, #tpu.memory_space<hbm>> -> memref<208x128xf32, #tpu.memory_space<hbm>>
      %dma_wait3A_53 = arith.constant 0 : i32
      %dma_wait3A_54 = tpu.memref_slice %arg6[%arg0, %add3A_40, %dma_wait3A_53] : memref<2x10000x128xf32, #tpu.memory_space<hbm>> -> memref<1x208x128xf32, #tpu.memory_space<hbm>>
      %dma_wait3A_55 = tpu.memref_squeeze %dma_wait3A_54 : memref<1x208x128xf32, #tpu.memory_space<hbm>> -> memref<208x128xf32, #tpu.memory_space<hbm>>
      tpu.wait_dma2 semaphore(%run_scoped3A : memref<!tpu.dma_semaphore, #tpu.memory_space<semaphore_mem>>) src(%arg11 : memref<208x128xf32, #tpu.memory_space<vmem>>) dst(%dma_wait3A_55 : memref<208x128xf32, #tpu.memory_space<hbm>>)
      tpu.yield
    }) : () -> ()
    %eq3A_41 = arith.constant 0 : i32
    %eq3A_42 = arith.cmpi eq, %arg1, %eq3A_41 : i32
    %convert_element_type3A_43 = arith.extui %eq3A_42 : i1 to i32
    %cond3A_44 = arith.constant 0 : i32
    %cond3A_45 = arith.cmpi ne, %convert_element_type3A_43, %cond3A_44 : i32
    scf.if %cond3A_45 {
      "tpu.region"() ({
        %run_scoped3A = tpu.sem_alloc : memref<!tpu.dma_semaphore, #tpu.memory_space<semaphore_mem>>
        %dma_start3A = arith.constant 0 : i32
        %dma_start3A_46 = arith.constant 0 : i32
        %dma_start3A_47 = tpu.memref_slice %arg11[%dma_start3A, %dma_start3A_46] : memref<208x128xf32, #tpu.memory_space<vmem>> -> memref<16x128xf32, #tpu.memory_space<vmem>>
        %dma_start3A_48 = arith.constant 9984 : i32
        %dma_start3A_49 = arith.constant 0 : i32
        %dma_start3A_50 = tpu.memref_slice %arg13[%dma_start3A_48, %dma_start3A_49] : memref<10000x128xf32, #tpu.memory_space<vmem_shared>> -> memref<16x128xf32, #tpu.memory_space<vmem_shared>>
        %dma_start3A_51 = arith.constant 0 : i32
        %dma_start3A_52 = arith.constant 0 : i32
        %dma_start3A_53 = tpu.memref_slice %arg11[%dma_start3A_51, %dma_start3A_52] : memref<208x128xf32, #tpu.memory_space<vmem>> -> memref<16x128xf32, #tpu.memory_space<vmem>>
        %dma_start3A_54 = arith.constant 9984 : i32
        %dma_start3A_55 = arith.constant 0 : i32
        %dma_start3A_56 = tpu.memref_slice %arg13[%dma_start3A_54, %dma_start3A_55] : memref<10000x128xf32, #tpu.memory_space<vmem_shared>> -> memref<16x128xf32, #tpu.memory_space<vmem_shared>>
        tpu.enqueue_dma source(%dma_start3A_56 : memref<16x128xf32, #tpu.memory_space<vmem_shared>>) target(%dma_start3A_53 : memref<16x128xf32, #tpu.memory_space<vmem>>) target_semaphore(%run_scoped3A : memref<!tpu.dma_semaphore, #tpu.memory_space<semaphore_mem>>)
        %dma_wait3A = arith.constant 0 : i32
        %dma_wait3A_57 = arith.constant 0 : i32
        %dma_wait3A_58 = tpu.memref_slice %arg11[%dma_wait3A, %dma_wait3A_57] : memref<208x128xf32, #tpu.memory_space<vmem>> -> memref<16x128xf32, #tpu.memory_space<vmem>>
        %dma_wait3A_59 = arith.constant 9984 : i32
        %dma_wait3A_60 = arith.constant 0 : i32
        %dma_wait3A_61 = tpu.memref_slice %arg13[%dma_wait3A_59, %dma_wait3A_60] : memref<10000x128xf32, #tpu.memory_space<vmem_shared>> -> memref<16x128xf32, #tpu.memory_space<vmem_shared>>
        %dma_wait3A_62 = arith.constant 0 : i32
        %dma_wait3A_63 = arith.constant 0 : i32
        %dma_wait3A_64 = tpu.memref_slice %arg11[%dma_wait3A_62, %dma_wait3A_63] : memref<208x128xf32, #tpu.memory_space<vmem>> -> memref<16x128xf32, #tpu.memory_space<vmem>>
        %dma_wait3A_65 = arith.constant 9984 : i32
        %dma_wait3A_66 = arith.constant 0 : i32
        %dma_wait3A_67 = tpu.memref_slice %arg13[%dma_wait3A_65, %dma_wait3A_66] : memref<10000x128xf32, #tpu.memory_space<vmem_shared>> -> memref<16x128xf32, #tpu.memory_space<vmem_shared>>
        tpu.wait_dma2 semaphore(%run_scoped3A : memref<!tpu.dma_semaphore, #tpu.memory_space<semaphore_mem>>) src(%dma_wait3A_67 : memref<16x128xf32, #tpu.memory_space<vmem_shared>>) dst(%dma_wait3A_64 : memref<16x128xf32, #tpu.memory_space<vmem>>)
        tpu.yield
      }) : () -> ()
      "tpu.region"() ({
        %run_scoped3A = tpu.sem_alloc : memref<!tpu.dma_semaphore, #tpu.memory_space<semaphore_mem>>
        %dma_start3A = arith.constant 0 : i32
        %dma_start3A_46 = arith.constant 0 : i32
        %dma_start3A_47 = tpu.memref_slice %arg11[%dma_start3A, %dma_start3A_46] : memref<208x128xf32, #tpu.memory_space<vmem>> -> memref<16x128xf32, #tpu.memory_space<vmem>>
        %dma_start3A_48 = arith.constant 9984 : i32
        %dma_start3A_49 = arith.constant 0 : i32
        %dma_start3A_50 = tpu.memref_slice %arg6[%arg0, %dma_start3A_48, %dma_start3A_49] : memref<2x10000x128xf32, #tpu.memory_space<hbm>> -> memref<1x16x128xf32, #tpu.memory_space<hbm>>
        %dma_start3A_51 = tpu.memref_squeeze %dma_start3A_50 : memref<1x16x128xf32, #tpu.memory_space<hbm>> -> memref<16x128xf32, #tpu.memory_space<hbm>>
        %dma_start3A_52 = arith.constant 9984 : i32
        %dma_start3A_53 = arith.constant 0 : i32
        %dma_start3A_54 = tpu.memref_slice %arg6[%arg0, %dma_start3A_52, %dma_start3A_53] : memref<2x10000x128xf32, #tpu.memory_space<hbm>> -> memref<1x16x128xf32, #tpu.memory_space<hbm>>
        %dma_start3A_55 = tpu.memref_squeeze %dma_start3A_54 : memref<1x16x128xf32, #tpu.memory_space<hbm>> -> memref<16x128xf32, #tpu.memory_space<hbm>>
        %dma_start3A_56 = arith.constant 0 : i32
        %dma_start3A_57 = arith.constant 0 : i32
        %dma_start3A_58 = tpu.memref_slice %arg11[%dma_start3A_56, %dma_start3A_57] : memref<208x128xf32, #tpu.memory_space<vmem>> -> memref<16x128xf32, #tpu.memory_space<vmem>>
        tpu.enqueue_dma source(%dma_start3A_58 : memref<16x128xf32, #tpu.memory_space<vmem>>) target(%dma_start3A_55 : memref<16x128xf32, #tpu.memory_space<hbm>>) target_semaphore(%run_scoped3A : memref<!tpu.dma_semaphore, #tpu.memory_space<semaphore_mem>>)
        %dma_wait3A = arith.constant 0 : i32
        %dma_wait3A_59 = arith.constant 0 : i32
        %dma_wait3A_60 = tpu.memref_slice %arg11[%dma_wait3A, %dma_wait3A_59] : memref<208x128xf32, #tpu.memory_space<vmem>> -> memref<16x128xf32, #tpu.memory_space<vmem>>
        %dma_wait3A_61 = arith.constant 9984 : i32
        %dma_wait3A_62 = arith.constant 0 : i32
        %dma_wait3A_63 = tpu.memref_slice %arg6[%arg0, %dma_wait3A_61, %dma_wait3A_62] : memref<2x10000x128xf32, #tpu.memory_space<hbm>> -> memref<1x16x128xf32, #tpu.memory_space<hbm>>
        %dma_wait3A_64 = tpu.memref_squeeze %dma_wait3A_63 : memref<1x16x128xf32, #tpu.memory_space<hbm>> -> memref<16x128xf32, #tpu.memory_space<hbm>>
        %dma_wait3A_65 = arith.constant 9984 : i32
        %dma_wait3A_66 = arith.constant 0 : i32
        %dma_wait3A_67 = tpu.memref_slice %arg6[%arg0, %dma_wait3A_65, %dma_wait3A_66] : memref<2x10000x128xf32, #tpu.memory_space<hbm>> -> memref<1x16x128xf32, #tpu.memory_space<hbm>>
        %dma_wait3A_68 = tpu.memref_squeeze %dma_wait3A_67 : memref<1x16x128xf32, #tpu.memory_space<hbm>> -> memref<16x128xf32, #tpu.memory_space<hbm>>
        %dma_wait3A_69 = arith.constant 0 : i32
        %dma_wait3A_70 = arith.constant 0 : i32
        %dma_wait3A_71 = tpu.memref_slice %arg11[%dma_wait3A_69, %dma_wait3A_70] : memref<208x128xf32, #tpu.memory_space<vmem>> -> memref<16x128xf32, #tpu.memory_space<vmem>>
        tpu.wait_dma2 semaphore(%run_scoped3A : memref<!tpu.dma_semaphore, #tpu.memory_space<semaphore_mem>>) src(%dma_wait3A_71 : memref<16x128xf32, #tpu.memory_space<vmem>>) dst(%dma_wait3A_68 : memref<16x128xf32, #tpu.memory_space<hbm>>)
        tpu.yield
      }) : () -> ()
    } else {
    }
    return
  }
}

module attributes {stable_mosaic.version = 14 : i64} {
  func.func @_mm_in_body(%arg0: memref<10000x128xf32, #tpu.memory_space<vmem>>, %arg1: memref<128x128xf32, #tpu.memory_space<vmem>>, %arg2: memref<1x128xf32, #tpu.memory_space<vmem>>, %arg3: memref<10000x128xf32, #tpu.memory_space<vmem>>) attributes {dimension_semantics = [], scalar_prefetch = 0 : i64, scratch_operands = 0 : i64, tpu.core_type = #tpu.core_type<tc>} {
    %get3A = arith.constant 0 : index
    %get3A_0 = arith.constant 0 : index
    %get3A_1 = vector.load %arg0[%get3A, %get3A_0] : memref<10000x128xf32, #tpu.memory_space<vmem>>, vector<10000x128xf32>
    %get3A_2 = arith.constant 0 : index
    %get3A_3 = arith.constant 0 : index
    %get3A_4 = vector.load %arg1[%get3A_2, %get3A_3] : memref<128x128xf32, #tpu.memory_space<vmem>>, vector<128x128xf32>
    %dot_general3A = arith.constant dense<0.000000e+00> : vector<10000x128xf32>
    %dot_general3A_5 = tpu.matmul %get3A_1, %get3A_4, %dot_general3A {dimension_numbers = #tpu.dot_dimension_numbers<[1], [0], [0], [1], [0, 0, 1, 1], [], []>, transpose_lhs_hint = false} : vector<10000x128xf32>, vector<128x128xf32>, vector<10000x128xf32> -> vector<10000x128xf32>
    %get3A_6 = arith.constant 0 : index
    %get3A_7 = arith.constant 0 : index
    %get3A_8 = vector.load %arg2[%get3A_6, %get3A_7] : memref<1x128xf32, #tpu.memory_space<vmem>>, vector<1x128xf32>
    %add3A = vector.broadcast %get3A_8 : vector<1x128xf32> to vector<10000x128xf32>
    %add3A_9 = arith.addf %dot_general3A_5, %add3A : vector<10000x128xf32>
    %swap3A = arith.constant 0 : index
    %swap3A_10 = arith.constant 0 : index
    %swap3A_11 = vector.load %arg3[%swap3A, %swap3A_10] : memref<10000x128xf32, #tpu.memory_space<vmem>>, vector<10000x128xf32>
    tpu.vector_store %arg3[%swap3A, %swap3A_10], %add3A_9 {strides = array<i32>} : memref<10000x128xf32, #tpu.memory_space<vmem>>, vector<10000x128xf32>,
    return
  }
}

module attributes {stable_mosaic.version = 14 : i64} {
  func.func @_norm_relu_body(%arg0: memref<10000x128xf32, #tpu.memory_space<vmem>>, %arg1: memref<1x128xf32, #tpu.memory_space<vmem>>, %arg2: memref<1x128xf32, #tpu.memory_space<vmem>>, %arg3: memref<1x128xf32, #tpu.memory_space<vmem>>, %arg4: memref<1x128xf32, #tpu.memory_space<vmem>>, %arg5: memref<10000x128xf32, #tpu.memory_space<vmem>>) attributes {dimension_semantics = [], scalar_prefetch = 0 : i64, scratch_operands = 0 : i64, tpu.core_type = #tpu.core_type<tc>} {
    %get3A = arith.constant 0 : index
    %get3A_0 = arith.constant 0 : index
    %get3A_1 = vector.load %arg0[%get3A, %get3A_0] : memref<10000x128xf32, #tpu.memory_space<vmem>>, vector<10000x128xf32>
    %get3A_2 = arith.constant 0 : index
    %get3A_3 = arith.constant 0 : index
    %get3A_4 = vector.load %arg1[%get3A_2, %get3A_3] : memref<1x128xf32, #tpu.memory_space<vmem>>, vector<1x128xf32>
    %sub3A = vector.broadcast %get3A_4 : vector<1x128xf32> to vector<10000x128xf32>
    %sub3A_5 = arith.subf %get3A_1, %sub3A : vector<10000x128xf32>
    %get3A_6 = arith.constant 0 : index
    %get3A_7 = arith.constant 0 : index
    %get3A_8 = vector.load %arg2[%get3A_6, %get3A_7] : memref<1x128xf32, #tpu.memory_space<vmem>>, vector<1x128xf32>
    %div3A = vector.broadcast %get3A_8 : vector<1x128xf32> to vector<10000x128xf32>
    %div3A_9 = arith.divf %sub3A_5, %div3A : vector<10000x128xf32>
    %get3A_10 = arith.constant 0 : index
    %get3A_11 = arith.constant 0 : index
    %get3A_12 = vector.load %arg3[%get3A_10, %get3A_11] : memref<1x128xf32, #tpu.memory_space<vmem>>, vector<1x128xf32>
    %mul3A = vector.broadcast %get3A_12 : vector<1x128xf32> to vector<10000x128xf32>
    %mul3A_13 = arith.mulf %div3A_9, %mul3A : vector<10000x128xf32>
    %get3A_14 = arith.constant 0 : index
    %get3A_15 = arith.constant 0 : index
    %get3A_16 = vector.load %arg4[%get3A_14, %get3A_15] : memref<1x128xf32, #tpu.memory_space<vmem>>, vector<1x128xf32>
    %add3A = vector.broadcast %get3A_16 : vector<1x128xf32> to vector<10000x128xf32>
    %add3A_17 = arith.addf %mul3A_13, %add3A : vector<10000x128xf32>
    %max3A = arith.constant 0.000000e+00 : f32
    %max3A_18 = vector.broadcast %max3A : f32 to vector<10000x128xf32>
    %max3A_19 = arith.maximumf %add3A_17, %max3A_18 : vector<10000x128xf32>
    %swap3A = arith.constant 0 : index
    %swap3A_20 = arith.constant 0 : index
    %swap3A_21 = vector.load %arg5[%swap3A, %swap3A_20] : memref<10000x128xf32, #tpu.memory_space<vmem>>, vector<10000x128xf32>
    tpu.vector_store %arg5[%swap3A, %swap3A_20], %max3A_19 {strides = array<i32>} : memref<10000x128xf32, #tpu.memory_space<vmem>>, vector<10000x128xf32>,
    return
  }
}

module attributes {stable_mosaic.version = 14 : i64} {
  func.func @_edget_body(%arg0: i32, %arg1: memref<4000x16xf32, #tpu.memory_space<vmem>>, %arg2: memref<16x128xf32, #tpu.memory_space<vmem>>, %arg3: memref<1x128xf32, #tpu.memory_space<vmem>>, %arg4: memref<128x128xf32, #tpu.memory_space<vmem>>, %arg5: memref<1x128xf32, #tpu.memory_space<vmem>>, %arg6: memref<128x128xf32, #tpu.memory_space<vmem>>, %arg7: memref<1x128xf32, #tpu.memory_space<vmem>>, %arg8: memref<128x128xf32, #tpu.memory_space<vmem>>, %arg9: memref<1x128xf32, #tpu.memory_space<vmem>>, %arg10: memref<4000x128xf32, #tpu.memory_space<vmem>>, %arg11: memref<4000x128xf32, #tpu.memory_space<vmem>>, %arg12: memref<4000x128xf32, #tpu.memory_space<vmem>>) attributes {dimension_semantics = [#tpu.dimension_semantics<arbitrary>], iteration_bounds = array<i64: 80>, scalar_prefetch = 0 : i64, scratch_operands = 0 : i64, tpu.core_type = #tpu.core_type<tc>, window_params = [{transform_indices = @transform_0, window_bounds = array<i64: 4000, 16>}, {pipeline_mode = #tpu.pipeline_mode<synchronous>, transform_indices = @transform_1, window_bounds = array<i64: 16, 128>}, {pipeline_mode = #tpu.pipeline_mode<synchronous>, transform_indices = @transform_2, window_bounds = array<i64: 1, 128>}, {pipeline_mode = #tpu.pipeline_mode<synchronous>, transform_indices = @transform_3, window_bounds = array<i64: 128, 128>}, {pipeline_mode = #tpu.pipeline_mode<synchronous>, transform_indices = @transform_4, window_bounds = array<i64: 1, 128>}, {pipeline_mode = #tpu.pipeline_mode<synchronous>, transform_indices = @transform_5, window_bounds = array<i64: 128, 128>}, {pipeline_mode = #tpu.pipeline_mode<synchronous>, transform_indices = @transform_6, window_bounds = array<i64: 1, 128>}, {pipeline_mode = #tpu.pipeline_mode<synchronous>, transform_indices = @transform_7, window_bounds = array<i64: 128, 128>}, {pipeline_mode = #tpu.pipeline_mode<synchronous>, transform_indices = @transform_8, window_bounds = array<i64: 1, 128>}, {transform_indices = @transform_9, window_bounds = array<i64: 4000, 128>}, {transform_indices = @transform_10, window_bounds = array<i64: 4000, 128>}, {transform_indices = @transform_11, window_bounds = array<i64: 4000, 128>}]} {
    %get3A = arith.constant 0 : index
    %get3A_0 = arith.constant 0 : index
    %get3A_1 = vector.load %arg1[%get3A, %get3A_0] : memref<4000x16xf32, #tpu.memory_space<vmem>>, vector<4000x16xf32>
    %get3A_2 = arith.constant 0 : index
    %get3A_3 = arith.constant 0 : index
    %get3A_4 = vector.load %arg2[%get3A_2, %get3A_3] : memref<16x128xf32, #tpu.memory_space<vmem>>, vector<16x128xf32>
    %dot_general3A = arith.constant dense<0.000000e+00> : vector<4000x128xf32>
    %dot_general3A_5 = tpu.matmul %get3A_1, %get3A_4, %dot_general3A {dimension_numbers = #tpu.dot_dimension_numbers<[1], [0], [0], [1], [0, 0, 1, 1], [], []>, transpose_lhs_hint = false} : vector<4000x16xf32>, vector<16x128xf32>, vector<4000x128xf32> -> vector<4000x128xf32>
    %get3A_6 = arith.constant 0 : index
    %get3A_7 = arith.constant 0 : index
    %get3A_8 = vector.load %arg3[%get3A_6, %get3A_7] : memref<1x128xf32, #tpu.memory_space<vmem>>, vector<1x128xf32>
    %add3A = vector.broadcast %get3A_8 : vector<1x128xf32> to vector<4000x128xf32>
    %add3A_9 = arith.addf %dot_general3A_5, %add3A : vector<4000x128xf32>
    %max3A = arith.constant 0.000000e+00 : f32
    %max3A_10 = vector.broadcast %max3A : f32 to vector<4000x128xf32>
    %max3A_11 = arith.maximumf %add3A_9, %max3A_10 : vector<4000x128xf32>
    %get3A_12 = arith.constant 0 : index
    %get3A_13 = arith.constant 0 : index
    %get3A_14 = vector.load %arg4[%get3A_12, %get3A_13] : memref<128x128xf32, #tpu.memory_space<vmem>>, vector<128x128xf32>
    %dot_general3A_15 = arith.constant dense<0.000000e+00> : vector<4000x128xf32>
    %dot_general3A_16 = tpu.matmul %max3A_11, %get3A_14, %dot_general3A_15 {dimension_numbers = #tpu.dot_dimension_numbers<[1], [0], [0], [1], [0, 0, 1, 1], [], []>, transpose_lhs_hint = false} : vector<4000x128xf32>, vector<128x128xf32>, vector<4000x128xf32> -> vector<4000x128xf32>
    %get3A_17 = arith.constant 0 : index
    %get3A_18 = arith.constant 0 : index
    %get3A_19 = vector.load %arg5[%get3A_17, %get3A_18] : memref<1x128xf32, #tpu.memory_space<vmem>>, vector<1x128xf32>
    %add3A_20 = vector.broadcast %get3A_19 : vector<1x128xf32> to vector<4000x128xf32>
    %add3A_21 = arith.addf %dot_general3A_16, %add3A_20 : vector<4000x128xf32>
    %swap3A = arith.constant 0 : index
    %swap3A_22 = arith.constant 0 : index
    %swap3A_23 = vector.load %arg10[%swap3A, %swap3A_22] : memref<4000x128xf32, #tpu.memory_space<vmem>>, vector<4000x128xf32>
    tpu.vector_store %arg10[%swap3A, %swap3A_22], %add3A_21 {strides = array<i32>} : memref<4000x128xf32, #tpu.memory_space<vmem>>, vector<4000x128xf32>,
    %get3A_24 = arith.constant 0 : index
    %get3A_25 = arith.constant 0 : index
    %get3A_26 = vector.load %arg6[%get3A_24, %get3A_25] : memref<128x128xf32, #tpu.memory_space<vmem>>, vector<128x128xf32>
    %dot_general3A_27 = arith.constant dense<0.000000e+00> : vector<4000x128xf32>
    %dot_general3A_28 = tpu.matmul %max3A_11, %get3A_26, %dot_general3A_27 {dimension_numbers = #tpu.dot_dimension_numbers<[1], [0], [0], [1], [0, 0, 1, 1], [], []>, transpose_lhs_hint = false} : vector<4000x128xf32>, vector<128x128xf32>, vector<4000x128xf32> -> vector<4000x128xf32>
    %get3A_29 = arith.constant 0 : index
    %get3A_30 = arith.constant 0 : index
    %get3A_31 = vector.load %arg7[%get3A_29, %get3A_30] : memref<1x128xf32, #tpu.memory_space<vmem>>, vector<1x128xf32>
    %add3A_32 = vector.broadcast %get3A_31 : vector<1x128xf32> to vector<4000x128xf32>
    %add3A_33 = arith.addf %dot_general3A_28, %add3A_32 : vector<4000x128xf32>
    %swap3A_34 = arith.constant 0 : index
    %swap3A_35 = arith.constant 0 : index
    %swap3A_36 = vector.load %arg11[%swap3A_34, %swap3A_35] : memref<4000x128xf32, #tpu.memory_space<vmem>>, vector<4000x128xf32>
    tpu.vector_store %arg11[%swap3A_34, %swap3A_35], %add3A_33 {strides = array<i32>} : memref<4000x128xf32, #tpu.memory_space<vmem>>, vector<4000x128xf32>,
    %get3A_37 = arith.constant 0 : index
    %get3A_38 = arith.constant 0 : index
    %get3A_39 = vector.load %arg8[%get3A_37, %get3A_38] : memref<128x128xf32, #tpu.memory_space<vmem>>, vector<128x128xf32>
    %dot_general3A_40 = arith.constant dense<0.000000e+00> : vector<4000x128xf32>
    %dot_general3A_41 = tpu.matmul %max3A_11, %get3A_39, %dot_general3A_40 {dimension_numbers = #tpu.dot_dimension_numbers<[1], [0], [0], [1], [0, 0, 1, 1], [], []>, transpose_lhs_hint = false} : vector<4000x128xf32>, vector<128x128xf32>, vector<4000x128xf32> -> vector<4000x128xf32>
    %get3A_42 = arith.constant 0 : index
    %get3A_43 = arith.constant 0 : index
    %get3A_44 = vector.load %arg9[%get3A_42, %get3A_43] : memref<1x128xf32, #tpu.memory_space<vmem>>, vector<1x128xf32>
    %add3A_45 = vector.broadcast %get3A_44 : vector<1x128xf32> to vector<4000x128xf32>
    %add3A_46 = arith.addf %dot_general3A_41, %add3A_45 : vector<4000x128xf32>
    %swap3A_47 = arith.constant 0 : index
    %swap3A_48 = arith.constant 0 : index
    %swap3A_49 = vector.load %arg12[%swap3A_47, %swap3A_48] : memref<4000x128xf32, #tpu.memory_space<vmem>>, vector<4000x128xf32>
    tpu.vector_store %arg12[%swap3A_47, %swap3A_48], %add3A_46 {strides = array<i32>} : memref<4000x128xf32, #tpu.memory_space<vmem>>, vector<4000x128xf32>,
    return
  }
  func.func @transform_0(%arg0: i32) -> (i32, i32) {
    %c0_i32 = arith.constant 0 : i32
    %c0_i32_0 = arith.constant 0 : i32
    return %arg0, %c0_i32 : i32, i32
  }
  func.func @transform_1(%arg0: i32) -> (i32, i32) {
    %c0_i32 = arith.constant 0 : i32
    %c0_i32_0 = arith.constant 0 : i32
    %c0_i32_1 = arith.constant 0 : i32
    return %c0_i32, %c0_i32_0 : i32, i32
  }
  func.func @transform_2(%arg0: i32) -> (i32, i32) {
    %c0_i32 = arith.constant 0 : i32
    %c0_i32_0 = arith.constant 0 : i32
    %c0_i32_1 = arith.constant 0 : i32
    return %c0_i32, %c0_i32_0 : i32, i32
  }
  func.func @transform_3(%arg0: i32) -> (i32, i32) {
    %c0_i32 = arith.constant 0 : i32
    %c0_i32_0 = arith.constant 0 : i32
    %c0_i32_1 = arith.constant 0 : i32
    return %c0_i32, %c0_i32_0 : i32, i32
  }
  func.func @transform_4(%arg0: i32) -> (i32, i32) {
    %c0_i32 = arith.constant 0 : i32
    %c0_i32_0 = arith.constant 0 : i32
    %c0_i32_1 = arith.constant 0 : i32
    return %c0_i32, %c0_i32_0 : i32, i32
  }
  func.func @transform_5(%arg0: i32) -> (i32, i32) {
    %c0_i32 = arith.constant 0 : i32
    %c0_i32_0 = arith.constant 0 : i32
    %c0_i32_1 = arith.constant 0 : i32
    return %c0_i32, %c0_i32_0 : i32, i32
  }
  func.func @transform_6(%arg0: i32) -> (i32, i32) {
    %c0_i32 = arith.constant 0 : i32
    %c0_i32_0 = arith.constant 0 : i32
    %c0_i32_1 = arith.constant 0 : i32
    return %c0_i32, %c0_i32_0 : i32, i32
  }
  func.func @transform_7(%arg0: i32) -> (i32, i32) {
    %c0_i32 = arith.constant 0 : i32
    %c0_i32_0 = arith.constant 0 : i32
    %c0_i32_1 = arith.constant 0 : i32
    return %c0_i32, %c0_i32_0 : i32, i32
  }
  func.func @transform_8(%arg0: i32) -> (i32, i32) {
    %c0_i32 = arith.constant 0 : i32
    %c0_i32_0 = arith.constant 0 : i32
    %c0_i32_1 = arith.constant 0 : i32
    return %c0_i32, %c0_i32_0 : i32, i32
  }
  func.func @transform_9(%arg0: i32) -> (i32, i32) {
    %c0_i32 = arith.constant 0 : i32
    %c0_i32_0 = arith.constant 0 : i32
    return %arg0, %c0_i32 : i32, i32
  }
  func.func @transform_10(%arg0: i32) -> (i32, i32) {
    %c0_i32 = arith.constant 0 : i32
    %c0_i32_0 = arith.constant 0 : i32
    return %arg0, %c0_i32 : i32, i32
  }
  func.func @transform_11(%arg0: i32) -> (i32, i32) {
    %c0_i32 = arith.constant 0 : i32
    %c0_i32_0 = arith.constant 0 : i32
    return %arg0, %c0_i32 : i32, i32
  }
}

module attributes {stable_mosaic.version = 14 : i64} {
  func.func @_zw1_body(%arg0: memref<10000x128xf32, #tpu.memory_space<vmem>>, %arg1: memref<10000x128xf32, #tpu.memory_space<vmem>>, %arg2: memref<10000x128xf32, #tpu.memory_space<vmem>>, %arg3: memref<1x1xf32, #tpu.memory_space<vmem>>, %arg4: memref<128x128xf32, #tpu.memory_space<vmem>>, %arg5: memref<1x128xf32, #tpu.memory_space<vmem>>, %arg6: memref<10000x128xf32, #tpu.memory_space<vmem>>) attributes {dimension_semantics = [], scalar_prefetch = 0 : i64, scratch_operands = 0 : i64, tpu.core_type = #tpu.core_type<tc>} {
    %get3A = arith.constant 0 : index
    %get3A_0 = arith.constant 0 : index
    %get3A_1 = vector.load %arg3[%get3A, %get3A_0] : memref<1x1xf32, #tpu.memory_space<vmem>>, vector<1x1xf32>
    %get3A_2 = arith.constant 0 : index
    %get3A_3 = arith.constant 0 : index
    %get3A_4 = vector.load %arg0[%get3A_2, %get3A_3] : memref<10000x128xf32, #tpu.memory_space<vmem>>, vector<10000x128xf32>
    %mul3A = vector.broadcast %get3A_1 : vector<1x1xf32> to vector<10000x128xf32>
    %mul3A_5 = arith.mulf %mul3A, %get3A_4 : vector<10000x128xf32>
    %get3A_6 = arith.constant 0 : index
    %get3A_7 = arith.constant 0 : index
    %get3A_8 = vector.load %arg1[%get3A_6, %get3A_7] : memref<10000x128xf32, #tpu.memory_space<vmem>>, vector<10000x128xf32>
    %get3A_9 = arith.constant 0 : index
    %get3A_10 = arith.constant 0 : index
    %get3A_11 = vector.load %arg2[%get3A_9, %get3A_10] : memref<10000x128xf32, #tpu.memory_space<vmem>>, vector<10000x128xf32>
    %add3A = arith.addf %get3A_8, %get3A_11 : vector<10000x128xf32>
    %add3A_12 = arith.addf %mul3A_5, %add3A : vector<10000x128xf32>
    %get3A_13 = arith.constant 0 : index
    %get3A_14 = arith.constant 0 : index
    %get3A_15 = vector.load %arg4[%get3A_13, %get3A_14] : memref<128x128xf32, #tpu.memory_space<vmem>>, vector<128x128xf32>
    %dot_general3A = arith.constant dense<0.000000e+00> : vector<10000x128xf32>
    %dot_general3A_16 = tpu.matmul %add3A_12, %get3A_15, %dot_general3A {dimension_numbers = #tpu.dot_dimension_numbers<[1], [0], [0], [1], [0, 0, 1, 1], [], []>, transpose_lhs_hint = false} : vector<10000x128xf32>, vector<128x128xf32>, vector<10000x128xf32> -> vector<10000x128xf32>
    %get3A_17 = arith.constant 0 : index
    %get3A_18 = arith.constant 0 : index
    %get3A_19 = vector.load %arg5[%get3A_17, %get3A_18] : memref<1x128xf32, #tpu.memory_space<vmem>>, vector<1x128xf32>
    %add3A_20 = vector.broadcast %get3A_19 : vector<1x128xf32> to vector<10000x128xf32>
    %add3A_21 = arith.addf %dot_general3A_16, %add3A_20 : vector<10000x128xf32>
    %swap3A = arith.constant 0 : index
    %swap3A_22 = arith.constant 0 : index
    %swap3A_23 = vector.load %arg6[%swap3A, %swap3A_22] : memref<10000x128xf32, #tpu.memory_space<vmem>>, vector<10000x128xf32>
    tpu.vector_store %arg6[%swap3A, %swap3A_22], %add3A_21 {strides = array<i32>} : memref<10000x128xf32, #tpu.memory_space<vmem>>, vector<10000x128xf32>,
    return
  }
}

module attributes {stable_mosaic.version = 14 : i64} {
  func.func @_nw2_body(%arg0: memref<10000x128xf32, #tpu.memory_space<vmem>>, %arg1: memref<1x128xf32, #tpu.memory_space<vmem>>, %arg2: memref<1x128xf32, #tpu.memory_space<vmem>>, %arg3: memref<1x128xf32, #tpu.memory_space<vmem>>, %arg4: memref<1x128xf32, #tpu.memory_space<vmem>>, %arg5: memref<128x128xf32, #tpu.memory_space<vmem>>, %arg6: memref<1x128xf32, #tpu.memory_space<vmem>>, %arg7: memref<10000x128xf32, #tpu.memory_space<vmem>>) attributes {dimension_semantics = [], scalar_prefetch = 0 : i64, scratch_operands = 0 : i64, tpu.core_type = #tpu.core_type<tc>} {
    %get3A = arith.constant 0 : index
    %get3A_0 = arith.constant 0 : index
    %get3A_1 = vector.load %arg0[%get3A, %get3A_0] : memref<10000x128xf32, #tpu.memory_space<vmem>>, vector<10000x128xf32>
    %get3A_2 = arith.constant 0 : index
    %get3A_3 = arith.constant 0 : index
    %get3A_4 = vector.load %arg1[%get3A_2, %get3A_3] : memref<1x128xf32, #tpu.memory_space<vmem>>, vector<1x128xf32>
    %sub3A = vector.broadcast %get3A_4 : vector<1x128xf32> to vector<10000x128xf32>
    %sub3A_5 = arith.subf %get3A_1, %sub3A : vector<10000x128xf32>
    %get3A_6 = arith.constant 0 : index
    %get3A_7 = arith.constant 0 : index
    %get3A_8 = vector.load %arg2[%get3A_6, %get3A_7] : memref<1x128xf32, #tpu.memory_space<vmem>>, vector<1x128xf32>
    %div3A = vector.broadcast %get3A_8 : vector<1x128xf32> to vector<10000x128xf32>
    %div3A_9 = arith.divf %sub3A_5, %div3A : vector<10000x128xf32>
    %get3A_10 = arith.constant 0 : index
    %get3A_11 = arith.constant 0 : index
    %get3A_12 = vector.load %arg3[%get3A_10, %get3A_11] : memref<1x128xf32, #tpu.memory_space<vmem>>, vector<1x128xf32>
    %mul3A = vector.broadcast %get3A_12 : vector<1x128xf32> to vector<10000x128xf32>
    %mul3A_13 = arith.mulf %div3A_9, %mul3A : vector<10000x128xf32>
    %get3A_14 = arith.constant 0 : index
    %get3A_15 = arith.constant 0 : index
    %get3A_16 = vector.load %arg4[%get3A_14, %get3A_15] : memref<1x128xf32, #tpu.memory_space<vmem>>, vector<1x128xf32>
    %add3A = vector.broadcast %get3A_16 : vector<1x128xf32> to vector<10000x128xf32>
    %add3A_17 = arith.addf %mul3A_13, %add3A : vector<10000x128xf32>
    %max3A = arith.constant 0.000000e+00 : f32
    %max3A_18 = vector.broadcast %max3A : f32 to vector<10000x128xf32>
    %max3A_19 = arith.maximumf %add3A_17, %max3A_18 : vector<10000x128xf32>
    %get3A_20 = arith.constant 0 : index
    %get3A_21 = arith.constant 0 : index
    %get3A_22 = vector.load %arg5[%get3A_20, %get3A_21] : memref<128x128xf32, #tpu.memory_space<vmem>>, vector<128x128xf32>
    %dot_general3A = arith.constant dense<0.000000e+00> : vector<10000x128xf32>
    %dot_general3A_23 = tpu.matmul %max3A_19, %get3A_22, %dot_general3A {dimension_numbers = #tpu.dot_dimension_numbers<[1], [0], [0], [1], [0, 0, 1, 1], [], []>, transpose_lhs_hint = false} : vector<10000x128xf32>, vector<128x128xf32>, vector<10000x128xf32> -> vector<10000x128xf32>
    %get3A_24 = arith.constant 0 : index
    %get3A_25 = arith.constant 0 : index
    %get3A_26 = vector.load %arg6[%get3A_24, %get3A_25] : memref<1x128xf32, #tpu.memory_space<vmem>>, vector<1x128xf32>
    %add3A_27 = vector.broadcast %get3A_26 : vector<1x128xf32> to vector<10000x128xf32>
    %add3A_28 = arith.addf %dot_general3A_23, %add3A_27 : vector<10000x128xf32>
    %swap3A = arith.constant 0 : index
    %swap3A_29 = arith.constant 0 : index
    %swap3A_30 = vector.load %arg7[%swap3A, %swap3A_29] : memref<10000x128xf32, #tpu.memory_space<vmem>>, vector<10000x128xf32>
    tpu.vector_store %arg7[%swap3A, %swap3A_29], %add3A_28 {strides = array<i32>} : memref<10000x128xf32, #tpu.memory_space<vmem>>, vector<10000x128xf32>,
    return
  }
}

module attributes {stable_mosaic.version = 14 : i64} {
  func.func @_lnres_body(%arg0: memref<10000x128xf32, #tpu.memory_space<vmem>>, %arg1: memref<10000x1xf32, #tpu.memory_space<vmem>>, %arg2: memref<10000x1xf32, #tpu.memory_space<vmem>>, %arg3: memref<1x128xf32, #tpu.memory_space<vmem>>, %arg4: memref<1x128xf32, #tpu.memory_space<vmem>>, %arg5: memref<10000x128xf32, #tpu.memory_space<vmem>>, %arg6: memref<10000x128xf32, #tpu.memory_space<vmem>>) attributes {dimension_semantics = [], scalar_prefetch = 0 : i64, scratch_operands = 0 : i64, tpu.core_type = #tpu.core_type<tc>} {
    %get3A = arith.constant 0 : index
    %get3A_0 = arith.constant 0 : index
    %get3A_1 = vector.load %arg0[%get3A, %get3A_0] : memref<10000x128xf32, #tpu.memory_space<vmem>>, vector<10000x128xf32>
    %get3A_2 = arith.constant 0 : index
    %get3A_3 = arith.constant 0 : index
    %get3A_4 = vector.load %arg1[%get3A_2, %get3A_3] : memref<10000x1xf32, #tpu.memory_space<vmem>>, vector<10000x1xf32>
    %sub3A = vector.broadcast %get3A_4 : vector<10000x1xf32> to vector<10000x128xf32>
    %sub3A_5 = arith.subf %get3A_1, %sub3A : vector<10000x128xf32>
    %get3A_6 = arith.constant 0 : index
    %get3A_7 = arith.constant 0 : index
    %get3A_8 = vector.load %arg2[%get3A_6, %get3A_7] : memref<10000x1xf32, #tpu.memory_space<vmem>>, vector<10000x1xf32>
    %div3A = vector.broadcast %get3A_8 : vector<10000x1xf32> to vector<10000x128xf32>
    %div3A_9 = arith.divf %sub3A_5, %div3A : vector<10000x128xf32>
    %get3A_10 = arith.constant 0 : index
    %get3A_11 = arith.constant 0 : index
    %get3A_12 = vector.load %arg3[%get3A_10, %get3A_11] : memref<1x128xf32, #tpu.memory_space<vmem>>, vector<1x128xf32>
    %mul3A = vector.broadcast %get3A_12 : vector<1x128xf32> to vector<10000x128xf32>
    %mul3A_13 = arith.mulf %div3A_9, %mul3A : vector<10000x128xf32>
    %get3A_14 = arith.constant 0 : index
    %get3A_15 = arith.constant 0 : index
    %get3A_16 = vector.load %arg4[%get3A_14, %get3A_15] : memref<1x128xf32, #tpu.memory_space<vmem>>, vector<1x128xf32>
    %add3A = vector.broadcast %get3A_16 : vector<1x128xf32> to vector<10000x128xf32>
    %add3A_17 = arith.addf %mul3A_13, %add3A : vector<10000x128xf32>
    %get3A_18 = arith.constant 0 : index
    %get3A_19 = arith.constant 0 : index
    %get3A_20 = vector.load %arg5[%get3A_18, %get3A_19] : memref<10000x128xf32, #tpu.memory_space<vmem>>, vector<10000x128xf32>
    %add3A_21 = arith.addf %add3A_17, %get3A_20 : vector<10000x128xf32>
    %max3A = arith.constant 0.000000e+00 : f32
    %max3A_22 = vector.broadcast %max3A : f32 to vector<10000x128xf32>
    %max3A_23 = arith.maximumf %add3A_21, %max3A_22 : vector<10000x128xf32>
    %swap3A = arith.constant 0 : index
    %swap3A_24 = arith.constant 0 : index
    %swap3A_25 = vector.load %arg6[%swap3A, %swap3A_24] : memref<10000x128xf32, #tpu.memory_space<vmem>>, vector<10000x128xf32>
    tpu.vector_store %arg6[%swap3A, %swap3A_24], %max3A_23 {strides = array<i32>} : memref<10000x128xf32, #tpu.memory_space<vmem>>, vector<10000x128xf32>,
    return
  }
}

module attributes {stable_mosaic.version = 14 : i64} {
  func.func @_readout_body(%arg0: memref<10000x128xf32, #tpu.memory_space<vmem>>, %arg1: memref<10000x128xf32, #tpu.memory_space<vmem>>, %arg2: memref<10000x128xf32, #tpu.memory_space<vmem>>, %arg3: memref<10000x1xi32, #tpu.memory_space<vmem>>, %arg4: memref<64x32xf32, #tpu.memory_space<vmem>>, %arg5: memref<128x64xf32, #tpu.memory_space<vmem>>, %arg6: memref<1x64xf32, #tpu.memory_space<vmem>>, %arg7: memref<64x128xf32, #tpu.memory_space<vmem>>, %arg8: memref<1x1xf32, #tpu.memory_space<vmem>>, %arg9: memref<128x128xf32, #tpu.memory_space<vmem>>, %arg10: memref<128x128xf32, #tpu.memory_space<vmem>>, %arg11: memref<128x128xf32, #tpu.memory_space<vmem>>, %arg12: memref<32x128xf32, #tpu.memory_space<vmem>>, %arg13: memref<1x128xf32, #tpu.memory_space<vmem>>, %arg14: memref<64x128xf32, #tpu.memory_space<vmem>>, %arg15: memref<64x128xf32, #tpu.memory_space<vmem>>) attributes {dimension_semantics = [], scalar_prefetch = 0 : i64, scratch_operands = 1 : i64, tpu.core_type = #tpu.core_type<tc>} {
    %get3A = arith.constant 0 : index
    %get3A_0 = arith.constant 0 : index
    %get3A_1 = vector.load %arg0[%get3A, %get3A_0] : memref<10000x128xf32, #tpu.memory_space<vmem>>, vector<10000x128xf32>
    %get3A_2 = arith.constant 0 : index
    %get3A_3 = arith.constant 0 : index
    %get3A_4 = vector.load %arg1[%get3A_2, %get3A_3] : memref<10000x128xf32, #tpu.memory_space<vmem>>, vector<10000x128xf32>
    %get3A_5 = arith.constant 0 : index
    %get3A_6 = arith.constant 0 : index
    %get3A_7 = vector.load %arg2[%get3A_5, %get3A_6] : memref<10000x128xf32, #tpu.memory_space<vmem>>, vector<10000x128xf32>
    %get3A_8 = arith.constant 0 : index
    %get3A_9 = arith.constant 0 : index
    %get3A_10 = vector.load %arg5[%get3A_8, %get3A_9] : memref<128x64xf32, #tpu.memory_space<vmem>>, vector<128x64xf32>
    %dot_general3A = arith.constant dense<0.000000e+00> : vector<10000x64xf32>
    %dot_general3A_11 = tpu.matmul %get3A_1, %get3A_10, %dot_general3A {dimension_numbers = #tpu.dot_dimension_numbers<[1], [0], [0], [1], [0, 0, 1, 1], [], []>, transpose_lhs_hint = false} : vector<10000x128xf32>, vector<128x64xf32>, vector<10000x64xf32> -> vector<10000x64xf32>
    %get3A_12 = arith.constant 0 : index
    %get3A_13 = arith.constant 0 : index
    %get3A_14 = vector.load %arg6[%get3A_12, %get3A_13] : memref<1x64xf32, #tpu.memory_space<vmem>>, vector<1x64xf32>
    %add3A = vector.broadcast %get3A_14 : vector<1x64xf32> to vector<10000x64xf32>
    %add3A_15 = arith.addf %dot_general3A_11, %add3A : vector<10000x64xf32>
    %max3A = arith.constant 0.000000e+00 : f32
    %max3A_16 = vector.broadcast %max3A : f32 to vector<10000x64xf32>
    %max3A_17 = arith.maximumf %add3A_15, %max3A_16 : vector<10000x64xf32>
    %get3A_18 = arith.constant 0 : index
    %get3A_19 = arith.constant 0 : index
    %get3A_20 = vector.load %arg7[%get3A_18, %get3A_19] : memref<64x128xf32, #tpu.memory_space<vmem>>, vector<64x128xf32>
    %dot_general3A_21 = arith.constant dense<0.000000e+00> : vector<10000x128xf32>
    %dot_general3A_22 = tpu.matmul %max3A_17, %get3A_20, %dot_general3A_21 {dimension_numbers = #tpu.dot_dimension_numbers<[1], [0], [0], [1], [0, 0, 1, 1], [], []>, transpose_lhs_hint = false} : vector<10000x64xf32>, vector<64x128xf32>, vector<10000x128xf32> -> vector<10000x128xf32>
    %get3A_23 = arith.constant 0 : index
    %get3A_24 = arith.constant 0 : index
    %get3A_25 = vector.load %arg8[%get3A_23, %get3A_24] : memref<1x1xf32, #tpu.memory_space<vmem>>, vector<1x1xf32>
    %add3A_26 = vector.broadcast %get3A_25 : vector<1x1xf32> to vector<10000x128xf32>
    %add3A_27 = arith.addf %dot_general3A_22, %add3A_26 : vector<10000x128xf32>
    %get3A_28 = arith.constant 0 : index
    %get3A_29 = arith.constant 0 : index
    %get3A_30 = vector.load %arg5[%get3A_28, %get3A_29] : memref<128x64xf32, #tpu.memory_space<vmem>>, vector<128x64xf32>
    %dot_general3A_31 = arith.constant dense<0.000000e+00> : vector<10000x64xf32>
    %dot_general3A_32 = tpu.matmul %get3A_4, %get3A_30, %dot_general3A_31 {dimension_numbers = #tpu.dot_dimension_numbers<[1], [0], [0], [1], [0, 0, 1, 1], [], []>, transpose_lhs_hint = false} : vector<10000x128xf32>, vector<128x64xf32>, vector<10000x64xf32> -> vector<10000x64xf32>
    %get3A_33 = arith.constant 0 : index
    %get3A_34 = arith.constant 0 : index
    %get3A_35 = vector.load %arg6[%get3A_33, %get3A_34] : memref<1x64xf32, #tpu.memory_space<vmem>>, vector<1x64xf32>
    %add3A_36 = vector.broadcast %get3A_35 : vector<1x64xf32> to vector<10000x64xf32>
    %add3A_37 = arith.addf %dot_general3A_32, %add3A_36 : vector<10000x64xf32>
    %max3A_38 = arith.constant 0.000000e+00 : f32
    %max3A_39 = vector.broadcast %max3A_38 : f32 to vector<10000x64xf32>
    %max3A_40 = arith.maximumf %add3A_37, %max3A_39 : vector<10000x64xf32>
    %get3A_41 = arith.constant 0 : index
    %get3A_42 = arith.constant 0 : index
    %get3A_43 = vector.load %arg7[%get3A_41, %get3A_42] : memref<64x128xf32, #tpu.memory_space<vmem>>, vector<64x128xf32>
    %dot_general3A_44 = arith.constant dense<0.000000e+00> : vector<10000x128xf32>
    %dot_general3A_45 = tpu.matmul %max3A_40, %get3A_43, %dot_general3A_44 {dimension_numbers = #tpu.dot_dimension_numbers<[1], [0], [0], [1], [0, 0, 1, 1], [], []>, transpose_lhs_hint = false} : vector<10000x64xf32>, vector<64x128xf32>, vector<10000x128xf32> -> vector<10000x128xf32>
    %get3A_46 = arith.constant 0 : index
    %get3A_47 = arith.constant 0 : index
    %get3A_48 = vector.load %arg8[%get3A_46, %get3A_47] : memref<1x1xf32, #tpu.memory_space<vmem>>, vector<1x1xf32>
    %add3A_49 = vector.broadcast %get3A_48 : vector<1x1xf32> to vector<10000x128xf32>
    %add3A_50 = arith.addf %dot_general3A_45, %add3A_49 : vector<10000x128xf32>
    %get3A_51 = arith.constant 0 : index
    %get3A_52 = arith.constant 0 : index
    %get3A_53 = vector.load %arg5[%get3A_51, %get3A_52] : memref<128x64xf32, #tpu.memory_space<vmem>>, vector<128x64xf32>
    %dot_general3A_54 = arith.constant dense<0.000000e+00> : vector<10000x64xf32>
    %dot_general3A_55 = tpu.matmul %get3A_7, %get3A_53, %dot_general3A_54 {dimension_numbers = #tpu.dot_dimension_numbers<[1], [0], [0], [1], [0, 0, 1, 1], [], []>, transpose_lhs_hint = false} : vector<10000x128xf32>, vector<128x64xf32>, vector<10000x64xf32> -> vector<10000x64xf32>
    %get3A_56 = arith.constant 0 : index
    %get3A_57 = arith.constant 0 : index
    %get3A_58 = vector.load %arg6[%get3A_56, %get3A_57] : memref<1x64xf32, #tpu.memory_space<vmem>>, vector<1x64xf32>
    %add3A_59 = vector.broadcast %get3A_58 : vector<1x64xf32> to vector<10000x64xf32>
    %add3A_60 = arith.addf %dot_general3A_55, %add3A_59 : vector<10000x64xf32>
    %max3A_61 = arith.constant 0.000000e+00 : f32
    %max3A_62 = vector.broadcast %max3A_61 : f32 to vector<10000x64xf32>
    %max3A_63 = arith.maximumf %add3A_60, %max3A_62 : vector<10000x64xf32>
    %get3A_64 = arith.constant 0 : index
    %get3A_65 = arith.constant 0 : index
    %get3A_66 = vector.load %arg7[%get3A_64, %get3A_65] : memref<64x128xf32, #tpu.memory_space<vmem>>, vector<64x128xf32>
    %dot_general3A_67 = arith.constant dense<0.000000e+00> : vector<10000x128xf32>
    %dot_general3A_68 = tpu.matmul %max3A_63, %get3A_66, %dot_general3A_67 {dimension_numbers = #tpu.dot_dimension_numbers<[1], [0], [0], [1], [0, 0, 1, 1], [], []>, transpose_lhs_hint = false} : vector<10000x64xf32>, vector<64x128xf32>, vector<10000x128xf32> -> vector<10000x128xf32>
    %get3A_69 = arith.constant 0 : index
    %get3A_70 = arith.constant 0 : index
    %get3A_71 = vector.load %arg8[%get3A_69, %get3A_70] : memref<1x1xf32, #tpu.memory_space<vmem>>, vector<1x1xf32>
    %add3A_72 = vector.broadcast %get3A_71 : vector<1x1xf32> to vector<10000x128xf32>
    %add3A_73 = arith.addf %dot_general3A_68, %add3A_72 : vector<10000x128xf32>
    %max3A_74 = arith.maximumf %add3A_27, %add3A_50 : vector<10000x128xf32>
    %max3A_75 = arith.maximumf %max3A_74, %add3A_73 : vector<10000x128xf32>
    %sub3A = arith.subf %add3A_27, %max3A_75 : vector<10000x128xf32>
    %exp3A = math.exp %sub3A : vector<10000x128xf32>
    %sub3A_76 = arith.subf %add3A_50, %max3A_75 : vector<10000x128xf32>
    %exp3A_77 = math.exp %sub3A_76 : vector<10000x128xf32>
    %sub3A_78 = arith.subf %add3A_73, %max3A_75 : vector<10000x128xf32>
    %exp3A_79 = math.exp %sub3A_78 : vector<10000x128xf32>
    %add3A_80 = arith.addf %exp3A, %exp3A_77 : vector<10000x128xf32>
    %add3A_81 = arith.addf %add3A_80, %exp3A_79 : vector<10000x128xf32>
    %div3A = arith.constant 1.000000e+00 : f32
    %div3A_82 = vector.broadcast %div3A : f32 to vector<10000x128xf32>
    %div3A_83 = arith.divf %div3A_82, %add3A_81 : vector<10000x128xf32>
    %mul3A = arith.mulf %exp3A, %get3A_1 : vector<10000x128xf32>
    %mul3A_84 = arith.mulf %exp3A_77, %get3A_4 : vector<10000x128xf32>
    %add3A_85 = arith.addf %mul3A, %mul3A_84 : vector<10000x128xf32>
    %mul3A_86 = arith.mulf %exp3A_79, %get3A_7 : vector<10000x128xf32>
    %add3A_87 = arith.addf %add3A_85, %mul3A_86 : vector<10000x128xf32>
    %mul3A_88 = arith.mulf %add3A_87, %div3A_83 : vector<10000x128xf32>
    %get3A_89 = arith.constant 0 : index
    %get3A_90 = arith.constant 0 : index
    %get3A_91 = vector.load %arg3[%get3A_89, %get3A_90] : memref<10000x1xi32, #tpu.memory_space<vmem>>, vector<10000x1xi32>
    %iota3A = tpu.iota {dimensions = array<i32: 1>} : vector<1x64xi32>
    %eq3A = vector.broadcast %get3A_91 : vector<10000x1xi32> to vector<10000x64xi32>
    %eq3A_92 = vector.broadcast %iota3A : vector<1x64xi32> to vector<10000x64xi32>
    %eq3A_93 = arith.cmpi eq, %eq3A, %eq3A_92 : vector<10000x64xi32>
    %jit3A = arith.constant 1.000000e+00 : f32
    %jit3A_94 = arith.constant 0.000000e+00 : f32
    %broadcast_in_dim3A = vector.broadcast %jit3A : f32 to vector<10000x64xf32>
    %broadcast_in_dim3A_95 = vector.broadcast %jit3A_94 : f32 to vector<10000x64xf32>
    %select_n3A = arith.select %eq3A_93, %broadcast_in_dim3A, %broadcast_in_dim3A_95 : vector<10000x64xi1>, vector<10000x64xf32>
    %dot_general3A_96 = arith.constant dense<0.000000e+00> : vector<64x128xf32>
    %dot_general3A_97 = tpu.matmul %select_n3A, %mul3A_88, %dot_general3A_96 {dimension_numbers = #tpu.dot_dimension_numbers<[0], [0], [1], [1], [0, 1, 1, 1], [], []>, precision = #tpu.contract_precision<fp32>, transpose_lhs_hint = false} : vector<10000x64xf32>, vector<10000x128xf32>, vector<64x128xf32> -> vector<64x128xf32>
    %broadcast_in_dim3A_98 = arith.constant 1.000000e+00 : f32
    %broadcast_in_dim3A_99 = vector.broadcast %broadcast_in_dim3A_98 : f32 to vector<10000x128xf32>
    %dot_general3A_100 = arith.constant dense<0.000000e+00> : vector<64x128xf32>
    %dot_general3A_101 = tpu.matmul %select_n3A, %broadcast_in_dim3A_99, %dot_general3A_100 {dimension_numbers = #tpu.dot_dimension_numbers<[0], [0], [1], [1], [0, 1, 1, 1], [], []>, precision = #tpu.contract_precision<fp32>, transpose_lhs_hint = false} : vector<10000x64xf32>, vector<10000x128xf32>, vector<64x128xf32> -> vector<64x128xf32>
    %scan3A = arith.constant 0 : i32
    %scan3A_102 = arith.constant 64 : i32
    %scan3A_103 = arith.addi %scan3A, %scan3A_102 : i32
    %scan3A_104 = arith.constant 1 : i32
    scf.for %scan3A_151 = %scan3A to %scan3A_103 step %scan3A_104  : i32 {
      %eq3A_152 = vector.broadcast %scan3A_151 : i32 to vector<10000x1xi32>
      %eq3A_153 = arith.cmpi eq, %get3A_91, %eq3A_152 : vector<10000x1xi32>
      %jit3A_154 = arith.constant -1.000000e+30 : f32
      %broadcast_in_dim3A_155 = vector.shape_cast %eq3A_153 : vector<10000x1xi1> to vector<10000x1xi1>
      %broadcast_in_dim3A_156 = vector.broadcast %broadcast_in_dim3A_155 : vector<10000x1xi1> to vector<10000x128xi1>
      %broadcast_in_dim3A_157 = vector.broadcast %jit3A_154 : f32 to vector<10000x128xf32>
      %select_n3A_158 = arith.select %broadcast_in_dim3A_156, %mul3A_88, %broadcast_in_dim3A_157 : vector<10000x128xi1>, vector<10000x128xf32>
      %reduce_max3A = arith.constant dense<0xFF800000> : vector<128xf32>
      %reduce_max3A_159 = vector.multi_reduction <maximumf>, %select_n3A_158, %reduce_max3A [0] : vector<10000x128xf32> to vector<128xf32>
      %broadcast_in_dim3A_160 = vector.shape_cast %reduce_max3A_159 : vector<128xf32> to vector<1x128xf32>
      %swap3A_161 = arith.index_cast %scan3A_151 : i32 to index
      %swap3A_162 = arith.constant 0 : index
      %swap3A_163 = vector.load %arg15[%swap3A_161, %swap3A_162] : memref<64x128xf32, #tpu.memory_space<vmem>>, vector<1x128xf32>
      tpu.vector_store %arg15[%swap3A_161, %swap3A_162], %broadcast_in_dim3A_160 {strides = array<i32>} : memref<64x128xf32, #tpu.memory_space<vmem>>, vector<1x128xf32>,
    }
    %scan3A_105 = arith.constant 64 : i32
    %gt3A = arith.constant 0.000000e+00 : f32
    %gt3A_106 = vector.broadcast %gt3A : f32 to vector<64x128xf32>
    %gt3A_107 = arith.cmpf ogt, %dot_general3A_101, %gt3A_106 : vector<64x128xf32>
    %get3A_108 = arith.constant 0 : index
    %get3A_109 = arith.constant 0 : index
    %get3A_110 = vector.load %arg15[%get3A_108, %get3A_109] : memref<64x128xf32, #tpu.memory_space<vmem>>, vector<64x128xf32>
    %jit3A_111 = arith.constant 0.000000e+00 : f32
    %broadcast_in_dim3A_112 = vector.broadcast %jit3A_111 : f32 to vector<64x128xf32>
    %select_n3A_113 = arith.select %gt3A_107, %get3A_110, %broadcast_in_dim3A_112 : vector<64x128xi1>, vector<64x128xf32>
    %max3A_114 = arith.constant 1.000000e+00 : f32
    %max3A_115 = vector.broadcast %max3A_114 : f32 to vector<64x128xf32>
    %max3A_116 = arith.maximumf %dot_general3A_101, %max3A_115 : vector<64x128xf32>
    %div3A_117 = arith.divf %dot_general3A_97, %max3A_116 : vector<64x128xf32>
    %get3A_118 = arith.constant 0 : index
    %get3A_119 = arith.constant 0 : index
    %get3A_120 = vector.load %arg9[%get3A_118, %get3A_119] : memref<128x128xf32, #tpu.memory_space<vmem>>, vector<128x128xf32>
    %dot_general3A_121 = arith.constant dense<0.000000e+00> : vector<64x128xf32>
    %dot_general3A_122 = tpu.matmul %div3A_117, %get3A_120, %dot_general3A_121 {dimension_numbers = #tpu.dot_dimension_numbers<[1], [0], [0], [1], [0, 0, 1, 1], [], []>, transpose_lhs_hint = false} : vector<64x128xf32>, vector<128x128xf32>, vector<64x128xf32> -> vector<64x128xf32>
    %get3A_123 = arith.constant 0 : index
    %get3A_124 = arith.constant 0 : index
    %get3A_125 = vector.load %arg10[%get3A_123, %get3A_124] : memref<128x128xf32, #tpu.memory_space<vmem>>, vector<128x128xf32>
    %dot_general3A_126 = arith.constant dense<0.000000e+00> : vector<64x128xf32>
    %dot_general3A_127 = tpu.matmul %select_n3A_113, %get3A_125, %dot_general3A_126 {dimension_numbers = #tpu.dot_dimension_numbers<[1], [0], [0], [1], [0, 0, 1, 1], [], []>, transpose_lhs_hint = false} : vector<64x128xf32>, vector<128x128xf32>, vector<64x128xf32> -> vector<64x128xf32>
    %add3A_128 = arith.addf %dot_general3A_122, %dot_general3A_127 : vector<64x128xf32>
    %get3A_129 = arith.constant 0 : index
    %get3A_130 = arith.constant 0 : index
    %get3A_131 = vector.load %arg11[%get3A_129, %get3A_130] : memref<128x128xf32, #tpu.memory_space<vmem>>, vector<128x128xf32>
    %dot_general3A_132 = arith.constant dense<0.000000e+00> : vector<64x128xf32>
    %dot_general3A_133 = tpu.matmul %dot_general3A_97, %get3A_131, %dot_general3A_132 {dimension_numbers = #tpu.dot_dimension_numbers<[1], [0], [0], [1], [0, 0, 1, 1], [], []>, transpose_lhs_hint = false} : vector<64x128xf32>, vector<128x128xf32>, vector<64x128xf32> -> vector<64x128xf32>
    %add3A_134 = arith.addf %add3A_128, %dot_general3A_133 : vector<64x128xf32>
    %get3A_135 = arith.constant 0 : index
    %get3A_136 = arith.constant 0 : index
    %get3A_137 = vector.load %arg4[%get3A_135, %get3A_136] : memref<64x32xf32, #tpu.memory_space<vmem>>, vector<64x32xf32>
    %get3A_138 = arith.constant 0 : index
    %get3A_139 = arith.constant 0 : index
    %get3A_140 = vector.load %arg12[%get3A_138, %get3A_139] : memref<32x128xf32, #tpu.memory_space<vmem>>, vector<32x128xf32>
    %dot_general3A_141 = arith.constant dense<0.000000e+00> : vector<64x128xf32>
    %dot_general3A_142 = tpu.matmul %get3A_137, %get3A_140, %dot_general3A_141 {dimension_numbers = #tpu.dot_dimension_numbers<[1], [0], [0], [1], [0, 0, 1, 1], [], []>, transpose_lhs_hint = false} : vector<64x32xf32>, vector<32x128xf32>, vector<64x128xf32> -> vector<64x128xf32>
    %add3A_143 = arith.addf %add3A_134, %dot_general3A_142 : vector<64x128xf32>
    %get3A_144 = arith.constant 0 : index
    %get3A_145 = arith.constant 0 : index
    %get3A_146 = vector.load %arg13[%get3A_144, %get3A_145] : memref<1x128xf32, #tpu.memory_space<vmem>>, vector<1x128xf32>
    %add3A_147 = vector.broadcast %get3A_146 : vector<1x128xf32> to vector<64x128xf32>
    %add3A_148 = arith.addf %add3A_143, %add3A_147 : vector<64x128xf32>
    %swap3A = arith.constant 0 : index
    %swap3A_149 = arith.constant 0 : index
    %swap3A_150 = vector.load %arg14[%swap3A, %swap3A_149] : memref<64x128xf32, #tpu.memory_space<vmem>>, vector<64x128xf32>
    tpu.vector_store %arg14[%swap3A, %swap3A_149], %add3A_148 {strides = array<i32>} : memref<64x128xf32, #tpu.memory_space<vmem>>, vector<64x128xf32>,
    return
  }
}

module attributes {stable_mosaic.version = 14 : i64} {
  func.func @_head_body(%arg0: memref<64x128xf32, #tpu.memory_space<vmem>>, %arg1: memref<1x128xf32, #tpu.memory_space<vmem>>, %arg2: memref<1x128xf32, #tpu.memory_space<vmem>>, %arg3: memref<1x128xf32, #tpu.memory_space<vmem>>, %arg4: memref<1x128xf32, #tpu.memory_space<vmem>>, %arg5: memref<128x128xf32, #tpu.memory_space<vmem>>, %arg6: memref<1x1xf32, #tpu.memory_space<vmem>>, %arg7: memref<64x128xf32, #tpu.memory_space<vmem>>) attributes {dimension_semantics = [], scalar_prefetch = 0 : i64, scratch_operands = 0 : i64, tpu.core_type = #tpu.core_type<tc>} {
    %get3A = arith.constant 0 : index
    %get3A_0 = arith.constant 0 : index
    %get3A_1 = vector.load %arg0[%get3A, %get3A_0] : memref<64x128xf32, #tpu.memory_space<vmem>>, vector<64x128xf32>
    %get3A_2 = arith.constant 0 : index
    %get3A_3 = arith.constant 0 : index
    %get3A_4 = vector.load %arg1[%get3A_2, %get3A_3] : memref<1x128xf32, #tpu.memory_space<vmem>>, vector<1x128xf32>
    %sub3A = vector.broadcast %get3A_4 : vector<1x128xf32> to vector<64x128xf32>
    %sub3A_5 = arith.subf %get3A_1, %sub3A : vector<64x128xf32>
    %get3A_6 = arith.constant 0 : index
    %get3A_7 = arith.constant 0 : index
    %get3A_8 = vector.load %arg2[%get3A_6, %get3A_7] : memref<1x128xf32, #tpu.memory_space<vmem>>, vector<1x128xf32>
    %div3A = vector.broadcast %get3A_8 : vector<1x128xf32> to vector<64x128xf32>
    %div3A_9 = arith.divf %sub3A_5, %div3A : vector<64x128xf32>
    %get3A_10 = arith.constant 0 : index
    %get3A_11 = arith.constant 0 : index
    %get3A_12 = vector.load %arg3[%get3A_10, %get3A_11] : memref<1x128xf32, #tpu.memory_space<vmem>>, vector<1x128xf32>
    %mul3A = vector.broadcast %get3A_12 : vector<1x128xf32> to vector<64x128xf32>
    %mul3A_13 = arith.mulf %div3A_9, %mul3A : vector<64x128xf32>
    %get3A_14 = arith.constant 0 : index
    %get3A_15 = arith.constant 0 : index
    %get3A_16 = vector.load %arg4[%get3A_14, %get3A_15] : memref<1x128xf32, #tpu.memory_space<vmem>>, vector<1x128xf32>
    %add3A = vector.broadcast %get3A_16 : vector<1x128xf32> to vector<64x128xf32>
    %add3A_17 = arith.addf %mul3A_13, %add3A : vector<64x128xf32>
    %max3A = arith.constant 0.000000e+00 : f32
    %max3A_18 = vector.broadcast %max3A : f32 to vector<64x128xf32>
    %max3A_19 = arith.maximumf %add3A_17, %max3A_18 : vector<64x128xf32>
    %get3A_20 = arith.constant 0 : index
    %get3A_21 = arith.constant 0 : index
    %get3A_22 = vector.load %arg5[%get3A_20, %get3A_21] : memref<128x128xf32, #tpu.memory_space<vmem>>, vector<128x128xf32>
    %dot_general3A = arith.constant dense<0.000000e+00> : vector<64x128xf32>
    %dot_general3A_23 = tpu.matmul %max3A_19, %get3A_22, %dot_general3A {dimension_numbers = #tpu.dot_dimension_numbers<[1], [0], [0], [1], [0, 0, 1, 1], [], []>, transpose_lhs_hint = false} : vector<64x128xf32>, vector<128x128xf32>, vector<64x128xf32> -> vector<64x128xf32>
    %get3A_24 = arith.constant 0 : index
    %get3A_25 = arith.constant 0 : index
    %get3A_26 = vector.load %arg6[%get3A_24, %get3A_25] : memref<1x1xf32, #tpu.memory_space<vmem>>, vector<1x1xf32>
    %add3A_27 = vector.broadcast %get3A_26 : vector<1x1xf32> to vector<64x128xf32>
    %add3A_28 = arith.addf %dot_general3A_23, %add3A_27 : vector<64x128xf32>
    %swap3A = arith.constant 0 : index
    %swap3A_29 = arith.constant 0 : index
    %swap3A_30 = vector.load %arg7[%swap3A, %swap3A_29] : memref<64x128xf32, #tpu.memory_space<vmem>>, vector<64x128xf32>
    tpu.vector_store %arg7[%swap3A, %swap3A_29], %add3A_28 {strides = array<i32>} : memref<64x128xf32, #tpu.memory_space<vmem>>, vector<64x128xf32>,
    return
  }
}

</mosaic_0001>

<sc_bundles>
// kernel: kernel.19.cloned.1.call-start
scs
__scs_entry_jumppad:
0x0: {  	(pc) =	sbr.rel $0x88, $3  }
0x1: {  	(tag) =	ssettag $0x0;
	lr =	simm.s32 $0x1  }
0x2: {  	[smem:$0x3F69] =	sst lr;
	_ =	strace $0xD0000000  }
0x3: {  	_ = 	snop  }
0x4: {  	_ = 	snop  }
0x5: {  	_ = 	snop  }
0x6: {  	_ = 	snop  }
0x7: {  	_ = 	snop  }
__scs_overlays_trampoline_lowered:
0x8: {  	[smem:$0x3F78] =	sst s0  }
0x9: {  	[smem:$0x3F79] =	sst s1  }
0xa: {  	[smem:$0x3F7A] =	sst s2  }
0xb: {  	[smem:$0x3F7B] =	sst s3  }
0xc: {  	[smem:$0x3F7C] =	sst s4  }
0xd: {  	[smem:$0x3F7D] =	sst s5  }
0xe: {  	[smem:$0x3F7E] =	sst s6  }
0xf: {  	[smem:$0x3F7F] =	sst s7  }
0x10: {  	[smem:$0x3F80] =	sst s8  }
0x11: {  	[smem:$0x3F81] =	sst s9;
	s0 =	simm.s32 @!p0 $0x0  }
0x12: {  	s1 =	sld [smem:$0x3F67];
	s0 =	simm.s32 @p0 $0x1  }
0x13: {  	[smem:$0x3F82] =	sst s0;
	s0 =	simm.s32 @!p1 $0x0  }
0x14: {  	s2 =	sld [smem:$0x3F66];
	s0 =	simm.s32 @p1 $0x1  }
0x15: {  	[smem:$0x3F83] =	sst s0;
	s0 =	simm.s32 @!p2 $0x0  }
0x16: {  	s3 =	sld [smem:$0x3FDB];
	s0 =	simm.s32 @p2 $0x1  }
0x17: {  	s4 =	simm.s32 $0x1BF5;
	[smem:$0x3F85] =	sst s0  }
0x18: {  	s0 =	sld [smem:$0x3F68];
	_ =	swait.ge [sflag:s4], $0x0  }
0x19: {  	s7 =	sld [smem:$0x3F69]  }
0x1a: {  	s8 =	sadd.s32 $0xFFFFE003, lr  }
0x1b: {  	s9 =	sadd.s32 $0xFFFFFEF7, lr;
	s5 =	simm.s32 $0xFFFFFFFF;
	p2 =	slt.u32 s8, $0xFFFFF086  }
0x1c: {  	p1 =	slt.u32 s9, $0xF7A;
	s5 =	simm.s32 @!p2 $0x0  }
0x1d: {  	s5 =	simm.s32 @p1 $0x1;
	p0 =	seq.s32 s7, s2  }
0x1e: {  	s7 =	smul.u32 @!p0 $0xF7A, s2;
	p2 =	seq.s32 @!p0 s5, $0x0  }
0x1f: {  	s9 =	smul.u32 $0xF7A, s1;
	s8 =	simm.s32 @!p0 $0x1BF5;
	p2 =	por !p2, p0  }
0x20: {  	[sflag:s8] =	ssyncset.s32 @!p0 $0xFFFFF086;
	s6 =	sadd.s32 @!p0 s3, s7;
	s7 =	simm.s32 @!p0 $0x108  }
0x21: {  	s3 =	sadd.s32 s3, s9;
	s6 =	sadd.s32 @!p0 $0x88, s6;
	s7 =	simm.s32 @p2 $0x1082  }
0x22: {  	[simem:s7], [sflag:s8] =	dma.local @!p0 [hbm:s6], $0xF7A  }
0x23: {  	s9 =	sor.u32 $0xD0000000, s2;
	s6 =	simm.s32 $0x108;
	_ =	swait.ge @!p0 [sflag:s8], $0x0  }
0x24: {  	s3 =	sadd.s32 $0x88, s3;
	s6 =	simm.s32 @!p1 $0x1082;
	[sflag:s4] =	ssyncset.s32 $0xFFFFF086  }
0x25: {  	[simem:s6], [sflag:s4] =	dma.local [hbm:s3], $0xF7A  }
0x26: {  	[smem:$0x3F69] =	sst s1;
	(tag) =	ssettag s2;
	_ =	strace s9  }
0x27: {  	s1 =	sld [smem:$0x3F79]  }
0x28: {  	s2 =	sld [smem:$0x3F7A]  }
0x29: {  	s4 =	sld [smem:$0x3F7C]  }
0x2a: {  	p0 =	seq.s32 s5, $0x0;
	s5 =	sld [smem:$0x3F7D]  }
0x2b: {  	s6 =	sld [smem:$0x3F7E]  }
0x2c: {  	s7 =	sld [smem:$0x3F7F]  }
0x2d: {  	s3 =	simm.s32 $0x108;
	s8 =	sld [smem:$0x3F80]  }
0x2e: {  	s3 =	simm.s32 @!p0 $0x1082;
	s9 =	sld [smem:$0x3F81]  }
0x2f: {  	lr =	sadd.s32 s0, s3;
	s0 =	sld [smem:$0x3F78]  }
0x30: {  	s3 =	sld [smem:$0x3F7B]  }
0x31: {  	[smem:$0x3F84] =	sst s10  }
0x32: {  	s10 =	sld [smem:$0x3F82];
	_ =	sdelay $0x3  }
0x33: {  	p0 =	seq.s32 s10, $0x1;
	s10 =	sld [smem:$0x3F84];
	_ =	sdelay $0x3  }
0x34: {  	[smem:$0x3F84] =	sst s10  }
0x35: {  	s10 =	sld [smem:$0x3F83];
	_ =	sdelay $0x3  }
0x36: {  	p1 =	seq.s32 s10, $0x1;
	s10 =	sld [smem:$0x3F84];
	_ =	sdelay $0x3  }
0x37: {  	[smem:$0x3F84] =	sst s10  }
0x38: {  	s10 =	sld [smem:$0x3F85]  }
0x39: {  	_ = 	snop;
	(pc) =	sbr.ind lr, $3  }
0x3a: {  	_ = 	snop  }
0x3b: {  	_ = 	snop  }
0x3c: {  	p2 =	seq.s32 s10, $0x1;
	s10 =	sld [smem:$0x3F84]  }
0x3d: {  	_ =	shalt  }
0x3e: {  	_ =	shalt  }
0x3f: {  	_ =	shalt  }
0x40: {  	_ =	shalt  }
0x41: {  	_ =	shalt  }
0x42: {  	_ =	shalt  }
0x43: {  	_ =	shalt  }
0x44: {  	_ =	shalt  }
0x45: {  	_ =	shalt  }
0x46: {  	_ =	shalt  }
0x47: {  	_ =	shalt  }
0x48: {  	_ =	shalt  }
0x49: {  	_ =	shalt  }
0x4a: {  	_ =	shalt  }
0x4b: {  	_ =	shalt  }
0x4c: {  	_ =	shalt  }
0x4d: {  	_ =	shalt  }
0x4e: {  	_ =	shalt  }
0x4f: {  	_ =	shalt  }
0x50: {  	_ =	shalt  }
0x51: {  	_ =	shalt  }
0x52: {  	_ =	shalt  }
0x53: {  	_ =	shalt  }
0x54: {  	_ =	shalt  }
0x55: {  	_ =	shalt  }
0x56: {  	_ =	shalt  }
0x57: {  	_ =	shalt  }
0x58: {  	_ =	shalt  }
0x59: {  	_ =	shalt  }
0x5a: {  	_ =	shalt  }
0x5b: {  	_ =	shalt  }
0x5c: {  	_ =	shalt  }
0x5d: {  	_ =	shalt  }
0x5e: {  	_ =	shalt  }
0x5f: {  	_ =	shalt  }
0x60: {  	_ =	shalt  }
0x61: {  	_ =	shalt  }
0x62: {  	_ =	shalt  }
0x63: {  	_ =	shalt  }
0x64: {  	_ =	shalt  }
0x65: {  	_ =	shalt  }
0x66: {  	_ =	shalt  }
0x67: {  	_ =	shalt  }
0x68: {  	_ =	shalt  }
0x69: {  	_ =	shalt  }
0x6a: {  	_ =	shalt  }
0x6b: {  	_ =	shalt  }
0x6c: {  	_ =	shalt  }
0x6d: {  	_ =	shalt  }
0x6e: {  	_ =	shalt  }
0x6f: {  	_ =	shalt  }
0x70: {  	_ =	shalt  }
0x71: {  	_ =	shalt  }
0x72: {  	_ =	shalt  }
0x73: {  	_ =	shalt  }
0x74: {  	_ =	shalt  }
0x75: {  	_ =	shalt  }
0x76: {  	_ =	shalt  }
0x77: {  	_ =	shalt  }
0x78: {  	_ =	shalt  }
0x79: {  	_ =	shalt  }
0x7a: {  	_ =	shalt  }
0x7b: {  	_ =	shalt  }
0x7c: {  	_ =	shalt  }
0x7d: {  	_ =	shalt  }
0x7e: {  	_ =	shalt  }
0x7f: {  	_ =	shalt  }
0x80: {  	_ =	shalt  }
0x81: {  	_ =	shalt  }
0x82: {  	_ =	shalt  }
0x83: {  	_ =	shalt  }
0x84: {  	_ =	shalt  }
0x85: {  	_ =	shalt  }
0x86: {  	_ =	shalt  }
0x87: {  	_ =	shalt  }
.Lfunc_end0:
.L_simem_size_0:
called_computation_lowered:
.L_overlay_start_0:
0x88: {  	s2 =	sld [smem:$0x3FD9]  }
0x89: {  	s3 =	sld [smem:$0x3FFE];
	_ =	sdelay $0x1  }
0x8a: {  	s1 =	srdreg.scid  }
0x8b: {  	s0 =	sand.u32 $0x1, s1  }
0x8c: {  	s16 =	sshll.u32 s0, $0xA;
	s2 =	sadd.s32 s3, s2  }
0x8d: {  	s2 =	sadd.s32 s2, s16  }
0x8e: {  	[smem:$0x3F90] =	sst s2  }
0x8f: {  	_ = 	snop  }
0x90: {  	(tm) =	ssettm $0x1  }
0x91: {  	s17 =	sld [smem:$0x3FFB];
	_ =	sdelay $0x3  }
0x92: {  	_ =	strace s17  }
0x93: {  	s2 =	sld [smem:$0x3FFC];
	_ =	sdelay $0x3  }
0x94: {  	_ =	strace s2  }
0x95: {  	s2 =	sld [smem:$0x3FFD];
	_ =	sdelay $0x3  }
0x96: {  	_ =	strace s2  }
0x97: {  	_ =	strace $0x8FFFFFFF  }
0x98: {  	s18 =	sld [smem:$0x3FDB];
	_ =	sdelay $0x1  }
0x99: {  	s19 =	simm.s32 $_scs_section_size  }
0x9a: {  	s4 =	simm.s32 $_size__tile_overlayer_lowered;
	s5 =	simm.s32 $_tile_overlayer_lowered  }
0x9b: {  	s22 =	simm.s32 $0x1BFF;
	s21 =	sshll.u32 s5, $0x1;
	s2 =	sadd.s32 s19, s18  }
0x9c: {  	s6 =	simm.s32 $0x0;
	s20 =	sshll.u32 s4, $0x1;
	s4 =	sadd.s32 s21, s2  }
0x9d: {  	[timem:s6], [sflag:s22] =	dma.local [hbm:s4], s20  }
0x9e: {  	_ =	swait.ge [sflag:s22], s20  }
0x9f: {  	s3 =	ssub.s32 $0x0, s20;
	[sflag:s22] =	ssyncset.done $0x0  }
0xa0: {  	[sflag:s22] =	ssyncadd.s32 s3;
	_ =	sdelay $0x1  }
0xa1: {  	s23 =	simm.s32 $0x1B8B  }
0xa2: {  	_ =	swait.ge [sflag:s23], $0x1  }
0xa3: {  	[sflag:s23] =	ssyncset.done $0x0  }
0xa4: {  	s25 =	simm.s32 $0x1B8E;
	s24 =	sld [smem:$0x3FFE];
	[sflag:s23] =	ssyncadd.s32 $0xFFFFFFFF  }
0xa5: {  	s26 =	simm.s32 $execute0_lowered;
	[smem:$0x3FD2] =	sst s25  }
0xa6: {  	s4 =	sshll.u32 s26, $0x1;
	_ =	strace $0x80000046;
	[dreg:$0x1] =	wrdreg $0xFFFFFFFF  }
0xa7: {  	s28 =	simm.s32 $_size_execute0_lowered;
	s2 =	sadd.s32 s2, s4;
	[dreg:$0x0] =	wrdreg $0x0  }
0xa8: {  	s4 =	sshll.u32 s28, $0x1;
	[dreg:$0x2] =	wrdreg s2  }
0xa9: {  	[dreg:$0x3] =	wrdreg s4  }
0xaa: {  	[dreg:$0x4] =	wrdreg $0xC0  }
0xab: {  	_ =	task [dreg:s6], $0x5FFFF  }
0xac: {  	[dreg:$0x1] =	wrdreg $0xFFFFFFFF  }
0xad: {  	[dreg:$0x0] =	wrdreg $0x60  }
0xae: {  	[dreg:$0x2] =	wrdreg s24  }
0xaf: {  	[dreg:$0x3] =	wrdreg $0xB9000  }
0xb0: {  	[dreg:$0x4] =	wrdreg $0x9  }
0xb1: {  	_ =	task.clear_ibuf [dreg:s6], $0x5FFFF;
	_ =	strace $0x90000046  }
0xb2: {  	s29 =	simm.s32 $0x9;
	_ =	strace $0x80000048  }
0xb3: {  	_ =	swait.ge [sflag:s29], $0x1  }
0xb4: {  	[sflag:s29] =	ssyncadd.s32 $0xFFFFFFFF  }
0xb5: {  	_ =	strace $0x90000048  }
0xb6: {  	_ =	sfence  }
0xb7: {  	s30 =	sld [smem:$0x0];
	_ =	sdelay $0x2  }
0xb8: {  	s31 =	sshll.u32 s1, $0xD;
	s1 =	sshrl.u32 s1, $0x2  }
0xb9: {  	s3 =	sand.u32 $0x4000, s31;
	s1 =	sadd.s32 s1, s30  }
0xba: {  	s0 =	sor.u32 s3, s0;
	s1 =	sshll.u32 s1, $0x11  }
0xbb: {  	s0 =	sor.u32 s1, s0  }
0xbc: {  	s0 =	sadd.s32 $0x8F2B, s0  }
0xbd: {  	[sflag:s0] =	ssyncadd.remote.s32 $0x1  }
0xbe: {  	_ =	sfence.sel $0xFFFF  }
0xbf: {  	[dreg:$0x0] =	wrdreg $0xFFFFFFFF;
	(pc) =	sbr.abs _section_cstart, $3  }
0xc0: {  	[dreg:$0x1] =	wrdreg $0xFFFFFFFF  }
0xc1: {  	_ =	task.clear_ibuf [dreg:s6], $0x2FFFF;
	_ =	strace $0x9FFFFFFF  }
0xc2: {  	(tm) =	ssettm $0x7FFFFFFF  }
0xc3: {  	_ =	shalt  }
tec
execute0_lowered:
.L_overlay_start_1:
0x0: {  	(tag) =	ssettag $0x1  }
0x1: {  	s7 =	rddreg [dreg:$0x0]  }
0x2: {  	s1 =	rddreg [dreg:$0x1]  }
0x3: {  	s0 =	rddreg [dreg:$0x2];
	s2 =	simm.s32 $0x0  }
0x4: {  	s4 =	srdreg.scid;
	s17 =	stileid.u32;
	s19 =	simm.s32 $0x80  }
0x5: {  	s20 =	simm.s32 $0x100;
	s21 =	simm.s32 $0x50;
	s22 =	simm.s32 $0x2900  }
0x6: {  	s23 =	simm.s32 $0x1;
	s24 =	simm.s32 $0x0;
	s3 =	sadd.s32 $0x4FA800, s7  }
0x7: {  	s10 =	sand.u32 $0x1, s4;
	s4 =	sadd.s32 $0x521A00, s7;
	s9 =	smul.u32 $0x4E000, s17  }
0x8: {  	[smem:$0x7FF] =	sst s2;
	s5 =	sadd.s32 $0x4F0A00, s7;
	s12 =	smul.u32 $0x13800, s17  }
0x9: {  	s6 =	sadd.s32 $0x4E6C00, s7;
	s14 =	sadd.s32 $0x4C00, s7;
	p0 =	sne.s32 s17, $0x0  }
0xa: {  	_ =	strace $0x80000047;
	s8 =	ssub.s32 $0x2, s10;
	s15 =	smul.u32 $0x138800, s10  }
0xb: {  	s31 =	sshll.u32 s10, $0x4;
	s10 =	sadd.s32 $0x138000, s1;
	s11 =	sshrl.u32 s8, $0x1  }
0xc: {  	s30 =	sshrl.u32 s9, $0x2;
	s13 =	sadd.s32 $0x6800, s12;
	s18 =	sadd.s32 $0xD000, s12  }
0xd: {  	s16 =	ssub.s32 s8, s11;
	s7 =	sadd.s32 s30, s1;
	s8 =	sadd.s32 s13, s1  }
0xe: {  	s9 =	sadd.s32 s18, s1;
	s12 =	sadd.s32 s12, s15;
	s11 =	sor.u32 s17, s31  }
0xf: {  	s13 =	sadd.s32 s15, s13;
	s18 =	sadd.s32 s15, s18;
	s15 =	sshrl.u32 s15, $0x3  }
0x10: {  	s17 =	simm.s32 $0x5100;
	s12 =	sshrl.u32 s12, $0x3;
	s11 =	smul.u32 $0x2710, s11  }
0x11: {  	s13 =	sshrl.u32 s13, $0x3;
	s18 =	sshrl.u32 s18, $0x3;
	s15 =	sadd.s32 s14, s15  }
0x12: {  	s16 =	smax.u32 s16, $0x1;
	s12 =	sadd.s32 s14, s12;
	s13 =	sadd.s32 s14, s13  }
0x13: {  	v0 =	vimm.f32 $0.0e+00;
	s14 =	sadd.s32 s14, s18;
	s15 =	sadd.s32 $0x27000, s15;
	s18 =	simm.s32 $0x2  }
.LBB2_1:
0x14: {  	s25 =	simm.s32 $0x0;
	s26 =	simm.s32 $0x200  }
.LBB2_2:
0x15: {  	p1 =	sne.s32 s26, $0x19E00;
	[tilespmem:s25+$0x5170] =	vst v0  }
0x16: {  	[tilespmem:s25+$0x5100] =	vst v0  }
0x17: {  	[tilespmem:s25+$0x5110] =	vst v0  }
.Ltmp0:
0x18: {  	[tilespmem:s25+$0x5120] =	vst v0;
	(pc) =	sbr.rel @p1 .LBB2_2-.Ltmp0, $4  }
0x19: {  	[tilespmem:s25+$0x5130] =	vst v0  }
0x1a: {  	[tilespmem:s25+$0x5140] =	vst v0  }
0x1b: {  	[tilespmem:s25+$0x5150] =	vst v0  }
0x1c: {  	[tilespmem:s25+$0x5160] =	vst v0;
	s25 =	sshra.s32 s26, $0x2;
	s26 =	sadd.s32 $0x200, s26  }
0x1d: {  	[tilespmem:s25+$0x5170] =	vst v0  }
0x1e: {  	[tilespmem:s25+$0x5100] =	vst v0  }
0x1f: {  	[tilespmem:s25+$0x5110] =	vst v0  }
0x20: {  	[tilespmem:s25+$0x5120] =	vst v0  }
0x21: {  	[tilespmem:s25+$0x5130] =	vst v0  }
0x22: {  	[tilespmem:s25+$0x5140] =	vst v0  }
0x23: {  	[tilespmem:s25+$0x5150] =	vst v0  }
0x24: {  	[tilespmem:s25+$0x5160] =	vst v0  }
0x25: {  	[spmem:s7] =	stream.linear.scatter [tilespmem:s17], [sflag:$0x2], $0x6800, $0x38;
	[tilespmem:$0x1F180] =	vst v63  }
0x26: {  	_ =	swait.ge [sflag:s18], $0x6800  }
0x27: {  	[sflag:s18] =	ssyncset.done $0x0  }
0x28: {  	[sflag:s18] =	ssyncadd.s32 $0xFFFF9800  }
0x29: {  	[spmem:s8] =	stream.linear.scatter [tilespmem:s17], [sflag:$0x2], $0x6800, $0x38;
	[tilespmem:$0x1F180] =	vst v63  }
0x2a: {  	_ =	swait.ge [sflag:s18], $0x6800  }
0x2b: {  	[sflag:s18] =	ssyncset.done $0x0  }
0x2c: {  	[sflag:s18] =	ssyncadd.s32 $0xFFFF9800  }
0x2d: {  	[spmem:s9] =	stream.linear.scatter [tilespmem:s17], [sflag:$0x2], $0x6800, $0x38;
	[tilespmem:$0x1F180] =	vst v63  }
0x2e: {  	_ =	swait.ge [sflag:s18], $0x6800  }
0x2f: {  	[sflag:s18] =	ssyncset.done $0x0  }
0x30: {  	s25 =	simm.s32 @!p0 $0x5100;
	[sflag:s18] =	ssyncadd.s32 $0xFFFF9800  }
0x31: {  	[spmem:s10] =	stream.linear.scatter @!p0 [tilespmem:s25], [sflag:$0x2], $0x800, $0x38;
	[tilespmem:$0x1F180] =	vst v63  }
0x32: {  	s25 =	simm.s32 @!p0 $0x2  }
0x33: {  	_ =	swait.ge @!p0 [sflag:s25], $0x800  }
0x34: {  	[sflag:s25] =	ssyncset.done @!p0 $0x0  }
0x35: {  	[sflag:s25] =	ssyncadd.s32 @!p0 $0xFFFFF800  }
0x36: {  	s26 =	simm.s32 $0x0;
	s25 =	simm.s32 $0x0;
	[bflag:$0x0] =	sbarrier.arrive $0xFFFF  }
.LBB2_4:
0x37: {  	s28 =	smul.u32 $0x50, s26;
	_ =	sdelay $0x1  }
0x38: {  	s28 =	sadd.s32 s11, s28  }
0x39: {  	s29 =	sshrl.u32 s28, $0x3  }
0x3a: {  	s30 =	sadd.s32 s5, s29  }
0x3b: {  	[tilespmem:s25], [sflag:$0x2] =	stream.linear.gather [hbm4b:s30+s25], $0x50, $0x38;
	[tilespmem:$0x1F180] =	vst v63  }
0x3c: {  	_ =	swait.ge [sflag:s18], $0x50  }
0x3d: {  	[sflag:s18] =	ssyncset.done $0x0  }
0x3e: {  	s29 =	sadd.s32 s6, s29;
	[sflag:s18] =	ssyncadd.s32 $0xFFFFFFB0  }
0x3f: {  	[tilespmem:s19], [sflag:$0x2] =	stream.linear.gather [hbm4b:s29+s25], $0x50, $0x38;
	[tilespmem:$0x1F180] =	vst v63  }
0x40: {  	_ =	swait.ge [sflag:s18], $0x50  }
0x41: {  	s28 =	sshll.u32 s28, $0x4;
	[sflag:s18] =	ssyncset.done $0x0  }
0x42: {  	s28 =	sadd.s32 s4, s28;
	[sflag:s18] =	ssyncadd.s32 $0xFFFFFFB0  }
0x43: {  	[tilespmem:s20], [sflag:$0x2] =	stream.linear.gather [hbm4b:s28+s25], $0x2800, $0x38;
	[tilespmem:$0x1F180] =	vst v63  }
0x44: {  	_ =	swait.ge [sflag:s18], $0x2800  }
0x45: {  	[sflag:s18] =	ssyncset.done $0x0  }
0x46: {  	[sflag:s18] =	ssyncadd.s32 $0xFFFFD800  }
0x47: {  	[tilespmem:s22], [sflag:$0x1] =	stream.indirect.gather [hbm4b:s3+s21], $0x80, s25, s21, $0xb8;
	[tilespmem:$0x1F180] =	vst v63  }
0x48: {  	_ =	swait.ge [sflag:s23], $0x2800  }
0x49: {  	[sflag:s23] =	ssyncset.done $0x0  }
0x4a: {  	s28 =	simm.s32 $0x0;
	[sflag:s23] =	ssyncadd.s32 $0xFFFFD800  }
0x4b: {  	v7 =	vld [tilespmem:s28+$0x100]  }
0x4c: {  	v12 =	vld [tilespmem:s28+$0x110]  }
0x4d: {  	v6 =	vld [tilespmem:s28+$0x120]  }
0x4e: {  	v5 =	vld [tilespmem:s28+$0x130]  }
0x4f: {  	v4 =	vld [tilespmem:s28+$0x140]  }
0x50: {  	v3 =	vld [tilespmem:s28+$0x150]  }
0x51: {  	v2 =	vld [tilespmem:s28+$0x160]  }
0x52: {  	v1 =	vld [tilespmem:s28+$0x170]  }
0x53: {  	v13 =	vld [tilespmem:s28+$0x2900]  }
0x54: {  	v14 =	vld [tilespmem:s28+$0x2910]  }
0x55: {  	v11 =	vld [tilespmem:s28+$0x2920]  }
0x56: {  	v10 =	vld [tilespmem:s28+$0x2930]  }
0x57: {  	v9 =	vld [tilespmem:s28+$0x2940]  }
0x58: {  	v8 =	vld [tilespmem:s28+$0x2950];
	v13 =	vadd.f32 v7, v13  }
0x59: {  	s29 =	simm.s32 $0x200;
	v12 =	vadd.f32 v12, v14;
	v7 =	vld [tilespmem:s28+$0x2960]  }
.LBB2_5:
0x5a: {  	s30 =	sshra.s32 s29, $0x2;
	p1 =	sne.s32 s29, $0x9E00;
	v13 =	vmax.f32 v13, $0.0e+00;
	v6 =	vadd.f32 v6, v11;
	v11 =	vld [tilespmem:s28+$0x2970]  }
0x5b: {  	v14 =	vld [tilespmem:s30+$0x100];
	[tilespmem:s28+$0x2900] =	vst v13;
	v12 =	vmax.f32 v12, $0.0e+00;
	v5 =	vadd.f32 v5, v10  }
0x5c: {  	v15 =	vld [tilespmem:s30+$0x110];
	[tilespmem:s28+$0x2910] =	vst v12;
	v10 =	vmax.f32 v6, $0.0e+00;
	v4 =	vadd.f32 v4, v9  }
0x5d: {  	v6 =	vld [tilespmem:s30+$0x120];
	[tilespmem:s28+$0x2920] =	vst v10;
	v9 =	vmax.f32 v5, $0.0e+00;
	v3 =	vadd.f32 v3, v8  }
0x5e: {  	v5 =	vld [tilespmem:s30+$0x130];
	[tilespmem:s28+$0x2930] =	vst v9;
	v8 =	vmax.f32 v4, $0.0e+00;
	v2 =	vadd.f32 v2, v7  }
0x5f: {  	v4 =	vld [tilespmem:s30+$0x140];
	[tilespmem:s28+$0x2940] =	vst v8;
	v7 =	vmax.f32 v3, $0.0e+00;
	v1 =	vadd.f32 v1, v11  }
0x60: {  	v3 =	vld [tilespmem:s30+$0x150];
	[tilespmem:s28+$0x2950] =	vst v7;
	v7 =	vmax.f32 v2, $0.0e+00  }
0x61: {  	v2 =	vld [tilespmem:s30+$0x160];
	[tilespmem:s28+$0x2960] =	vst v7;
	v7 =	vmax.f32 v1, $0.0e+00  }
0x62: {  	v1 =	vld [tilespmem:s30+$0x170];
	[tilespmem:s28+$0x2970] =	vst v7;
	s28 =	smov.u32 s30  }
0x63: {  	v7 =	vld [tilespmem:s28+$0x2900]  }
0x64: {  	v12 =	vld [tilespmem:s28+$0x2910]  }
.Ltmp1:
0x65: {  	v11 =	vld [tilespmem:s28+$0x2920];
	(pc) =	sbr.rel @p1 .LBB2_5-.Ltmp1, $4  }
0x66: {  	v10 =	vld [tilespmem:s28+$0x2930]  }
0x67: {  	v9 =	vld [tilespmem:s28+$0x2940]  }
0x68: {  	v13 =	vadd.f32 v14, v7;
	v8 =	vld [tilespmem:s28+$0x2950]  }
0x69: {  	s29 =	sadd.s32 $0x200, s29;
	v12 =	vadd.f32 v15, v12;
	v7 =	vld [tilespmem:s28+$0x2960]  }
0x6a: {  	v13 =	vmax.f32 v13, $0.0e+00;
	v6 =	vadd.f32 v6, v11;
	v63 =	vld [tilespmem:s28+$0x2970]  }
0x6b: {  	[tilespmem:s28+$0x2900] =	vst v13;
	v12 =	vmax.f32 v12, $0.0e+00;
	v5 =	vadd.f32 v5, v10  }
0x6c: {  	[tilespmem:s28+$0x2910] =	vst v12;
	v6 =	vmax.f32 v6, $0.0e+00;
	v4 =	vadd.f32 v4, v9  }
0x6d: {  	[tilespmem:s28+$0x2920] =	vst v6;
	v5 =	vmax.f32 v5, $0.0e+00;
	v3 =	vadd.f32 v3, v8  }
0x6e: {  	[tilespmem:s28+$0x2930] =	vst v5;
	v4 =	vmax.f32 v4, $0.0e+00;
	v2 =	vadd.f32 v2, v7  }
0x6f: {  	[tilespmem:s28+$0x2940] =	vst v4;
	v3 =	vmax.f32 v3, $0.0e+00;
	v1 =	vadd.f32 v1, v63  }
0x70: {  	s26 =	sadd.s32 $0x1, s26;
	[tilespmem:s28+$0x2950] =	vst v3;
	v2 =	vmax.f32 v2, $0.0e+00  }
0x71: {  	p1 =	sne.s32 s26, $0x7D;
	[tilespmem:s28+$0x2960] =	vst v2;
	v1 =	vmax.f32 v1, $0.0e+00  }
.Ltmp2:
0x72: {  	[tilespmem:s28+$0x2970] =	vst v1;
	(pc) =	sbr.rel @p1 .LBB2_4-.Ltmp2, $4  }
0x73: {  	[spmem:s1] =	stream.indirect.scatter.add.f32 [tilespmem:s22], [sflag:$0x2], $0x80, s19, s21, $0xb8;
	[tilespmem:$0x1F180] =	vst v63  }
0x74: {  	_ =	swait.ge [sflag:s18], $0x2800  }
0x75: {  	[sflag:s18] =	ssyncset.done $0x0  }
0x76: {  	[sflag:s18] =	ssyncadd.s32 $0xFFFFD800  }
0x77: {  	[bflag:$0x0] =	sbarrier.arrive $0xFFFF  }
0x78: {  	[tilespmem:s17], [sflag:$0x2] =	stream.linear.gather [spmem:s7], $0x6800, $0x38;
	[tilespmem:$0x1F180] =	vst v63  }
0x79: {  	_ =	swait.ge [sflag:s18], $0x6800  }
0x7a: {  	[sflag:s18] =	ssyncset.done $0x0  }
0x7b: {  	[sflag:s18] =	ssyncadd.s32 $0xFFFF9800  }
0x7c: {  	[hbm4b:s12+s2] =	stream.linear.scatter [tilespmem:s17], [sflag:$0x2], $0x6800, $0x38;
	[tilespmem:$0x1F180] =	vst v63  }
0x7d: {  	_ =	swait.ge [sflag:s18], $0x6800  }
0x7e: {  	[sflag:s18] =	ssyncset.done $0x0  }
0x7f: {  	[sflag:s18] =	ssyncadd.s32 $0xFFFF9800  }
0x80: {  	[tilespmem:s17], [sflag:$0x2] =	stream.linear.gather [spmem:s8], $0x6800, $0x38;
	[tilespmem:$0x1F180] =	vst v63  }
0x81: {  	_ =	swait.ge [sflag:s18], $0x6800  }
0x82: {  	[sflag:s18] =	ssyncset.done $0x0  }
0x83: {  	[sflag:s18] =	ssyncadd.s32 $0xFFFF9800  }
0x84: {  	[hbm4b:s13+s2] =	stream.linear.scatter [tilespmem:s17], [sflag:$0x2], $0x6800, $0x38;
	[tilespmem:$0x1F180] =	vst v63  }
0x85: {  	_ =	swait.ge [sflag:s18], $0x6800  }
0x86: {  	[sflag:s18] =	ssyncset.done $0x0  }
0x87: {  	[sflag:s18] =	ssyncadd.s32 $0xFFFF9800  }
0x88: {  	[tilespmem:s17], [sflag:$0x2] =	stream.linear.gather [spmem:s9], $0x6800, $0x38;
	[tilespmem:$0x1F180] =	vst v63  }
0x89: {  	_ =	swait.ge [sflag:s18], $0x6800  }
0x8a: {  	[sflag:s18] =	ssyncset.done $0x0  }
0x8b: {  	[sflag:s18] =	ssyncadd.s32 $0xFFFF9800  }
0x8c: {  	[hbm4b:s14+s2] =	stream.linear.scatter [tilespmem:s17], [sflag:$0x2], $0x6800, $0x38;
	[tilespmem:$0x1F180] =	vst v63  }
0x8d: {  	_ =	swait.ge [sflag:s18], $0x6800  }
0x8e: {  	[sflag:s18] =	ssyncset.done $0x0  }
0x8f: {  	s25 =	simm.s32 @!p0 $0x5100;
	s26 =	simm.s32 @!p0 $0x2;
	[sflag:s18] =	ssyncadd.s32 $0xFFFF9800  }
0x90: {  	[tilespmem:s25], [sflag:$0x2] =	stream.linear.gather @!p0 [spmem:s10], $0x800, $0x38;
	[tilespmem:$0x1F180] =	vst v63  }
0x91: {  	s24 =	sadd.s32 $0x1, s24;
	_ =	swait.ge @!p0 [sflag:s26], $0x800  }
0x92: {  	p1 =	sne.s32 s24, s16;
	[sflag:s26] =	ssyncset.done @!p0 $0x0  }
.Ltmp3:
0x93: {  	s28 =	simm.s32 @!p0 $0x0;
	[sflag:s26] =	ssyncadd.s32 @!p0 $0xFFFFF800;
	(pc) =	sbr.rel @p1 .LBB2_1-.Ltmp3, $4  }
0x94: {  	[hbm4b:s15+s28] =	stream.linear.scatter @!p0 [tilespmem:s25], [sflag:$0x2], $0x800, $0x38;
	[tilespmem:$0x1F180] =	vst v63  }
0x95: {  	_ =	swait.ge @!p0 [sflag:s26], $0x800  }
0x96: {  	[sflag:s26] =	ssyncset.done @!p0 $0x0  }
0x97: {  	[sflag:s26] =	ssyncadd.s32 @!p0 $0xFFFFF800  }
0x98: {  	_ =	sfence.sel $0x180000  }
0x99: {  	[bflag:$0x0] =	sbarrier.arrive $0xFFFF  }
0x9a: {  	_ =	strace $0x90000047  }
0x9b: {  	s0 =	sadd.s32 @!p0 $0x100000, s0;
	[bflag:$0x2] =	sbarrier.arrive $0xFFFF  }
0x9c: {  	[sflag:s0] =	ssyncadd.tile.s32 @!p0 $0x1;
	_ =	shalt  }
.Lfunc_end2:
_tile_overlayer_lowered:
.L_overlay_start_2:
0x9d: {  	(tag) =	ssettag $0x2  }
0x9e: {  	s0 =	rddreg [dreg:$0x0];
	s2 =	stileid.u32  }
0x9f: {  	s1 =	rddreg [dreg:$0x1];
	p0 =	sne.s32 s2, $0x0  }
0xa0: {  	s3 =	rddreg [dreg:$0x2];
	[bflag:$0x3] =	sbarrier.arrive $0xFFFF;
	s2 =	simm.s32 @!p0 $0x1C02  }
0xa1: {  	[timem:s3], [sflag:s2] =	dma.local @!p0 [hbm:s0], s1  }
0xa2: {  	s0 =	simm.s32 @!p0 $0x2  }
0xa3: {  	_ =	swait.ge @!p0 [sflag:s0], s1  }
0xa4: {  	s1 =	ssub.s32 @!p0 $0x0, s1;
	[sflag:s0] =	ssyncset.done @!p0 $0x0  }
0xa5: {  	[sflag:s0] =	ssyncadd.s32 @!p0 s1  }
0xa6: {  	[bflag:$0x3] =	sbarrier.arrive $0xFFFF  }
0xa7: {  	_ =	shalt  }

// kernel: kernel.22.cloned.1.call-start
scs
__scs_entry_jumppad:
0x0: {  	(pc) =	sbr.rel $0x88, $3  }
0x1: {  	(tag) =	ssettag $0x0;
	lr =	simm.s32 $0x1  }
0x2: {  	[smem:$0x3F69] =	sst lr;
	_ =	strace $0xD0000000  }
0x3: {  	_ = 	snop  }
0x4: {  	_ = 	snop  }
0x5: {  	_ = 	snop  }
0x6: {  	_ = 	snop  }
0x7: {  	_ = 	snop  }
__scs_overlays_trampoline_lowered:
0x8: {  	[smem:$0x3F78] =	sst s0  }
0x9: {  	[smem:$0x3F79] =	sst s1  }
0xa: {  	[smem:$0x3F7A] =	sst s2  }
0xb: {  	[smem:$0x3F7B] =	sst s3  }
0xc: {  	[smem:$0x3F7C] =	sst s4  }
0xd: {  	[smem:$0x3F7D] =	sst s5  }
0xe: {  	[smem:$0x3F7E] =	sst s6  }
0xf: {  	[smem:$0x3F7F] =	sst s7  }
0x10: {  	[smem:$0x3F80] =	sst s8  }
0x11: {  	[smem:$0x3F81] =	sst s9;
	s0 =	simm.s32 @!p0 $0x0  }
0x12: {  	s1 =	sld [smem:$0x3F67];
	s0 =	simm.s32 @p0 $0x1  }
0x13: {  	[smem:$0x3F82] =	sst s0;
	s0 =	simm.s32 @!p1 $0x0  }
0x14: {  	s2 =	sld [smem:$0x3F66];
	s0 =	simm.s32 @p1 $0x1  }
0x15: {  	[smem:$0x3F83] =	sst s0;
	s0 =	simm.s32 @!p2 $0x0  }
0x16: {  	s3 =	sld [smem:$0x3FDB];
	s0 =	simm.s32 @p2 $0x1  }
0x17: {  	s4 =	simm.s32 $0x1BF5;
	[smem:$0x3F85] =	sst s0  }
0x18: {  	s0 =	sld [smem:$0x3F68];
	_ =	swait.ge [sflag:s4], $0x0  }
0x19: {  	s7 =	sld [smem:$0x3F69]  }
0x1a: {  	s8 =	sadd.s32 $0xFFFFE003, lr  }
0x1b: {  	s9 =	sadd.s32 $0xFFFFFEF7, lr;
	s5 =	simm.s32 $0xFFFFFFFF;
	p2 =	slt.u32 s8, $0xFFFFF086  }
0x1c: {  	p1 =	slt.u32 s9, $0xF7A;
	s5 =	simm.s32 @!p2 $0x0  }
0x1d: {  	s5 =	simm.s32 @p1 $0x1;
	p0 =	seq.s32 s7, s2  }
0x1e: {  	s7 =	smul.u32 @!p0 $0xF7A, s2;
	p2 =	seq.s32 @!p0 s5, $0x0  }
0x1f: {  	s9 =	smul.u32 $0xF7A, s1;
	s8 =	simm.s32 @!p0 $0x1BF5;
	p2 =	por !p2, p0  }
0x20: {  	[sflag:s8] =	ssyncset.s32 @!p0 $0xFFFFF086;
	s6 =	sadd.s32 @!p0 s3, s7;
	s7 =	simm.s32 @!p0 $0x108  }
0x21: {  	s3 =	sadd.s32 s3, s9;
	s6 =	sadd.s32 @!p0 $0x88, s6;
	s7 =	simm.s32 @p2 $0x1082  }
0x22: {  	[simem:s7], [sflag:s8] =	dma.local @!p0 [hbm:s6], $0xF7A  }
0x23: {  	s9 =	sor.u32 $0xD0000000, s2;
	s6 =	simm.s32 $0x108;
	_ =	swait.ge @!p0 [sflag:s8], $0x0  }
0x24: {  	s3 =	sadd.s32 $0x88, s3;
	s6 =	simm.s32 @!p1 $0x1082;
	[sflag:s4] =	ssyncset.s32 $0xFFFFF086  }
0x25: {  	[simem:s6], [sflag:s4] =	dma.local [hbm:s3], $0xF7A  }
0x26: {  	[smem:$0x3F69] =	sst s1;
	(tag) =	ssettag s2;
	_ =	strace s9  }
0x27: {  	s1 =	sld [smem:$0x3F79]  }
0x28: {  	s2 =	sld [smem:$0x3F7A]  }
0x29: {  	s4 =	sld [smem:$0x3F7C]  }
0x2a: {  	p0 =	seq.s32 s5, $0x0;
	s5 =	sld [smem:$0x3F7D]  }
0x2b: {  	s6 =	sld [smem:$0x3F7E]  }
0x2c: {  	s7 =	sld [smem:$0x3F7F]  }
0x2d: {  	s3 =	simm.s32 $0x108;
	s8 =	sld [smem:$0x3F80]  }
0x2e: {  	s3 =	simm.s32 @!p0 $0x1082;
	s9 =	sld [smem:$0x3F81]  }
0x2f: {  	lr =	sadd.s32 s0, s3;
	s0 =	sld [smem:$0x3F78]  }
0x30: {  	s3 =	sld [smem:$0x3F7B]  }
0x31: {  	[smem:$0x3F84] =	sst s10  }
0x32: {  	s10 =	sld [smem:$0x3F82];
	_ =	sdelay $0x3  }
0x33: {  	p0 =	seq.s32 s10, $0x1;
	s10 =	sld [smem:$0x3F84];
	_ =	sdelay $0x3  }
0x34: {  	[smem:$0x3F84] =	sst s10  }
0x35: {  	s10 =	sld [smem:$0x3F83];
	_ =	sdelay $0x3  }
0x36: {  	p1 =	seq.s32 s10, $0x1;
	s10 =	sld [smem:$0x3F84];
	_ =	sdelay $0x3  }
0x37: {  	[smem:$0x3F84] =	sst s10  }
0x38: {  	s10 =	sld [smem:$0x3F85]  }
0x39: {  	_ = 	snop;
	(pc) =	sbr.ind lr, $3  }
0x3a: {  	_ = 	snop  }
0x3b: {  	_ = 	snop  }
0x3c: {  	p2 =	seq.s32 s10, $0x1;
	s10 =	sld [smem:$0x3F84]  }
0x3d: {  	_ =	shalt  }
0x3e: {  	_ =	shalt  }
0x3f: {  	_ =	shalt  }
0x40: {  	_ =	shalt  }
0x41: {  	_ =	shalt  }
0x42: {  	_ =	shalt  }
0x43: {  	_ =	shalt  }
0x44: {  	_ =	shalt  }
0x45: {  	_ =	shalt  }
0x46: {  	_ =	shalt  }
0x47: {  	_ =	shalt  }
0x48: {  	_ =	shalt  }
0x49: {  	_ =	shalt  }
0x4a: {  	_ =	shalt  }
0x4b: {  	_ =	shalt  }
0x4c: {  	_ =	shalt  }
0x4d: {  	_ =	shalt  }
0x4e: {  	_ =	shalt  }
0x4f: {  	_ =	shalt  }
0x50: {  	_ =	shalt  }
0x51: {  	_ =	shalt  }
0x52: {  	_ =	shalt  }
0x53: {  	_ =	shalt  }
0x54: {  	_ =	shalt  }
0x55: {  	_ =	shalt  }
0x56: {  	_ =	shalt  }
0x57: {  	_ =	shalt  }
0x58: {  	_ =	shalt  }
0x59: {  	_ =	shalt  }
0x5a: {  	_ =	shalt  }
0x5b: {  	_ =	shalt  }
0x5c: {  	_ =	shalt  }
0x5d: {  	_ =	shalt  }
0x5e: {  	_ =	shalt  }
0x5f: {  	_ =	shalt  }
0x60: {  	_ =	shalt  }
0x61: {  	_ =	shalt  }
0x62: {  	_ =	shalt  }
0x63: {  	_ =	shalt  }
0x64: {  	_ =	shalt  }
0x65: {  	_ =	shalt  }
0x66: {  	_ =	shalt  }
0x67: {  	_ =	shalt  }
0x68: {  	_ =	shalt  }
0x69: {  	_ =	shalt  }
0x6a: {  	_ =	shalt  }
0x6b: {  	_ =	shalt  }
0x6c: {  	_ =	shalt  }
0x6d: {  	_ =	shalt  }
0x6e: {  	_ =	shalt  }
0x6f: {  	_ =	shalt  }
0x70: {  	_ =	shalt  }
0x71: {  	_ =	shalt  }
0x72: {  	_ =	shalt  }
0x73: {  	_ =	shalt  }
0x74: {  	_ =	shalt  }
0x75: {  	_ =	shalt  }
0x76: {  	_ =	shalt  }
0x77: {  	_ =	shalt  }
0x78: {  	_ =	shalt  }
0x79: {  	_ =	shalt  }
0x7a: {  	_ =	shalt  }
0x7b: {  	_ =	shalt  }
0x7c: {  	_ =	shalt  }
0x7d: {  	_ =	shalt  }
0x7e: {  	_ =	shalt  }
0x7f: {  	_ =	shalt  }
0x80: {  	_ =	shalt  }
0x81: {  	_ =	shalt  }
0x82: {  	_ =	shalt  }
0x83: {  	_ =	shalt  }
0x84: {  	_ =	shalt  }
0x85: {  	_ =	shalt  }
0x86: {  	_ =	shalt  }
0x87: {  	_ =	shalt  }
.Lfunc_end0:
.L_simem_size_0:
called_computation.1_lowered:
.L_overlay_start_0:
0x88: {  	s2 =	sld [smem:$0x3FD9]  }
0x89: {  	s3 =	sld [smem:$0x3FFE];
	_ =	sdelay $0x1  }
0x8a: {  	s1 =	srdreg.scid  }
0x8b: {  	s0 =	sand.u32 $0x1, s1  }
0x8c: {  	s16 =	sshll.u32 s0, $0xA;
	s2 =	sadd.s32 s3, s2  }
0x8d: {  	s2 =	sadd.s32 s2, s16  }
0x8e: {  	[smem:$0x3F90] =	sst s2  }
0x8f: {  	_ = 	snop  }
0x90: {  	(tm) =	ssettm $0x1  }
0x91: {  	s17 =	sld [smem:$0x3FFB];
	_ =	sdelay $0x3  }
0x92: {  	_ =	strace s17  }
0x93: {  	s2 =	sld [smem:$0x3FFC];
	_ =	sdelay $0x3  }
0x94: {  	_ =	strace s2  }
0x95: {  	s2 =	sld [smem:$0x3FFD];
	_ =	sdelay $0x3  }
0x96: {  	_ =	strace s2  }
0x97: {  	_ =	strace $0x8FFFFFFF  }
0x98: {  	s18 =	sld [smem:$0x3FDB];
	_ =	sdelay $0x1  }
0x99: {  	s19 =	simm.s32 $_scs_section_size  }
0x9a: {  	s4 =	simm.s32 $_size__tile_overlayer_lowered;
	s5 =	simm.s32 $_tile_overlayer_lowered  }
0x9b: {  	s22 =	simm.s32 $0x1BFF;
	s21 =	sshll.u32 s5, $0x1;
	s2 =	sadd.s32 s19, s18  }
0x9c: {  	s6 =	simm.s32 $0x0;
	s20 =	sshll.u32 s4, $0x1;
	s4 =	sadd.s32 s21, s2  }
0x9d: {  	[timem:s6], [sflag:s22] =	dma.local [hbm:s4], s20  }
0x9e: {  	_ =	swait.ge [sflag:s22], s20  }
0x9f: {  	s3 =	ssub.s32 $0x0, s20;
	[sflag:s22] =	ssyncset.done $0x0  }
0xa0: {  	[sflag:s22] =	ssyncadd.s32 s3;
	_ =	sdelay $0x1  }
0xa1: {  	s23 =	simm.s32 $0x1B8B  }
0xa2: {  	_ =	swait.ge [sflag:s23], $0x1  }
0xa3: {  	[sflag:s23] =	ssyncset.done $0x0  }
0xa4: {  	s25 =	simm.s32 $0x1B8E;
	s24 =	sld [smem:$0x3FFE];
	[sflag:s23] =	ssyncadd.s32 $0xFFFFFFFF  }
0xa5: {  	s26 =	simm.s32 $execute0_lowered;
	[smem:$0x3FD2] =	sst s25  }
0xa6: {  	s4 =	sshll.u32 s26, $0x1;
	_ =	strace $0x80000049;
	[dreg:$0x1] =	wrdreg $0xFFFFFFFF  }
0xa7: {  	s28 =	simm.s32 $_size_execute0_lowered;
	s2 =	sadd.s32 s2, s4;
	[dreg:$0x0] =	wrdreg $0x0  }
0xa8: {  	s4 =	sshll.u32 s28, $0x1;
	[dreg:$0x2] =	wrdreg s2  }
0xa9: {  	[dreg:$0x3] =	wrdreg s4  }
0xaa: {  	[dreg:$0x4] =	wrdreg $0xC0  }
0xab: {  	_ =	task [dreg:s6], $0x5FFFF  }
0xac: {  	[dreg:$0x1] =	wrdreg $0xFFFFFFFF  }
0xad: {  	[dreg:$0x0] =	wrdreg $0x60  }
0xae: {  	[dreg:$0x2] =	wrdreg s24  }
0xaf: {  	[dreg:$0x3] =	wrdreg $0xB9000  }
0xb0: {  	[dreg:$0x4] =	wrdreg $0x9  }
0xb1: {  	_ =	task.clear_ibuf [dreg:s6], $0x5FFFF;
	_ =	strace $0x90000049  }
0xb2: {  	s29 =	simm.s32 $0x9;
	_ =	strace $0x8000004B  }
0xb3: {  	_ =	swait.ge [sflag:s29], $0x1  }
0xb4: {  	[sflag:s29] =	ssyncadd.s32 $0xFFFFFFFF  }
0xb5: {  	_ =	strace $0x9000004B  }
0xb6: {  	_ =	sfence  }
0xb7: {  	s30 =	sld [smem:$0x0];
	_ =	sdelay $0x2  }
0xb8: {  	s31 =	sshll.u32 s1, $0xD;
	s1 =	sshrl.u32 s1, $0x2  }
0xb9: {  	s3 =	sand.u32 $0x4000, s31;
	s1 =	sadd.s32 s1, s30  }
0xba: {  	s0 =	sor.u32 s3, s0;
	s1 =	sshll.u32 s1, $0x11  }
0xbb: {  	s0 =	sor.u32 s1, s0  }
0xbc: {  	s0 =	sadd.s32 $0x8F2B, s0  }
0xbd: {  	[sflag:s0] =	ssyncadd.remote.s32 $0x1  }
0xbe: {  	_ =	sfence.sel $0xFFFF  }
0xbf: {  	[dreg:$0x0] =	wrdreg $0xFFFFFFFF;
	(pc) =	sbr.abs _section_cstart, $3  }
0xc0: {  	[dreg:$0x1] =	wrdreg $0xFFFFFFFF  }
0xc1: {  	_ =	task.clear_ibuf [dreg:s6], $0x2FFFF;
	_ =	strace $0x9FFFFFFF  }
0xc2: {  	(tm) =	ssettm $0x7FFFFFFF  }
0xc3: {  	_ =	shalt  }
tec
execute0_lowered:
.L_overlay_start_1:
0x0: {  	(tag) =	ssettag $0x1  }
0x1: {  	s7 =	rddreg [dreg:$0x0]  }
0x2: {  	s1 =	rddreg [dreg:$0x1]  }
0x3: {  	s0 =	rddreg [dreg:$0x2];
	s2 =	simm.s32 $0x0  }
0x4: {  	s4 =	srdreg.scid;
	s17 =	stileid.u32;
	s19 =	simm.s32 $0x80  }
0x5: {  	s20 =	simm.s32 $0x100;
	s21 =	simm.s32 $0x50;
	s22 =	simm.s32 $0x2900  }
0x6: {  	s23 =	simm.s32 $0x1;
	s24 =	simm.s32 $0x0;
	[smem:$0x7FF] =	sst s2  }
0x7: {  	s10 =	sand.u32 $0x1, s4;
	s4 =	sadd.s32 $0xA03A00, s7;
	s9 =	smul.u32 $0x4E000, s17  }
0x8: {  	s3 =	sadd.s32 $0x4C00, s7;
	s5 =	sadd.s32 $0x4F0A00, s7;
	s12 =	smul.u32 $0x13800, s17  }
0x9: {  	s6 =	sadd.s32 $0x4E6C00, s7;
	s14 =	sadd.s32 $0x2BE00, s7;
	p0 =	sne.s32 s17, $0x0  }
0xa: {  	_ =	strace $0x8000004A;
	s8 =	ssub.s32 $0x2, s10;
	s15 =	smul.u32 $0x138800, s10  }
0xb: {  	s31 =	sshll.u32 s10, $0x4;
	s10 =	sadd.s32 $0x138000, s1;
	s11 =	sshrl.u32 s8, $0x1  }
0xc: {  	s30 =	sshrl.u32 s9, $0x2;
	s13 =	sadd.s32 $0x6800, s12;
	s18 =	sadd.s32 $0xD000, s12  }
0xd: {  	s16 =	ssub.s32 s8, s11;
	s7 =	sadd.s32 s30, s1;
	s8 =	sadd.s32 s13, s1  }
0xe: {  	s9 =	sadd.s32 s18, s1;
	s12 =	sadd.s32 s12, s15;
	s11 =	sor.u32 s17, s31  }
0xf: {  	s13 =	sadd.s32 s15, s13;
	s18 =	sadd.s32 s15, s18;
	s15 =	sshrl.u32 s15, $0x3  }
0x10: {  	s17 =	simm.s32 $0x5100;
	s12 =	sshrl.u32 s12, $0x3;
	s11 =	smul.u32 $0x2710, s11  }
0x11: {  	s13 =	sshrl.u32 s13, $0x3;
	s18 =	sshrl.u32 s18, $0x3;
	s15 =	sadd.s32 s14, s15  }
0x12: {  	s16 =	smax.u32 s16, $0x1;
	s12 =	sadd.s32 s14, s12;
	s13 =	sadd.s32 s14, s13  }
0x13: {  	v0 =	vimm.f32 $0.0e+00;
	s14 =	sadd.s32 s14, s18;
	s15 =	sadd.s32 $0x27000, s15;
	s18 =	simm.s32 $0x2  }
.LBB2_1:
0x14: {  	s25 =	simm.s32 $0x0;
	s26 =	simm.s32 $0x200  }
.LBB2_2:
0x15: {  	p1 =	sne.s32 s26, $0x19E00;
	[tilespmem:s25+$0x5170] =	vst v0  }
0x16: {  	[tilespmem:s25+$0x5100] =	vst v0  }
0x17: {  	[tilespmem:s25+$0x5110] =	vst v0  }
.Ltmp0:
0x18: {  	[tilespmem:s25+$0x5120] =	vst v0;
	(pc) =	sbr.rel @p1 .LBB2_2-.Ltmp0, $4  }
0x19: {  	[tilespmem:s25+$0x5130] =	vst v0  }
0x1a: {  	[tilespmem:s25+$0x5140] =	vst v0  }
0x1b: {  	[tilespmem:s25+$0x5150] =	vst v0  }
0x1c: {  	[tilespmem:s25+$0x5160] =	vst v0;
	s25 =	sshra.s32 s26, $0x2;
	s26 =	sadd.s32 $0x200, s26  }
0x1d: {  	[tilespmem:s25+$0x5170] =	vst v0  }
0x1e: {  	[tilespmem:s25+$0x5100] =	vst v0  }
0x1f: {  	[tilespmem:s25+$0x5110] =	vst v0  }
0x20: {  	[tilespmem:s25+$0x5120] =	vst v0  }
0x21: {  	[tilespmem:s25+$0x5130] =	vst v0  }
0x22: {  	[tilespmem:s25+$0x5140] =	vst v0  }
0x23: {  	[tilespmem:s25+$0x5150] =	vst v0  }
0x24: {  	[tilespmem:s25+$0x5160] =	vst v0  }
0x25: {  	[spmem:s7] =	stream.linear.scatter [tilespmem:s17], [sflag:$0x2], $0x6800, $0x38;
	[tilespmem:$0x1F180] =	vst v63  }
0x26: {  	_ =	swait.ge [sflag:s18], $0x6800  }
0x27: {  	[sflag:s18] =	ssyncset.done $0x0  }
0x28: {  	[sflag:s18] =	ssyncadd.s32 $0xFFFF9800  }
0x29: {  	[spmem:s8] =	stream.linear.scatter [tilespmem:s17], [sflag:$0x2], $0x6800, $0x38;
	[tilespmem:$0x1F180] =	vst v63  }
0x2a: {  	_ =	swait.ge [sflag:s18], $0x6800  }
0x2b: {  	[sflag:s18] =	ssyncset.done $0x0  }
0x2c: {  	[sflag:s18] =	ssyncadd.s32 $0xFFFF9800  }
0x2d: {  	[spmem:s9] =	stream.linear.scatter [tilespmem:s17], [sflag:$0x2], $0x6800, $0x38;
	[tilespmem:$0x1F180] =	vst v63  }
0x2e: {  	_ =	swait.ge [sflag:s18], $0x6800  }
0x2f: {  	[sflag:s18] =	ssyncset.done $0x0  }
0x30: {  	s25 =	simm.s32 @!p0 $0x5100;
	[sflag:s18] =	ssyncadd.s32 $0xFFFF9800  }
0x31: {  	[spmem:s10] =	stream.linear.scatter @!p0 [tilespmem:s25], [sflag:$0x2], $0x800, $0x38;
	[tilespmem:$0x1F180] =	vst v63  }
0x32: {  	s25 =	simm.s32 @!p0 $0x2  }
0x33: {  	_ =	swait.ge @!p0 [sflag:s25], $0x800  }
0x34: {  	[sflag:s25] =	ssyncset.done @!p0 $0x0  }
0x35: {  	[sflag:s25] =	ssyncadd.s32 @!p0 $0xFFFFF800  }
0x36: {  	s26 =	simm.s32 $0x0;
	s25 =	simm.s32 $0x0;
	[bflag:$0x0] =	sbarrier.arrive $0xFFFF  }
.LBB2_4:
0x37: {  	s28 =	smul.u32 $0x50, s26;
	_ =	sdelay $0x1  }
0x38: {  	s28 =	sadd.s32 s11, s28  }
0x39: {  	s29 =	sshrl.u32 s28, $0x3  }
0x3a: {  	s30 =	sadd.s32 s5, s29  }
0x3b: {  	[tilespmem:s25], [sflag:$0x2] =	stream.linear.gather [hbm4b:s30+s25], $0x50, $0x38;
	[tilespmem:$0x1F180] =	vst v63  }
0x3c: {  	_ =	swait.ge [sflag:s18], $0x50  }
0x3d: {  	[sflag:s18] =	ssyncset.done $0x0  }
0x3e: {  	s29 =	sadd.s32 s6, s29;
	[sflag:s18] =	ssyncadd.s32 $0xFFFFFFB0  }
0x3f: {  	[tilespmem:s19], [sflag:$0x2] =	stream.linear.gather [hbm4b:s29+s25], $0x50, $0x38;
	[tilespmem:$0x1F180] =	vst v63  }
0x40: {  	_ =	swait.ge [sflag:s18], $0x50  }
0x41: {  	s28 =	sshll.u32 s28, $0x4;
	[sflag:s18] =	ssyncset.done $0x0  }
0x42: {  	s28 =	sadd.s32 s4, s28;
	[sflag:s18] =	ssyncadd.s32 $0xFFFFFFB0  }
0x43: {  	[tilespmem:s20], [sflag:$0x2] =	stream.linear.gather [hbm4b:s28+s25], $0x2800, $0x38;
	[tilespmem:$0x1F180] =	vst v63  }
0x44: {  	_ =	swait.ge [sflag:s18], $0x2800  }
0x45: {  	[sflag:s18] =	ssyncset.done $0x0  }
0x46: {  	[sflag:s18] =	ssyncadd.s32 $0xFFFFD800  }
0x47: {  	[tilespmem:s22], [sflag:$0x1] =	stream.indirect.gather [hbm4b:s3+s21], $0x80, s25, s21, $0xb8;
	[tilespmem:$0x1F180] =	vst v63  }
0x48: {  	_ =	swait.ge [sflag:s23], $0x2800  }
0x49: {  	[sflag:s23] =	ssyncset.done $0x0  }
0x4a: {  	s28 =	simm.s32 $0x0;
	[sflag:s23] =	ssyncadd.s32 $0xFFFFD800  }
0x4b: {  	v7 =	vld [tilespmem:s28+$0x100]  }
0x4c: {  	v12 =	vld [tilespmem:s28+$0x110]  }
0x4d: {  	v6 =	vld [tilespmem:s28+$0x120]  }
0x4e: {  	v5 =	vld [tilespmem:s28+$0x130]  }
0x4f: {  	v4 =	vld [tilespmem:s28+$0x140]  }
0x50: {  	v3 =	vld [tilespmem:s28+$0x150]  }
0x51: {  	v2 =	vld [tilespmem:s28+$0x160]  }
0x52: {  	v1 =	vld [tilespmem:s28+$0x170]  }
0x53: {  	v13 =	vld [tilespmem:s28+$0x2900]  }
0x54: {  	v14 =	vld [tilespmem:s28+$0x2910]  }
0x55: {  	v11 =	vld [tilespmem:s28+$0x2920]  }
0x56: {  	v10 =	vld [tilespmem:s28+$0x2930]  }
0x57: {  	v9 =	vld [tilespmem:s28+$0x2940]  }
0x58: {  	v8 =	vld [tilespmem:s28+$0x2950];
	v13 =	vadd.f32 v7, v13  }
0x59: {  	s29 =	simm.s32 $0x200;
	v12 =	vadd.f32 v12, v14;
	v7 =	vld [tilespmem:s28+$0x2960]  }
.LBB2_5:
0x5a: {  	s30 =	sshra.s32 s29, $0x2;
	p1 =	sne.s32 s29, $0x9E00;
	v13 =	vmax.f32 v13, $0.0e+00;
	v6 =	vadd.f32 v6, v11;
	v11 =	vld [tilespmem:s28+$0x2970]  }
0x5b: {  	v14 =	vld [tilespmem:s30+$0x100];
	[tilespmem:s28+$0x2900] =	vst v13;
	v12 =	vmax.f32 v12, $0.0e+00;
	v5 =	vadd.f32 v5, v10  }
0x5c: {  	v15 =	vld [tilespmem:s30+$0x110];
	[tilespmem:s28+$0x2910] =	vst v12;
	v10 =	vmax.f32 v6, $0.0e+00;
	v4 =	vadd.f32 v4, v9  }
0x5d: {  	v6 =	vld [tilespmem:s30+$0x120];
	[tilespmem:s28+$0x2920] =	vst v10;
	v9 =	vmax.f32 v5, $0.0e+00;
	v3 =	vadd.f32 v3, v8  }
0x5e: {  	v5 =	vld [tilespmem:s30+$0x130];
	[tilespmem:s28+$0x2930] =	vst v9;
	v8 =	vmax.f32 v4, $0.0e+00;
	v2 =	vadd.f32 v2, v7  }
0x5f: {  	v4 =	vld [tilespmem:s30+$0x140];
	[tilespmem:s28+$0x2940] =	vst v8;
	v7 =	vmax.f32 v3, $0.0e+00;
	v1 =	vadd.f32 v1, v11  }
0x60: {  	v3 =	vld [tilespmem:s30+$0x150];
	[tilespmem:s28+$0x2950] =	vst v7;
	v7 =	vmax.f32 v2, $0.0e+00  }
0x61: {  	v2 =	vld [tilespmem:s30+$0x160];
	[tilespmem:s28+$0x2960] =	vst v7;
	v7 =	vmax.f32 v1, $0.0e+00  }
0x62: {  	v1 =	vld [tilespmem:s30+$0x170];
	[tilespmem:s28+$0x2970] =	vst v7;
	s28 =	smov.u32 s30  }
0x63: {  	v7 =	vld [tilespmem:s28+$0x2900]  }
0x64: {  	v12 =	vld [tilespmem:s28+$0x2910]  }
.Ltmp1:
0x65: {  	v11 =	vld [tilespmem:s28+$0x2920];
	(pc) =	sbr.rel @p1 .LBB2_5-.Ltmp1, $4  }
0x66: {  	v10 =	vld [tilespmem:s28+$0x2930]  }
0x67: {  	v9 =	vld [tilespmem:s28+$0x2940]  }
0x68: {  	v13 =	vadd.f32 v14, v7;
	v8 =	vld [tilespmem:s28+$0x2950]  }
0x69: {  	s29 =	sadd.s32 $0x200, s29;
	v12 =	vadd.f32 v15, v12;
	v7 =	vld [tilespmem:s28+$0x2960]  }
0x6a: {  	v13 =	vmax.f32 v13, $0.0e+00;
	v6 =	vadd.f32 v6, v11;
	v63 =	vld [tilespmem:s28+$0x2970]  }
0x6b: {  	[tilespmem:s28+$0x2900] =	vst v13;
	v12 =	vmax.f32 v12, $0.0e+00;
	v5 =	vadd.f32 v5, v10  }
0x6c: {  	[tilespmem:s28+$0x2910] =	vst v12;
	v6 =	vmax.f32 v6, $0.0e+00;
	v4 =	vadd.f32 v4, v9  }
0x6d: {  	[tilespmem:s28+$0x2920] =	vst v6;
	v5 =	vmax.f32 v5, $0.0e+00;
	v3 =	vadd.f32 v3, v8  }
0x6e: {  	[tilespmem:s28+$0x2930] =	vst v5;
	v4 =	vmax.f32 v4, $0.0e+00;
	v2 =	vadd.f32 v2, v7  }
0x6f: {  	[tilespmem:s28+$0x2940] =	vst v4;
	v3 =	vmax.f32 v3, $0.0e+00;
	v1 =	vadd.f32 v1, v63  }
0x70: {  	s26 =	sadd.s32 $0x1, s26;
	[tilespmem:s28+$0x2950] =	vst v3;
	v2 =	vmax.f32 v2, $0.0e+00  }
0x71: {  	p1 =	sne.s32 s26, $0x7D;
	[tilespmem:s28+$0x2960] =	vst v2;
	v1 =	vmax.f32 v1, $0.0e+00  }
.Ltmp2:
0x72: {  	[tilespmem:s28+$0x2970] =	vst v1;
	(pc) =	sbr.rel @p1 .LBB2_4-.Ltmp2, $4  }
0x73: {  	[spmem:s1] =	stream.indirect.scatter.add.f32 [tilespmem:s22], [sflag:$0x2], $0x80, s19, s21, $0xb8;
	[tilespmem:$0x1F180] =	vst v63  }
0x74: {  	_ =	swait.ge [sflag:s18], $0x2800  }
0x75: {  	[sflag:s18] =	ssyncset.done $0x0  }
0x76: {  	[sflag:s18] =	ssyncadd.s32 $0xFFFFD800  }
0x77: {  	[bflag:$0x0] =	sbarrier.arrive $0xFFFF  }
0x78: {  	[tilespmem:s17], [sflag:$0x2] =	stream.linear.gather [spmem:s7], $0x6800, $0x38;
	[tilespmem:$0x1F180] =	vst v63  }
0x79: {  	_ =	swait.ge [sflag:s18], $0x6800  }
0x7a: {  	[sflag:s18] =	ssyncset.done $0x0  }
0x7b: {  	[sflag:s18] =	ssyncadd.s32 $0xFFFF9800  }
0x7c: {  	[hbm4b:s12+s2] =	stream.linear.scatter [tilespmem:s17], [sflag:$0x2], $0x6800, $0x38;
	[tilespmem:$0x1F180] =	vst v63  }
0x7d: {  	_ =	swait.ge [sflag:s18], $0x6800  }
0x7e: {  	[sflag:s18] =	ssyncset.done $0x0  }
0x7f: {  	[sflag:s18] =	ssyncadd.s32 $0xFFFF9800  }
0x80: {  	[tilespmem:s17], [sflag:$0x2] =	stream.linear.gather [spmem:s8], $0x6800, $0x38;
	[tilespmem:$0x1F180] =	vst v63  }
0x81: {  	_ =	swait.ge [sflag:s18], $0x6800  }
0x82: {  	[sflag:s18] =	ssyncset.done $0x0  }
0x83: {  	[sflag:s18] =	ssyncadd.s32 $0xFFFF9800  }
0x84: {  	[hbm4b:s13+s2] =	stream.linear.scatter [tilespmem:s17], [sflag:$0x2], $0x6800, $0x38;
	[tilespmem:$0x1F180] =	vst v63  }
0x85: {  	_ =	swait.ge [sflag:s18], $0x6800  }
0x86: {  	[sflag:s18] =	ssyncset.done $0x0  }
0x87: {  	[sflag:s18] =	ssyncadd.s32 $0xFFFF9800  }
0x88: {  	[tilespmem:s17], [sflag:$0x2] =	stream.linear.gather [spmem:s9], $0x6800, $0x38;
	[tilespmem:$0x1F180] =	vst v63  }
0x89: {  	_ =	swait.ge [sflag:s18], $0x6800  }
0x8a: {  	[sflag:s18] =	ssyncset.done $0x0  }
0x8b: {  	[sflag:s18] =	ssyncadd.s32 $0xFFFF9800  }
0x8c: {  	[hbm4b:s14+s2] =	stream.linear.scatter [tilespmem:s17], [sflag:$0x2], $0x6800, $0x38;
	[tilespmem:$0x1F180] =	vst v63  }
0x8d: {  	_ =	swait.ge [sflag:s18], $0x6800  }
0x8e: {  	[sflag:s18] =	ssyncset.done $0x0  }
0x8f: {  	s25 =	simm.s32 @!p0 $0x5100;
	s26 =	simm.s32 @!p0 $0x2;
	[sflag:s18] =	ssyncadd.s32 $0xFFFF9800  }
0x90: {  	[tilespmem:s25], [sflag:$0x2] =	stream.linear.gather @!p0 [spmem:s10], $0x800, $0x38;
	[tilespmem:$0x1F180] =	vst v63  }
0x91: {  	s24 =	sadd.s32 $0x1, s24;
	_ =	swait.ge @!p0 [sflag:s26], $0x800  }
0x92: {  	p1 =	sne.s32 s24, s16;
	[sflag:s26] =	ssyncset.done @!p0 $0x0  }
.Ltmp3:
0x93: {  	s28 =	simm.s32 @!p0 $0x0;
	[sflag:s26] =	ssyncadd.s32 @!p0 $0xFFFFF800;
	(pc) =	sbr.rel @p1 .LBB2_1-.Ltmp3, $4  }
0x94: {  	[hbm4b:s15+s28] =	stream.linear.scatter @!p0 [tilespmem:s25], [sflag:$0x2], $0x800, $0x38;
	[tilespmem:$0x1F180] =	vst v63  }
0x95: {  	_ =	swait.ge @!p0 [sflag:s26], $0x800  }
0x96: {  	[sflag:s26] =	ssyncset.done @!p0 $0x0  }
0x97: {  	[sflag:s26] =	ssyncadd.s32 @!p0 $0xFFFFF800  }
0x98: {  	_ =	sfence.sel $0x180000  }
0x99: {  	[bflag:$0x0] =	sbarrier.arrive $0xFFFF  }
0x9a: {  	_ =	strace $0x9000004A  }
0x9b: {  	s0 =	sadd.s32 @!p0 $0x100000, s0;
	[bflag:$0x2] =	sbarrier.arrive $0xFFFF  }
0x9c: {  	[sflag:s0] =	ssyncadd.tile.s32 @!p0 $0x1;
	_ =	shalt  }
.Lfunc_end2:
_tile_overlayer_lowered:
.L_overlay_start_2:
0x9d: {  	(tag) =	ssettag $0x2  }
0x9e: {  	s0 =	rddreg [dreg:$0x0];
	s2 =	stileid.u32  }
0x9f: {  	s1 =	rddreg [dreg:$0x1];
	p0 =	sne.s32 s2, $0x0  }
0xa0: {  	s3 =	rddreg [dreg:$0x2];
	[bflag:$0x3] =	sbarrier.arrive $0xFFFF;
	s2 =	simm.s32 @!p0 $0x1C02  }
0xa1: {  	[timem:s3], [sflag:s2] =	dma.local @!p0 [hbm:s0], s1  }
0xa2: {  	s0 =	simm.s32 @!p0 $0x2  }
0xa3: {  	_ =	swait.ge @!p0 [sflag:s0], s1  }
0xa4: {  	s1 =	ssub.s32 @!p0 $0x0, s1;
	[sflag:s0] =	ssyncset.done @!p0 $0x0  }
0xa5: {  	[sflag:s0] =	ssyncadd.s32 @!p0 s1  }
0xa6: {  	[bflag:$0x3] =	sbarrier.arrive $0xFFFF  }
0xa7: {  	_ =	shalt  }

// kernel: kernel.25.cloned.1.call-start
scs
__scs_entry_jumppad:
0x0: {  	(pc) =	sbr.rel $0x88, $3  }
0x1: {  	(tag) =	ssettag $0x0;
	lr =	simm.s32 $0x1  }
0x2: {  	[smem:$0x3F69] =	sst lr;
	_ =	strace $0xD0000000  }
0x3: {  	_ = 	snop  }
0x4: {  	_ = 	snop  }
0x5: {  	_ = 	snop  }
0x6: {  	_ = 	snop  }
0x7: {  	_ = 	snop  }
__scs_overlays_trampoline_lowered:
0x8: {  	[smem:$0x3F78] =	sst s0  }
0x9: {  	[smem:$0x3F79] =	sst s1  }
0xa: {  	[smem:$0x3F7A] =	sst s2  }
0xb: {  	[smem:$0x3F7B] =	sst s3  }
0xc: {  	[smem:$0x3F7C] =	sst s4  }
0xd: {  	[smem:$0x3F7D] =	sst s5  }
0xe: {  	[smem:$0x3F7E] =	sst s6  }
0xf: {  	[smem:$0x3F7F] =	sst s7  }
0x10: {  	[smem:$0x3F80] =	sst s8  }
0x11: {  	[smem:$0x3F81] =	sst s9;
	s0 =	simm.s32 @!p0 $0x0  }
0x12: {  	s1 =	sld [smem:$0x3F67];
	s0 =	simm.s32 @p0 $0x1  }
0x13: {  	[smem:$0x3F82] =	sst s0;
	s0 =	simm.s32 @!p1 $0x0  }
0x14: {  	s2 =	sld [smem:$0x3F66];
	s0 =	simm.s32 @p1 $0x1  }
0x15: {  	[smem:$0x3F83] =	sst s0;
	s0 =	simm.s32 @!p2 $0x0  }
0x16: {  	s3 =	sld [smem:$0x3FDB];
	s0 =	simm.s32 @p2 $0x1  }
0x17: {  	s4 =	simm.s32 $0x1BF5;
	[smem:$0x3F85] =	sst s0  }
0x18: {  	s0 =	sld [smem:$0x3F68];
	_ =	swait.ge [sflag:s4], $0x0  }
0x19: {  	s7 =	sld [smem:$0x3F69]  }
0x1a: {  	s8 =	sadd.s32 $0xFFFFE003, lr  }
0x1b: {  	s9 =	sadd.s32 $0xFFFFFEF7, lr;
	s5 =	simm.s32 $0xFFFFFFFF;
	p2 =	slt.u32 s8, $0xFFFFF086  }
0x1c: {  	p1 =	slt.u32 s9, $0xF7A;
	s5 =	simm.s32 @!p2 $0x0  }
0x1d: {  	s5 =	simm.s32 @p1 $0x1;
	p0 =	seq.s32 s7, s2  }
0x1e: {  	s7 =	smul.u32 @!p0 $0xF7A, s2;
	p2 =	seq.s32 @!p0 s5, $0x0  }
0x1f: {  	s9 =	smul.u32 $0xF7A, s1;
	s8 =	simm.s32 @!p0 $0x1BF5;
	p2 =	por !p2, p0  }
0x20: {  	[sflag:s8] =	ssyncset.s32 @!p0 $0xFFFFF086;
	s6 =	sadd.s32 @!p0 s3, s7;
	s7 =	simm.s32 @!p0 $0x108  }
0x21: {  	s3 =	sadd.s32 s3, s9;
	s6 =	sadd.s32 @!p0 $0x88, s6;
	s7 =	simm.s32 @p2 $0x1082  }
0x22: {  	[simem:s7], [sflag:s8] =	dma.local @!p0 [hbm:s6], $0xF7A  }
0x23: {  	s9 =	sor.u32 $0xD0000000, s2;
	s6 =	simm.s32 $0x108;
	_ =	swait.ge @!p0 [sflag:s8], $0x0  }
0x24: {  	s3 =	sadd.s32 $0x88, s3;
	s6 =	simm.s32 @!p1 $0x1082;
	[sflag:s4] =	ssyncset.s32 $0xFFFFF086  }
0x25: {  	[simem:s6], [sflag:s4] =	dma.local [hbm:s3], $0xF7A  }
0x26: {  	[smem:$0x3F69] =	sst s1;
	(tag) =	ssettag s2;
	_ =	strace s9  }
0x27: {  	s1 =	sld [smem:$0x3F79]  }
0x28: {  	s2 =	sld [smem:$0x3F7A]  }
0x29: {  	s4 =	sld [smem:$0x3F7C]  }
0x2a: {  	p0 =	seq.s32 s5, $0x0;
	s5 =	sld [smem:$0x3F7D]  }
0x2b: {  	s6 =	sld [smem:$0x3F7E]  }
0x2c: {  	s7 =	sld [smem:$0x3F7F]  }
0x2d: {  	s3 =	simm.s32 $0x108;
	s8 =	sld [smem:$0x3F80]  }
0x2e: {  	s3 =	simm.s32 @!p0 $0x1082;
	s9 =	sld [smem:$0x3F81]  }
0x2f: {  	lr =	sadd.s32 s0, s3;
	s0 =	sld [smem:$0x3F78]  }
0x30: {  	s3 =	sld [smem:$0x3F7B]  }
0x31: {  	[smem:$0x3F84] =	sst s10  }
0x32: {  	s10 =	sld [smem:$0x3F82];
	_ =	sdelay $0x3  }
0x33: {  	p0 =	seq.s32 s10, $0x1;
	s10 =	sld [smem:$0x3F84];
	_ =	sdelay $0x3  }
0x34: {  	[smem:$0x3F84] =	sst s10  }
0x35: {  	s10 =	sld [smem:$0x3F83];
	_ =	sdelay $0x3  }
0x36: {  	p1 =	seq.s32 s10, $0x1;
	s10 =	sld [smem:$0x3F84];
	_ =	sdelay $0x3  }
0x37: {  	[smem:$0x3F84] =	sst s10  }
0x38: {  	s10 =	sld [smem:$0x3F85]  }
0x39: {  	_ = 	snop;
	(pc) =	sbr.ind lr, $3  }
0x3a: {  	_ = 	snop  }
0x3b: {  	_ = 	snop  }
0x3c: {  	p2 =	seq.s32 s10, $0x1;
	s10 =	sld [smem:$0x3F84]  }
0x3d: {  	_ =	shalt  }
0x3e: {  	_ =	shalt  }
0x3f: {  	_ =	shalt  }
0x40: {  	_ =	shalt  }
0x41: {  	_ =	shalt  }
0x42: {  	_ =	shalt  }
0x43: {  	_ =	shalt  }
0x44: {  	_ =	shalt  }
0x45: {  	_ =	shalt  }
0x46: {  	_ =	shalt  }
0x47: {  	_ =	shalt  }
0x48: {  	_ =	shalt  }
0x49: {  	_ =	shalt  }
0x4a: {  	_ =	shalt  }
0x4b: {  	_ =	shalt  }
0x4c: {  	_ =	shalt  }
0x4d: {  	_ =	shalt  }
0x4e: {  	_ =	shalt  }
0x4f: {  	_ =	shalt  }
0x50: {  	_ =	shalt  }
0x51: {  	_ =	shalt  }
0x52: {  	_ =	shalt  }
0x53: {  	_ =	shalt  }
0x54: {  	_ =	shalt  }
0x55: {  	_ =	shalt  }
0x56: {  	_ =	shalt  }
0x57: {  	_ =	shalt  }
0x58: {  	_ =	shalt  }
0x59: {  	_ =	shalt  }
0x5a: {  	_ =	shalt  }
0x5b: {  	_ =	shalt  }
0x5c: {  	_ =	shalt  }
0x5d: {  	_ =	shalt  }
0x5e: {  	_ =	shalt  }
0x5f: {  	_ =	shalt  }
0x60: {  	_ =	shalt  }
0x61: {  	_ =	shalt  }
0x62: {  	_ =	shalt  }
0x63: {  	_ =	shalt  }
0x64: {  	_ =	shalt  }
0x65: {  	_ =	shalt  }
0x66: {  	_ =	shalt  }
0x67: {  	_ =	shalt  }
0x68: {  	_ =	shalt  }
0x69: {  	_ =	shalt  }
0x6a: {  	_ =	shalt  }
0x6b: {  	_ =	shalt  }
0x6c: {  	_ =	shalt  }
0x6d: {  	_ =	shalt  }
0x6e: {  	_ =	shalt  }
0x6f: {  	_ =	shalt  }
0x70: {  	_ =	shalt  }
0x71: {  	_ =	shalt  }
0x72: {  	_ =	shalt  }
0x73: {  	_ =	shalt  }
0x74: {  	_ =	shalt  }
0x75: {  	_ =	shalt  }
0x76: {  	_ =	shalt  }
0x77: {  	_ =	shalt  }
0x78: {  	_ =	shalt  }
0x79: {  	_ =	shalt  }
0x7a: {  	_ =	shalt  }
0x7b: {  	_ =	shalt  }
0x7c: {  	_ =	shalt  }
0x7d: {  	_ =	shalt  }
0x7e: {  	_ =	shalt  }
0x7f: {  	_ =	shalt  }
0x80: {  	_ =	shalt  }
0x81: {  	_ =	shalt  }
0x82: {  	_ =	shalt  }
0x83: {  	_ =	shalt  }
0x84: {  	_ =	shalt  }
0x85: {  	_ =	shalt  }
0x86: {  	_ =	shalt  }
0x87: {  	_ =	shalt  }
.Lfunc_end0:
.L_simem_size_0:
called_computation.2_lowered:
.L_overlay_start_0:
0x88: {  	s2 =	sld [smem:$0x3FD9]  }
0x89: {  	s3 =	sld [smem:$0x3FFE];
	_ =	sdelay $0x1  }
0x8a: {  	s1 =	srdreg.scid  }
0x8b: {  	s0 =	sand.u32 $0x1, s1  }
0x8c: {  	s16 =	sshll.u32 s0, $0xA;
	s2 =	sadd.s32 s3, s2  }
0x8d: {  	s2 =	sadd.s32 s2, s16  }
0x8e: {  	[smem:$0x3F90] =	sst s2  }
0x8f: {  	_ = 	snop  }
0x90: {  	(tm) =	ssettm $0x1  }
0x91: {  	s17 =	sld [smem:$0x3FFB];
	_ =	sdelay $0x3  }
0x92: {  	_ =	strace s17  }
0x93: {  	s2 =	sld [smem:$0x3FFC];
	_ =	sdelay $0x3  }
0x94: {  	_ =	strace s2  }
0x95: {  	s2 =	sld [smem:$0x3FFD];
	_ =	sdelay $0x3  }
0x96: {  	_ =	strace s2  }
0x97: {  	_ =	strace $0x8FFFFFFF  }
0x98: {  	s18 =	sld [smem:$0x3FDB];
	_ =	sdelay $0x1  }
0x99: {  	s19 =	simm.s32 $_scs_section_size  }
0x9a: {  	s4 =	simm.s32 $_size__tile_overlayer_lowered;
	s5 =	simm.s32 $_tile_overlayer_lowered  }
0x9b: {  	s22 =	simm.s32 $0x1BFF;
	s21 =	sshll.u32 s5, $0x1;
	s2 =	sadd.s32 s19, s18  }
0x9c: {  	s6 =	simm.s32 $0x0;
	s20 =	sshll.u32 s4, $0x1;
	s4 =	sadd.s32 s21, s2  }
0x9d: {  	[timem:s6], [sflag:s22] =	dma.local [hbm:s4], s20  }
0x9e: {  	_ =	swait.ge [sflag:s22], s20  }
0x9f: {  	s3 =	ssub.s32 $0x0, s20;
	[sflag:s22] =	ssyncset.done $0x0  }
0xa0: {  	[sflag:s22] =	ssyncadd.s32 s3;
	_ =	sdelay $0x1  }
0xa1: {  	s23 =	simm.s32 $0x1B8B  }
0xa2: {  	_ =	swait.ge [sflag:s23], $0x1  }
0xa3: {  	[sflag:s23] =	ssyncset.done $0x0  }
0xa4: {  	s25 =	simm.s32 $0x1B8E;
	s24 =	sld [smem:$0x3FFE];
	[sflag:s23] =	ssyncadd.s32 $0xFFFFFFFF  }
0xa5: {  	s26 =	simm.s32 $execute0_lowered;
	[smem:$0x3FD2] =	sst s25  }
0xa6: {  	s4 =	sshll.u32 s26, $0x1;
	_ =	strace $0x8000004C;
	[dreg:$0x1] =	wrdreg $0xFFFFFFFF  }
0xa7: {  	s28 =	simm.s32 $_size_execute0_lowered;
	s2 =	sadd.s32 s2, s4;
	[dreg:$0x0] =	wrdreg $0x0  }
0xa8: {  	s4 =	sshll.u32 s28, $0x1;
	[dreg:$0x2] =	wrdreg s2  }
0xa9: {  	[dreg:$0x3] =	wrdreg s4  }
0xaa: {  	[dreg:$0x4] =	wrdreg $0xC0  }
0xab: {  	_ =	task [dreg:s6], $0x5FFFF  }
0xac: {  	[dreg:$0x1] =	wrdreg $0xFFFFFFFF  }
0xad: {  	[dreg:$0x0] =	wrdreg $0x60  }
0xae: {  	[dreg:$0x2] =	wrdreg s24  }
0xaf: {  	[dreg:$0x3] =	wrdreg $0xB9000  }
0xb0: {  	[dreg:$0x4] =	wrdreg $0x9  }
0xb1: {  	_ =	task.clear_ibuf [dreg:s6], $0x5FFFF;
	_ =	strace $0x9000004C  }
0xb2: {  	s29 =	simm.s32 $0x9;
	_ =	strace $0x8000004E  }
0xb3: {  	_ =	swait.ge [sflag:s29], $0x1  }
0xb4: {  	[sflag:s29] =	ssyncadd.s32 $0xFFFFFFFF  }
0xb5: {  	_ =	strace $0x9000004E  }
0xb6: {  	_ =	sfence  }
0xb7: {  	s30 =	sld [smem:$0x0];
	_ =	sdelay $0x2  }
0xb8: {  	s31 =	sshll.u32 s1, $0xD;
	s1 =	sshrl.u32 s1, $0x2  }
0xb9: {  	s3 =	sand.u32 $0x4000, s31;
	s1 =	sadd.s32 s1, s30  }
0xba: {  	s0 =	sor.u32 s3, s0;
	s1 =	sshll.u32 s1, $0x11  }
0xbb: {  	s0 =	sor.u32 s1, s0  }
0xbc: {  	s0 =	sadd.s32 $0x8F2B, s0  }
0xbd: {  	[sflag:s0] =	ssyncadd.remote.s32 $0x1  }
0xbe: {  	_ =	sfence.sel $0xFFFF  }
0xbf: {  	[dreg:$0x0] =	wrdreg $0xFFFFFFFF;
	(pc) =	sbr.abs _section_cstart, $3  }
0xc0: {  	[dreg:$0x1] =	wrdreg $0xFFFFFFFF  }
0xc1: {  	_ =	task.clear_ibuf [dreg:s6], $0x2FFFF;
	_ =	strace $0x9FFFFFFF  }
0xc2: {  	(tm) =	ssettm $0x7FFFFFFF  }
0xc3: {  	_ =	shalt  }
tec
execute0_lowered:
.L_overlay_start_1:
0x0: {  	(tag) =	ssettag $0x1  }
0x1: {  	s7 =	rddreg [dreg:$0x0]  }
0x2: {  	s1 =	rddreg [dreg:$0x1]  }
0x3: {  	s0 =	rddreg [dreg:$0x2];
	s2 =	simm.s32 $0x0  }
0x4: {  	s4 =	srdreg.scid;
	s17 =	stileid.u32;
	s19 =	simm.s32 $0x80  }
0x5: {  	s20 =	simm.s32 $0x100;
	s21 =	simm.s32 $0x50;
	s22 =	simm.s32 $0x2900  }
0x6: {  	s23 =	simm.s32 $0x1;
	s24 =	simm.s32 $0x0;
	[smem:$0x7FF] =	sst s2  }
0x7: {  	s10 =	sand.u32 $0x1, s4;
	s4 =	sadd.s32 $0xEE5A00, s7;
	s9 =	smul.u32 $0x4E000, s17  }
0x8: {  	s3 =	sadd.s32 $0x2BE00, s7;
	s5 =	sadd.s32 $0x4F0A00, s7;
	s12 =	smul.u32 $0x13800, s17  }
0x9: {  	s6 =	sadd.s32 $0x4E6C00, s7;
	s14 =	sadd.s32 $0x53000, s7;
	p0 =	sne.s32 s17, $0x0  }
0xa: {  	_ =	strace $0x8000004D;
	s8 =	ssub.s32 $0x2, s10;
	s15 =	smul.u32 $0x138800, s10  }
0xb: {  	s31 =	sshll.u32 s10, $0x4;
	s10 =	sadd.s32 $0x138000, s1;
	s11 =	sshrl.u32 s8, $0x1  }
0xc: {  	s30 =	sshrl.u32 s9, $0x2;
	s13 =	sadd.s32 $0x6800, s12;
	s18 =	sadd.s32 $0xD000, s12  }
0xd: {  	s16 =	ssub.s32 s8, s11;
	s7 =	sadd.s32 s30, s1;
	s8 =	sadd.s32 s13, s1  }
0xe: {  	s9 =	sadd.s32 s18, s1;
	s12 =	sadd.s32 s12, s15;
	s11 =	sor.u32 s17, s31  }
0xf: {  	s13 =	sadd.s32 s15, s13;
	s18 =	sadd.s32 s15, s18;
	s15 =	sshrl.u32 s15, $0x3  }
0x10: {  	s17 =	simm.s32 $0x5100;
	s12 =	sshrl.u32 s12, $0x3;
	s11 =	smul.u32 $0x2710, s11  }
0x11: {  	s13 =	sshrl.u32 s13, $0x3;
	s18 =	sshrl.u32 s18, $0x3;
	s15 =	sadd.s32 s14, s15  }
0x12: {  	s16 =	smax.u32 s16, $0x1;
	s12 =	sadd.s32 s14, s12;
	s13 =	sadd.s32 s14, s13  }
0x13: {  	v0 =	vimm.f32 $0.0e+00;
	s14 =	sadd.s32 s14, s18;
	s15 =	sadd.s32 $0x27000, s15;
	s18 =	simm.s32 $0x2  }
.LBB2_1:
0x14: {  	s25 =	simm.s32 $0x0;
	s26 =	simm.s32 $0x200  }
.LBB2_2:
0x15: {  	p1 =	sne.s32 s26, $0x19E00;
	[tilespmem:s25+$0x5170] =	vst v0  }
0x16: {  	[tilespmem:s25+$0x5100] =	vst v0  }
0x17: {  	[tilespmem:s25+$0x5110] =	vst v0  }
.Ltmp0:
0x18: {  	[tilespmem:s25+$0x5120] =	vst v0;
	(pc) =	sbr.rel @p1 .LBB2_2-.Ltmp0, $4  }
0x19: {  	[tilespmem:s25+$0x5130] =	vst v0  }
0x1a: {  	[tilespmem:s25+$0x5140] =	vst v0  }
0x1b: {  	[tilespmem:s25+$0x5150] =	vst v0  }
0x1c: {  	[tilespmem:s25+$0x5160] =	vst v0;
	s25 =	sshra.s32 s26, $0x2;
	s26 =	sadd.s32 $0x200, s26  }
0x1d: {  	[tilespmem:s25+$0x5170] =	vst v0  }
0x1e: {  	[tilespmem:s25+$0x5100] =	vst v0  }
0x1f: {  	[tilespmem:s25+$0x5110] =	vst v0  }
0x20: {  	[tilespmem:s25+$0x5120] =	vst v0  }
0x21: {  	[tilespmem:s25+$0x5130] =	vst v0  }
0x22: {  	[tilespmem:s25+$0x5140] =	vst v0  }
0x23: {  	[tilespmem:s25+$0x5150] =	vst v0  }
0x24: {  	[tilespmem:s25+$0x5160] =	vst v0  }
0x25: {  	[spmem:s7] =	stream.linear.scatter [tilespmem:s17], [sflag:$0x2], $0x6800, $0x38;
	[tilespmem:$0x1F180] =	vst v63  }
0x26: {  	_ =	swait.ge [sflag:s18], $0x6800  }
0x27: {  	[sflag:s18] =	ssyncset.done $0x0  }
0x28: {  	[sflag:s18] =	ssyncadd.s32 $0xFFFF9800  }
0x29: {  	[spmem:s8] =	stream.linear.scatter [tilespmem:s17], [sflag:$0x2], $0x6800, $0x38;
	[tilespmem:$0x1F180] =	vst v63  }
0x2a: {  	_ =	swait.ge [sflag:s18], $0x6800  }
0x2b: {  	[sflag:s18] =	ssyncset.done $0x0  }
0x2c: {  	[sflag:s18] =	ssyncadd.s32 $0xFFFF9800  }
0x2d: {  	[spmem:s9] =	stream.linear.scatter [tilespmem:s17], [sflag:$0x2], $0x6800, $0x38;
	[tilespmem:$0x1F180] =	vst v63  }
0x2e: {  	_ =	swait.ge [sflag:s18], $0x6800  }
0x2f: {  	[sflag:s18] =	ssyncset.done $0x0  }
0x30: {  	s25 =	simm.s32 @!p0 $0x5100;
	[sflag:s18] =	ssyncadd.s32 $0xFFFF9800  }
0x31: {  	[spmem:s10] =	stream.linear.scatter @!p0 [tilespmem:s25], [sflag:$0x2], $0x800, $0x38;
	[tilespmem:$0x1F180] =	vst v63  }
0x32: {  	s25 =	simm.s32 @!p0 $0x2  }
0x33: {  	_ =	swait.ge @!p0 [sflag:s25], $0x800  }
0x34: {  	[sflag:s25] =	ssyncset.done @!p0 $0x0  }
0x35: {  	[sflag:s25] =	ssyncadd.s32 @!p0 $0xFFFFF800  }
0x36: {  	s26 =	simm.s32 $0x0;
	s25 =	simm.s32 $0x0;
	[bflag:$0x0] =	sbarrier.arrive $0xFFFF  }
.LBB2_4:
0x37: {  	s28 =	smul.u32 $0x50, s26;
	_ =	sdelay $0x1  }
0x38: {  	s28 =	sadd.s32 s11, s28  }
0x39: {  	s29 =	sshrl.u32 s28, $0x3  }
0x3a: {  	s30 =	sadd.s32 s5, s29  }
0x3b: {  	[tilespmem:s25], [sflag:$0x2] =	stream.linear.gather [hbm4b:s30+s25], $0x50, $0x38;
	[tilespmem:$0x1F180] =	vst v63  }
0x3c: {  	_ =	swait.ge [sflag:s18], $0x50  }
0x3d: {  	[sflag:s18] =	ssyncset.done $0x0  }
0x3e: {  	s29 =	sadd.s32 s6, s29;
	[sflag:s18] =	ssyncadd.s32 $0xFFFFFFB0  }
0x3f: {  	[tilespmem:s19], [sflag:$0x2] =	stream.linear.gather [hbm4b:s29+s25], $0x50, $0x38;
	[tilespmem:$0x1F180] =	vst v63  }
0x40: {  	_ =	swait.ge [sflag:s18], $0x50  }
0x41: {  	s28 =	sshll.u32 s28, $0x4;
	[sflag:s18] =	ssyncset.done $0x0  }
0x42: {  	s28 =	sadd.s32 s4, s28;
	[sflag:s18] =	ssyncadd.s32 $0xFFFFFFB0  }
0x43: {  	[tilespmem:s20], [sflag:$0x2] =	stream.linear.gather [hbm4b:s28+s25], $0x2800, $0x38;
	[tilespmem:$0x1F180] =	vst v63  }
0x44: {  	_ =	swait.ge [sflag:s18], $0x2800  }
0x45: {  	[sflag:s18] =	ssyncset.done $0x0  }
0x46: {  	[sflag:s18] =	ssyncadd.s32 $0xFFFFD800  }
0x47: {  	[tilespmem:s22], [sflag:$0x1] =	stream.indirect.gather [hbm4b:s3+s21], $0x80, s25, s21, $0xb8;
	[tilespmem:$0x1F180] =	vst v63  }
0x48: {  	_ =	swait.ge [sflag:s23], $0x2800  }
0x49: {  	[sflag:s23] =	ssyncset.done $0x0  }
0x4a: {  	s28 =	simm.s32 $0x0;
	[sflag:s23] =	ssyncadd.s32 $0xFFFFD800  }
0x4b: {  	v7 =	vld [tilespmem:s28+$0x100]  }
0x4c: {  	v12 =	vld [tilespmem:s28+$0x110]  }
0x4d: {  	v6 =	vld [tilespmem:s28+$0x120]  }
0x4e: {  	v5 =	vld [tilespmem:s28+$0x130]  }
0x4f: {  	v4 =	vld [tilespmem:s28+$0x140]  }
0x50: {  	v3 =	vld [tilespmem:s28+$0x150]  }
0x51: {  	v2 =	vld [tilespmem:s28+$0x160]  }
0x52: {  	v1 =	vld [tilespmem:s28+$0x170]  }
0x53: {  	v13 =	vld [tilespmem:s28+$0x2900]  }
0x54: {  	v14 =	vld [tilespmem:s28+$0x2910]  }
0x55: {  	v11 =	vld [tilespmem:s28+$0x2920]  }
0x56: {  	v10 =	vld [tilespmem:s28+$0x2930]  }
0x57: {  	v9 =	vld [tilespmem:s28+$0x2940]  }
0x58: {  	v8 =	vld [tilespmem:s28+$0x2950];
	v13 =	vadd.f32 v7, v13  }
0x59: {  	s29 =	simm.s32 $0x200;
	v12 =	vadd.f32 v12, v14;
	v7 =	vld [tilespmem:s28+$0x2960]  }
.LBB2_5:
0x5a: {  	s30 =	sshra.s32 s29, $0x2;
	p1 =	sne.s32 s29, $0x9E00;
	v13 =	vmax.f32 v13, $0.0e+00;
	v6 =	vadd.f32 v6, v11;
	v11 =	vld [tilespmem:s28+$0x2970]  }
0x5b: {  	v14 =	vld [tilespmem:s30+$0x100];
	[tilespmem:s28+$0x2900] =	vst v13;
	v12 =	vmax.f32 v12, $0.0e+00;
	v5 =	vadd.f32 v5, v10  }
0x5c: {  	v15 =	vld [tilespmem:s30+$0x110];
	[tilespmem:s28+$0x2910] =	vst v12;
	v10 =	vmax.f32 v6, $0.0e+00;
	v4 =	vadd.f32 v4, v9  }
0x5d: {  	v6 =	vld [tilespmem:s30+$0x120];
	[tilespmem:s28+$0x2920] =	vst v10;
	v9 =	vmax.f32 v5, $0.0e+00;
	v3 =	vadd.f32 v3, v8  }
0x5e: {  	v5 =	vld [tilespmem:s30+$0x130];
	[tilespmem:s28+$0x2930] =	vst v9;
	v8 =	vmax.f32 v4, $0.0e+00;
	v2 =	vadd.f32 v2, v7  }
0x5f: {  	v4 =	vld [tilespmem:s30+$0x140];
	[tilespmem:s28+$0x2940] =	vst v8;
	v7 =	vmax.f32 v3, $0.0e+00;
	v1 =	vadd.f32 v1, v11  }
0x60: {  	v3 =	vld [tilespmem:s30+$0x150];
	[tilespmem:s28+$0x2950] =	vst v7;
	v7 =	vmax.f32 v2, $0.0e+00  }
0x61: {  	v2 =	vld [tilespmem:s30+$0x160];
	[tilespmem:s28+$0x2960] =	vst v7;
	v7 =	vmax.f32 v1, $0.0e+00  }
0x62: {  	v1 =	vld [tilespmem:s30+$0x170];
	[tilespmem:s28+$0x2970] =	vst v7;
	s28 =	smov.u32 s30  }
0x63: {  	v7 =	vld [tilespmem:s28+$0x2900]  }
0x64: {  	v12 =	vld [tilespmem:s28+$0x2910]  }
.Ltmp1:
0x65: {  	v11 =	vld [tilespmem:s28+$0x2920];
	(pc) =	sbr.rel @p1 .LBB2_5-.Ltmp1, $4  }
0x66: {  	v10 =	vld [tilespmem:s28+$0x2930]  }
0x67: {  	v9 =	vld [tilespmem:s28+$0x2940]  }
0x68: {  	v13 =	vadd.f32 v14, v7;
	v8 =	vld [tilespmem:s28+$0x2950]  }
0x69: {  	s29 =	sadd.s32 $0x200, s29;
	v12 =	vadd.f32 v15, v12;
	v7 =	vld [tilespmem:s28+$0x2960]  }
0x6a: {  	v13 =	vmax.f32 v13, $0.0e+00;
	v6 =	vadd.f32 v6, v11;
	v63 =	vld [tilespmem:s28+$0x2970]  }
0x6b: {  	[tilespmem:s28+$0x2900] =	vst v13;
	v12 =	vmax.f32 v12, $0.0e+00;
	v5 =	vadd.f32 v5, v10  }
0x6c: {  	[tilespmem:s28+$0x2910] =	vst v12;
	v6 =	vmax.f32 v6, $0.0e+00;
	v4 =	vadd.f32 v4, v9  }
0x6d: {  	[tilespmem:s28+$0x2920] =	vst v6;
	v5 =	vmax.f32 v5, $0.0e+00;
	v3 =	vadd.f32 v3, v8  }
0x6e: {  	[tilespmem:s28+$0x2930] =	vst v5;
	v4 =	vmax.f32 v4, $0.0e+00;
	v2 =	vadd.f32 v2, v7  }
0x6f: {  	[tilespmem:s28+$0x2940] =	vst v4;
	v3 =	vmax.f32 v3, $0.0e+00;
	v1 =	vadd.f32 v1, v63  }
0x70: {  	s26 =	sadd.s32 $0x1, s26;
	[tilespmem:s28+$0x2950] =	vst v3;
	v2 =	vmax.f32 v2, $0.0e+00  }
0x71: {  	p1 =	sne.s32 s26, $0x7D;
	[tilespmem:s28+$0x2960] =	vst v2;
	v1 =	vmax.f32 v1, $0.0e+00  }
.Ltmp2:
0x72: {  	[tilespmem:s28+$0x2970] =	vst v1;
	(pc) =	sbr.rel @p1 .LBB2_4-.Ltmp2, $4  }
0x73: {  	[spmem:s1] =	stream.indirect.scatter.add.f32 [tilespmem:s22], [sflag:$0x2], $0x80, s19, s21, $0xb8;
	[tilespmem:$0x1F180] =	vst v63  }
0x74: {  	_ =	swait.ge [sflag:s18], $0x2800  }
0x75: {  	[sflag:s18] =	ssyncset.done $0x0  }
0x76: {  	[sflag:s18] =	ssyncadd.s32 $0xFFFFD800  }
0x77: {  	[bflag:$0x0] =	sbarrier.arrive $0xFFFF  }
0x78: {  	[tilespmem:s17], [sflag:$0x2] =	stream.linear.gather [spmem:s7], $0x6800, $0x38;
	[tilespmem:$0x1F180] =	vst v63  }
0x79: {  	_ =	swait.ge [sflag:s18], $0x6800  }
0x7a: {  	[sflag:s18] =	ssyncset.done $0x0  }
0x7b: {  	[sflag:s18] =	ssyncadd.s32 $0xFFFF9800  }
0x7c: {  	[hbm4b:s12+s2] =	stream.linear.scatter [tilespmem:s17], [sflag:$0x2], $0x6800, $0x38;
	[tilespmem:$0x1F180] =	vst v63  }
0x7d: {  	_ =	swait.ge [sflag:s18], $0x6800  }
0x7e: {  	[sflag:s18] =	ssyncset.done $0x0  }
0x7f: {  	[sflag:s18] =	ssyncadd.s32 $0xFFFF9800  }
0x80: {  	[tilespmem:s17], [sflag:$0x2] =	stream.linear.gather [spmem:s8], $0x6800, $0x38;
	[tilespmem:$0x1F180] =	vst v63  }
0x81: {  	_ =	swait.ge [sflag:s18], $0x6800  }
0x82: {  	[sflag:s18] =	ssyncset.done $0x0  }
0x83: {  	[sflag:s18] =	ssyncadd.s32 $0xFFFF9800  }
0x84: {  	[hbm4b:s13+s2] =	stream.linear.scatter [tilespmem:s17], [sflag:$0x2], $0x6800, $0x38;
	[tilespmem:$0x1F180] =	vst v63  }
0x85: {  	_ =	swait.ge [sflag:s18], $0x6800  }
0x86: {  	[sflag:s18] =	ssyncset.done $0x0  }
0x87: {  	[sflag:s18] =	ssyncadd.s32 $0xFFFF9800  }
0x88: {  	[tilespmem:s17], [sflag:$0x2] =	stream.linear.gather [spmem:s9], $0x6800, $0x38;
	[tilespmem:$0x1F180] =	vst v63  }
0x89: {  	_ =	swait.ge [sflag:s18], $0x6800  }
0x8a: {  	[sflag:s18] =	ssyncset.done $0x0  }
0x8b: {  	[sflag:s18] =	ssyncadd.s32 $0xFFFF9800  }
0x8c: {  	[hbm4b:s14+s2] =	stream.linear.scatter [tilespmem:s17], [sflag:$0x2], $0x6800, $0x38;
	[tilespmem:$0x1F180] =	vst v63  }
0x8d: {  	_ =	swait.ge [sflag:s18], $0x6800  }
0x8e: {  	[sflag:s18] =	ssyncset.done $0x0  }
0x8f: {  	s25 =	simm.s32 @!p0 $0x5100;
	s26 =	simm.s32 @!p0 $0x2;
	[sflag:s18] =	ssyncadd.s32 $0xFFFF9800  }
0x90: {  	[tilespmem:s25], [sflag:$0x2] =	stream.linear.gather @!p0 [spmem:s10], $0x800, $0x38;
	[tilespmem:$0x1F180] =	vst v63  }
0x91: {  	s24 =	sadd.s32 $0x1, s24;
	_ =	swait.ge @!p0 [sflag:s26], $0x800  }
0x92: {  	p1 =	sne.s32 s24, s16;
	[sflag:s26] =	ssyncset.done @!p0 $0x0  }
.Ltmp3:
0x93: {  	s28 =	simm.s32 @!p0 $0x0;
	[sflag:s26] =	ssyncadd.s32 @!p0 $0xFFFFF800;
	(pc) =	sbr.rel @p1 .LBB2_1-.Ltmp3, $4  }
0x94: {  	[hbm4b:s15+s28] =	stream.linear.scatter @!p0 [tilespmem:s25], [sflag:$0x2], $0x800, $0x38;
	[tilespmem:$0x1F180] =	vst v63  }
0x95: {  	_ =	swait.ge @!p0 [sflag:s26], $0x800  }
0x96: {  	[sflag:s26] =	ssyncset.done @!p0 $0x0  }
0x97: {  	[sflag:s26] =	ssyncadd.s32 @!p0 $0xFFFFF800  }
0x98: {  	_ =	sfence.sel $0x180000  }
0x99: {  	[bflag:$0x0] =	sbarrier.arrive $0xFFFF  }
0x9a: {  	_ =	strace $0x9000004D  }
0x9b: {  	s0 =	sadd.s32 @!p0 $0x100000, s0;
	[bflag:$0x2] =	sbarrier.arrive $0xFFFF  }
0x9c: {  	[sflag:s0] =	ssyncadd.tile.s32 @!p0 $0x1;
	_ =	shalt  }
.Lfunc_end2:
_tile_overlayer_lowered:
.L_overlay_start_2:
0x9d: {  	(tag) =	ssettag $0x2  }
0x9e: {  	s0 =	rddreg [dreg:$0x0];
	s2 =	stileid.u32  }
0x9f: {  	s1 =	rddreg [dreg:$0x1];
	p0 =	sne.s32 s2, $0x0  }
0xa0: {  	s3 =	rddreg [dreg:$0x2];
	[bflag:$0x3] =	sbarrier.arrive $0xFFFF;
	s2 =	simm.s32 @!p0 $0x1C02  }
0xa1: {  	[timem:s3], [sflag:s2] =	dma.local @!p0 [hbm:s0], s1  }
0xa2: {  	s0 =	simm.s32 @!p0 $0x2  }
0xa3: {  	_ =	swait.ge @!p0 [sflag:s0], s1  }
0xa4: {  	s1 =	ssub.s32 @!p0 $0x0, s1;
	[sflag:s0] =	ssyncset.done @!p0 $0x0  }
0xa5: {  	[sflag:s0] =	ssyncadd.s32 @!p0 s1  }
0xa6: {  	[bflag:$0x3] =	sbarrier.arrive $0xFFFF  }
0xa7: {  	_ =	shalt  }

</sc_bundles>
